<compile_context>
chip_gen: v7x
topology: tpu7x:2x2x1
jax: 0.10.2.dev20260603
libtpu: 0.0.44.dev20260713+nightly
codegen_flags: <defaults>
</compile_context>

<pallas_src>
import functools

import jax
import jax.numpy as jnp
from jax import lax
from jax.experimental import pallas as pl
from jax.experimental.pallas import tpu as pltpu
from jax.experimental.pallas import tpu_sc as plsc

NN = 10000
EE = 320000
DD = 128
HH = 64
OO = 32

NC = 2
NS = 16
NW = NC * NS
EPT = EE // NW
NACC = 10112
RPT = NACC // NS


def _seg_sum_body(f, nb, CHUNK, with_cnt, y_hbm, ei_hbm, zrow_hbm, zc_hbm, *refs):
    if with_cnt:
        (acc_out, cnt_out, sidx_v, didx_v, rows_v, ones_v, y_sh, acc_sh,
         cnt_sh, gsem, ssem, csem, zsem) = refs
    else:
        (acc_out, sidx_v, didx_v, rows_v, y_sh, acc_sh, gsem, ssem, csem,
         zsem) = refs
        cnt_out = ones_v = cnt_sh = None
    KFULL = EPT // CHUNK
    TAIL = EPT - KFULL * CHUNK
    c = lax.axis_index("c")
    s = lax.axis_index("s")
    wid = s * NC + c

    ycp = pltpu.async_copy(y_hbm.at[pl.ds(s * (NN // NS), NN // NS)],
                           y_sh.at[pl.ds(s * (NN // NS), NN // NS)], zsem)
    zcp = pltpu.async_copy(zrow_hbm, acc_sh.at[pl.ds(s * RPT, RPT)], zsem)
    if with_cnt:
        ccp = pltpu.async_copy(zc_hbm.at[pl.ds(s * RPT, RPT)],
                               cnt_sh.at[pl.ds(s * RPT, RPT)], zsem)
    pltpu.sync_copy(ei_hbm.at[0, pl.ds(wid * EPT, EPT)], sidx_v)
    pltpu.sync_copy(ei_hbm.at[1, pl.ds(wid * EPT, EPT)], didx_v)
    if with_cnt:
        for o in range(CHUNK // 16):
            ones_v[pl.ds(o * 16, 16)] = jnp.full((16,), 1.0, jnp.float32)
    ycp.wait()
    zcp.wait()
    if with_cnt:
        ccp.wait()
    plsc.subcore_barrier()

    def fire_gather(j, b):
        pltpu.async_copy(y_sh.at[sidx_v.at[pl.ds(j * CHUNK, CHUNK)]],
                         rows_v.at[b], gsem.at[b])

    def wait_gather(b):
        pltpu.make_async_copy(y_sh.at[pl.ds(0, CHUNK)], rows_v.at[b],
                              gsem.at[b]).wait()

    def fire_scatter(j, b):
        pltpu.async_copy(rows_v.at[b],
                         acc_sh.at[didx_v.at[pl.ds(j * CHUNK, CHUNK)]],
                         ssem.at[b], add=True)
        if with_cnt:
            pltpu.async_copy(ones_v,
                             cnt_sh.at[didx_v.at[pl.ds(j * CHUNK, CHUNK)]],
                             csem, add=True)

    def wait_scatter(b):
        pltpu.make_async_copy(rows_v.at[b], acc_sh.at[pl.ds(0, CHUNK)],
                              ssem.at[b]).wait()

    fire_gather(0, 0)
    fire_gather(1, 1)

    def outer_body(g, _):
        for b in range(nb):
            j = g * nb + b
            wait_gather(b)
            fire_scatter(j, b)
            bn = (b + 2) % nb

            @pl.when(j + 2 < KFULL)
            def _():
                @pl.when(j >= nb - 2)
                def _():
                    wait_scatter(bn)
                fire_gather(j + 2, bn)
        return 0
    lax.fori_loop(0, KFULL // nb, outer_body, 0)
    for b in range(nb):
        wait_scatter(b)

    if True:
        pltpu.async_copy(y_sh.at[sidx_v.at[pl.ds(KFULL * CHUNK, TAIL)]],
                         rows_v.at[0, pl.ds(0, TAIL)], gsem.at[0]).wait()
        pltpu.sync_copy(rows_v.at[0, pl.ds(0, TAIL)],
                        acc_sh.at[didx_v.at[pl.ds(KFULL * CHUNK, TAIL)]],
                        add=True)
        if with_cnt:
            pltpu.sync_copy(ones_v.at[pl.ds(0, TAIL)],
                            cnt_sh.at[didx_v.at[pl.ds(KFULL * CHUNK, TAIL)]],
                            add=True)

    if with_cnt:
        for _ in range(KFULL):
            pltpu.make_async_copy(ones_v, cnt_sh.at[pl.ds(0, CHUNK)],
                                  csem).wait()

    plsc.subcore_barrier()
    pltpu.sync_copy(acc_sh.at[pl.ds(s * RPT, RPT)],
                    acc_out.at[c, pl.ds(s * RPT, RPT)])
    if with_cnt:
        pltpu.sync_copy(cnt_sh.at[pl.ds(s * RPT, RPT)],
                        cnt_out.at[c, pl.ds(s * RPT, RPT)])


def _make_seg_sum(f, nb, CHUNK, with_cnt=False):
    mesh = plsc.VectorSubcoreMesh(core_axis_name="c", subcore_axis_name="s")
    out_type = [jax.ShapeDtypeStruct((NC, NACC, f), jnp.float32)]
    if with_cnt:
        out_type.append(jax.ShapeDtypeStruct((NC, NACC), jnp.float32))
    scratch = [
        pltpu.VMEM((EPT,), jnp.int32),
        pltpu.VMEM((EPT,), jnp.int32),
        pltpu.VMEM((nb, CHUNK, f), jnp.float32),
    ]
    if with_cnt:
        scratch.append(pltpu.VMEM((CHUNK,), jnp.float32))
    scratch += [
        pltpu.VMEM_SHARED((NN, f), jnp.float32),
        pltpu.VMEM_SHARED((NACC, f), jnp.float32),
    ]
    if with_cnt:
        scratch.append(pltpu.VMEM_SHARED((NACC,), jnp.float32))
    scratch += [
        pltpu.SemaphoreType.DMA((nb,)),
        pltpu.SemaphoreType.DMA((nb,)),
        pltpu.SemaphoreType.DMA,
        pltpu.SemaphoreType.DMA,
    ]
    return pl.kernel(
        functools.partial(_seg_sum_body, f, nb, CHUNK, with_cnt),
        out_type=out_type,
        mesh=mesh,
        scratch_types=scratch,
        compiler_params=pltpu.CompilerParams(
            needs_layout_passes=False, use_tc_tiling_on_sc=False),
    )


def _tc1_body(x_ref, wl_ref, wr_ref, b_ref, y_ref, xr_ref):
    x = x_ref[...]
    y_ref[...] = jnp.dot(x, wl_ref[...], preferred_element_type=jnp.float32)
    xr_ref[...] = (
        jnp.dot(x, wr_ref[...], preferred_element_type=jnp.float32)
        + b_ref[...][None, :]
    )


def _tc2_body(acc_ref, cnt_ref, xr_ref, wl_ref, wr_ref, b_ref,
              y2_ref, xr2_ref, inv_ref):
    cnt = cnt_ref[0] + cnt_ref[1]
    inv = 1.0 / jnp.clip(cnt, 1.0, None)
    inv_ref[...] = inv[:, None]
    agg = acc_ref[0, :NN, :] + acc_ref[1, :NN, :]
    h1 = jnp.maximum(agg * inv[:NN, None] + xr_ref[...], 0.0)
    y2_ref[...] = jnp.dot(h1, wl_ref[...], preferred_element_type=jnp.float32)
    xr2_ref[...] = (
        jnp.dot(h1, wr_ref[...], preferred_element_type=jnp.float32)
        + b_ref[...][None, :]
    )


def _tc3_body(acc_ref, inv_ref, xr_ref, wfc_ref, bfc_ref, cost_ref, h_ref):
    agg = acc_ref[0, :NN, :] + acc_ref[1, :NN, :]
    h2 = jnp.maximum(agg * inv_ref[:NN, :] + xr_ref[...], 0.0)
    h_ref[...] = h2
    cost_ref[...] = (
        jnp.dot(h2, wfc_ref[...], preferred_element_type=jnp.float32)
        + bfc_ref[...][None, :]
    )


def kernel(x, edge_index, W1l, W1r, b1, W2l, W2r, b2, Wfc, bfc):
    zrow = jnp.zeros((RPT, HH), jnp.float32)
    zc = jnp.zeros((NACC,), jnp.float32)
    zrow2 = jnp.zeros((RPT, OO), jnp.float32)

    y1, xr1 = pl.pallas_call(
        _tc1_body,
        out_shape=[jax.ShapeDtypeStruct((NN, HH), jnp.float32),
                   jax.ShapeDtypeStruct((NN, HH), jnp.float32)],
    )(x, W1l, W1r, b1)

    acc1, cnt = _make_seg_sum(HH, 3, 128, with_cnt=True)(
        y1, edge_index, zrow, zc)

    y2, xr2, inv = pl.pallas_call(
        _tc2_body,
        out_shape=[jax.ShapeDtypeStruct((NN, OO), jnp.float32),
                   jax.ShapeDtypeStruct((NN, OO), jnp.float32),
                   jax.ShapeDtypeStruct((NACC, 1), jnp.float32)],
    )(acc1, cnt, xr1, W2l, W2r, b2)

    acc2, = _make_seg_sum(OO, 3, 256)(y2, edge_index, zrow2, zc)

    cost, h = pl.pallas_call(
        _tc3_body,
        out_shape=[jax.ShapeDtypeStruct((NN, 1), jnp.float32),
                   jax.ShapeDtypeStruct((NN, OO), jnp.float32)],
    )(acc2, inv, xr2, Wfc, bfc)

    return cost, h

# --- scband reference (transcript-rebuilt; emitter-appended) ---
"""Pipeline reference for scband-net-gnn-49606872269112 (READ-ONLY COPY).

The authoritative reference and input builder live on the scoring server;
editing this copy changes nothing except your own understanding.
"""

import jax, jax.numpy as jnp
import numpy as np

N = 10000
E = 320000
D = 128
H = 64
O = 32


def setup_inputs(seed: int = 0) -> dict:
    key = jax.random.key(seed)
    ks = jax.random.split(key, 12)
    x = jax.random.normal(ks[0], (N, D), dtype=jnp.float32)
    edge_index = jax.random.randint(ks[1], (2, E), 0, N, dtype=jnp.int32)
    # SAGEConv layer 1 params (lin_l applied to aggregated neighbors, lin_r to root)
    W1l = jax.random.normal(ks[2], (D, H), dtype=jnp.float32) * 0.05
    W1r = jax.random.normal(ks[3], (D, H), dtype=jnp.float32) * 0.05
    b1 = jnp.zeros((H,), dtype=jnp.float32)
    # SAGEConv layer 2 params
    W2l = jax.random.normal(ks[4], (H, O), dtype=jnp.float32) * 0.05
    W2r = jax.random.normal(ks[5], (H, O), dtype=jnp.float32) * 0.05
    b2 = jnp.zeros((O,), dtype=jnp.float32)
    # final linear
    Wfc = jax.random.normal(ks[6], (O, 1), dtype=jnp.float32) * 0.05
    bfc = jnp.zeros((1,), dtype=jnp.float32)
    return {"x": x, "edge_index": edge_index, "W1l": W1l, "W1r": W1r, "b1": b1,
            "W2l": W2l, "W2r": W2r, "b2": b2, "Wfc": Wfc, "bfc": bfc}


def _sage_conv(x, edge_index, Wl, Wr, b):
    # PyG SAGEConv (mean aggregation): out = lin_l(mean_{j in N(i)} x_j) + lin_r(x_i)
    src = edge_index[0]
    dst = edge_index[1]
    msgs = jnp.take(x, src, axis=0)
    agg = jax.ops.segment_sum(msgs, dst, num_segments=x.shape[0])
    cnt = jax.ops.segment_sum(jnp.ones((src.shape[0],), dtype=x.dtype), dst,
                              num_segments=x.shape[0])
    mean = agg / jnp.clip(cnt, 1.0, None)[:, None]
    return mean @ Wl + x @ Wr + b


def reference(x, edge_index, W1l, W1r, b1, W2l, W2r, b2, Wfc, bfc):
    h = jax.nn.relu(_sage_conv(x, edge_index, W1l, W1r, b1))
    h = jax.nn.relu(_sage_conv(h, edge_index, W2l, W2r, b2))
    cost_pred = h @ Wfc + bfc
    return (cost_pred, h)

if __name__ == "__main__":
    import jax
    _d = setup_inputs()
    print(jax.jit(kernel)(*tuple(_d.values())))

</pallas_src>

<mosaic_0001>
#map = affine_map<(d0, d1) -> (0, 0)>
#map1 = affine_map<(d0, d1) -> (0)>
#map2 = affine_map<(d0, d1) -> (0, 0, 0)>
module attributes {stable_mosaic.version = 14 : i64} {
  func.func @_seg_sum_body(%arg0: i32, %arg1: i32, %arg2: memref<10000x64xf32, #tpu.memory_space<hbm>>, %arg3: memref<2x320000xi32, #tpu.memory_space<hbm>>, %arg4: memref<632x64xf32, #tpu.memory_space<hbm>>, %arg5: memref<10112xf32, #tpu.memory_space<hbm>>, %arg6: memref<2x10112x64xf32, #tpu.memory_space<hbm>>, %arg7: memref<2x10112xf32, #tpu.memory_space<hbm>>, %arg8: memref<10000xi32, #tpu.memory_space<vmem>>, %arg9: memref<10000xi32, #tpu.memory_space<vmem>>, %arg10: memref<3x128x64xf32, #tpu.memory_space<vmem>>, %arg11: memref<128xf32, #tpu.memory_space<vmem>>, %arg12: memref<10000x64xf32, #tpu.memory_space<vmem_shared>>, %arg13: memref<10112x64xf32, #tpu.memory_space<vmem_shared>>, %arg14: memref<10112xf32, #tpu.memory_space<vmem_shared>>, %arg15: memref<3x!tpu.dma_semaphore, #tpu.memory_space<semaphore_mem>>, %arg16: memref<3x!tpu.dma_semaphore, #tpu.memory_space<semaphore_mem>>, %arg17: memref<!tpu.dma_semaphore, #tpu.memory_space<semaphore_mem>>, %arg18: memref<!tpu.dma_semaphore, #tpu.memory_space<semaphore_mem>>) attributes {dimension_semantics = [#tpu.dimension_semantics<core_parallel>, #tpu.dimension_semantics<subcore_parallel>], iteration_bounds = array<i64: 2, 16>, scalar_prefetch = 0 : i64, scratch_operands = 11 : i64, tpu.core_type = #tpu.core_type<sc_vector_subcore>, window_params = [{transform_indices = #map}, {transform_indices = #map}, {transform_indices = #map}, {transform_indices = #map1}, {transform_indices = #map2}, {transform_indices = #map}]} {
    %mul3A = arith.constant 2 : i32
    %mul3A_0 = arith.muli %arg1, %mul3A : i32
    %add3A = arith.addi %mul3A_0, %arg0 : i32
    %mul3A_1 = arith.constant 625 : i32
    %mul3A_2 = arith.muli %arg1, %mul3A_1 : i32
    %mul3A_3 = arith.constant 625 : i32
    %mul3A_4 = arith.muli %arg1, %mul3A_3 : i32
    %dma_start3A = arith.constant 0 : i32
    %dma_start3A_5 = tpu.memref_slice %arg12[%mul3A_4, %dma_start3A] : memref<10000x64xf32, #tpu.memory_space<vmem_shared>> -> memref<625x64xf32, #tpu.memory_space<vmem_shared>>
    %dma_start3A_6 = arith.constant 0 : i32
    %dma_start3A_7 = tpu.memref_slice %arg2[%mul3A_2, %dma_start3A_6] : memref<10000x64xf32, #tpu.memory_space<hbm>> -> memref<625x64xf32, #tpu.memory_space<hbm>>
    tpu.enqueue_dma source(%dma_start3A_7 : memref<625x64xf32, #tpu.memory_space<hbm>>) target(%dma_start3A_5 : memref<625x64xf32, #tpu.memory_space<vmem_shared>>) target_semaphore(%arg18 : memref<!tpu.dma_semaphore, #tpu.memory_space<semaphore_mem>>)
    %mul3A_8 = arith.constant 632 : i32
    %mul3A_9 = arith.muli %arg1, %mul3A_8 : i32
    %dma_start3A_10 = arith.constant 0 : i32
    %dma_start3A_11 = tpu.memref_slice %arg13[%mul3A_9, %dma_start3A_10] : memref<10112x64xf32, #tpu.memory_space<vmem_shared>> -> memref<632x64xf32, #tpu.memory_space<vmem_shared>>
    tpu.enqueue_dma source(%arg4 : memref<632x64xf32, #tpu.memory_space<hbm>>) target(%dma_start3A_11 : memref<632x64xf32, #tpu.memory_space<vmem_shared>>) target_semaphore(%arg18 : memref<!tpu.dma_semaphore, #tpu.memory_space<semaphore_mem>>)
    %mul3A_12 = arith.constant 632 : i32
    %mul3A_13 = arith.muli %arg1, %mul3A_12 : i32
    %mul3A_14 = arith.constant 632 : i32
    %mul3A_15 = arith.muli %arg1, %mul3A_14 : i32
    %dma_start3A_16 = tpu.memref_slice %arg14[%mul3A_15] : memref<10112xf32, #tpu.memory_space<vmem_shared>> -> memref<632xf32, #tpu.memory_space<vmem_shared>>
    %dma_start3A_17 = tpu.memref_slice %arg5[%mul3A_13] : memref<10112xf32, #tpu.memory_space<hbm>> -> memref<632xf32, #tpu.memory_space<hbm>>
    tpu.enqueue_dma source(%dma_start3A_17 : memref<632xf32, #tpu.memory_space<hbm>>) target(%dma_start3A_16 : memref<632xf32, #tpu.memory_space<vmem_shared>>) target_semaphore(%arg18 : memref<!tpu.dma_semaphore, #tpu.memory_space<semaphore_mem>>)
    %mul3A_18 = arith.constant 10000 : i32
    %mul3A_19 = arith.muli %add3A, %mul3A_18 : i32
    %run_scoped3A = arith.constant 0 : i32
    "tpu.region"() ({
      %run_scoped3A_494 = tpu.sem_alloc : memref<!tpu.dma_semaphore, #tpu.memory_space<semaphore_mem>>
      %dma_start3A_495 = tpu.memref_slice %arg3[%run_scoped3A, %mul3A_19] : memref<2x320000xi32, #tpu.memory_space<hbm>> -> memref<1x10000xi32, #tpu.memory_space<hbm>>
      %dma_start3A_496 = tpu.memref_squeeze %dma_start3A_495 : memref<1x10000xi32, #tpu.memory_space<hbm>> -> memref<10000xi32, #tpu.memory_space<hbm>>
      %dma_start3A_497 = tpu.memref_slice %arg3[%run_scoped3A, %mul3A_19] : memref<2x320000xi32, #tpu.memory_space<hbm>> -> memref<1x10000xi32, #tpu.memory_space<hbm>>
      %dma_start3A_498 = tpu.memref_squeeze %dma_start3A_497 : memref<1x10000xi32, #tpu.memory_space<hbm>> -> memref<10000xi32, #tpu.memory_space<hbm>>
      tpu.enqueue_dma source(%dma_start3A_498 : memref<10000xi32, #tpu.memory_space<hbm>>) target(%arg8 : memref<10000xi32, #tpu.memory_space<vmem>>) target_semaphore(%run_scoped3A_494 : memref<!tpu.dma_semaphore, #tpu.memory_space<semaphore_mem>>)
      %dma_wait3A_499 = tpu.memref_slice %arg3[%run_scoped3A, %mul3A_19] : memref<2x320000xi32, #tpu.memory_space<hbm>> -> memref<1x10000xi32, #tpu.memory_space<hbm>>
      %dma_wait3A_500 = tpu.memref_squeeze %dma_wait3A_499 : memref<1x10000xi32, #tpu.memory_space<hbm>> -> memref<10000xi32, #tpu.memory_space<hbm>>
      %dma_wait3A_501 = tpu.memref_slice %arg3[%run_scoped3A, %mul3A_19] : memref<2x320000xi32, #tpu.memory_space<hbm>> -> memref<1x10000xi32, #tpu.memory_space<hbm>>
      %dma_wait3A_502 = tpu.memref_squeeze %dma_wait3A_501 : memref<1x10000xi32, #tpu.memory_space<hbm>> -> memref<10000xi32, #tpu.memory_space<hbm>>
      tpu.wait_dma2 semaphore(%run_scoped3A_494 : memref<!tpu.dma_semaphore, #tpu.memory_space<semaphore_mem>>) src(%dma_wait3A_502 : memref<10000xi32, #tpu.memory_space<hbm>>) dst(%arg8 : memref<10000xi32, #tpu.memory_space<vmem>>)
      tpu.yield
    }) : () -> ()
    %mul3A_20 = arith.constant 10000 : i32
    %mul3A_21 = arith.muli %add3A, %mul3A_20 : i32
    %run_scoped3A_22 = arith.constant 1 : i32
    "tpu.region"() ({
      %run_scoped3A_494 = tpu.sem_alloc : memref<!tpu.dma_semaphore, #tpu.memory_space<semaphore_mem>>
      %dma_start3A_495 = tpu.memref_slice %arg3[%run_scoped3A_22, %mul3A_21] : memref<2x320000xi32, #tpu.memory_space<hbm>> -> memref<1x10000xi32, #tpu.memory_space<hbm>>
      %dma_start3A_496 = tpu.memref_squeeze %dma_start3A_495 : memref<1x10000xi32, #tpu.memory_space<hbm>> -> memref<10000xi32, #tpu.memory_space<hbm>>
      %dma_start3A_497 = tpu.memref_slice %arg3[%run_scoped3A_22, %mul3A_21] : memref<2x320000xi32, #tpu.memory_space<hbm>> -> memref<1x10000xi32, #tpu.memory_space<hbm>>
      %dma_start3A_498 = tpu.memref_squeeze %dma_start3A_497 : memref<1x10000xi32, #tpu.memory_space<hbm>> -> memref<10000xi32, #tpu.memory_space<hbm>>
      tpu.enqueue_dma source(%dma_start3A_498 : memref<10000xi32, #tpu.memory_space<hbm>>) target(%arg9 : memref<10000xi32, #tpu.memory_space<vmem>>) target_semaphore(%run_scoped3A_494 : memref<!tpu.dma_semaphore, #tpu.memory_space<semaphore_mem>>)
      %dma_wait3A_499 = tpu.memref_slice %arg3[%run_scoped3A_22, %mul3A_21] : memref<2x320000xi32, #tpu.memory_space<hbm>> -> memref<1x10000xi32, #tpu.memory_space<hbm>>
      %dma_wait3A_500 = tpu.memref_squeeze %dma_wait3A_499 : memref<1x10000xi32, #tpu.memory_space<hbm>> -> memref<10000xi32, #tpu.memory_space<hbm>>
      %dma_wait3A_501 = tpu.memref_slice %arg3[%run_scoped3A_22, %mul3A_21] : memref<2x320000xi32, #tpu.memory_space<hbm>> -> memref<1x10000xi32, #tpu.memory_space<hbm>>
      %dma_wait3A_502 = tpu.memref_squeeze %dma_wait3A_501 : memref<1x10000xi32, #tpu.memory_space<hbm>> -> memref<10000xi32, #tpu.memory_space<hbm>>
      tpu.wait_dma2 semaphore(%run_scoped3A_494 : memref<!tpu.dma_semaphore, #tpu.memory_space<semaphore_mem>>) src(%dma_wait3A_502 : memref<10000xi32, #tpu.memory_space<hbm>>) dst(%arg9 : memref<10000xi32, #tpu.memory_space<vmem>>)
      tpu.yield
    }) : () -> ()
    %broadcast_in_dim3A = arith.constant 1.000000e+00 : f32
    %broadcast_in_dim3A_23 = vector.broadcast %broadcast_in_dim3A : f32 to vector<16xf32>
    %swap3A = arith.constant 0 : index
    %swap3A_24 = tpu.vector_load %arg11[%swap3A] {strides = array<i32>} : memref<128xf32, #tpu.memory_space<vmem>>, vector<16xf32>,
    tpu.vector_store %arg11[%swap3A], %broadcast_in_dim3A_23 {strides = array<i32>} : memref<128xf32, #tpu.memory_space<vmem>>, vector<16xf32>,
    %broadcast_in_dim3A_25 = arith.constant 1.000000e+00 : f32
    %broadcast_in_dim3A_26 = vector.broadcast %broadcast_in_dim3A_25 : f32 to vector<16xf32>
    %swap3A_27 = arith.constant 16 : index
    %swap3A_28 = tpu.vector_load %arg11[%swap3A_27] {strides = array<i32>} : memref<128xf32, #tpu.memory_space<vmem>>, vector<16xf32>,
    tpu.vector_store %arg11[%swap3A_27], %broadcast_in_dim3A_26 {strides = array<i32>} : memref<128xf32, #tpu.memory_space<vmem>>, vector<16xf32>,
    %broadcast_in_dim3A_29 = arith.constant 1.000000e+00 : f32
    %broadcast_in_dim3A_30 = vector.broadcast %broadcast_in_dim3A_29 : f32 to vector<16xf32>
    %swap3A_31 = arith.constant 32 : index
    %swap3A_32 = tpu.vector_load %arg11[%swap3A_31] {strides = array<i32>} : memref<128xf32, #tpu.memory_space<vmem>>, vector<16xf32>,
    tpu.vector_store %arg11[%swap3A_31], %broadcast_in_dim3A_30 {strides = array<i32>} : memref<128xf32, #tpu.memory_space<vmem>>, vector<16xf32>,
    %broadcast_in_dim3A_33 = arith.constant 1.000000e+00 : f32
    %broadcast_in_dim3A_34 = vector.broadcast %broadcast_in_dim3A_33 : f32 to vector<16xf32>
    %swap3A_35 = arith.constant 48 : index
    %swap3A_36 = tpu.vector_load %arg11[%swap3A_35] {strides = array<i32>} : memref<128xf32, #tpu.memory_space<vmem>>, vector<16xf32>,
    tpu.vector_store %arg11[%swap3A_35], %broadcast_in_dim3A_34 {strides = array<i32>} : memref<128xf32, #tpu.memory_space<vmem>>, vector<16xf32>,
    %broadcast_in_dim3A_37 = arith.constant 1.000000e+00 : f32
    %broadcast_in_dim3A_38 = vector.broadcast %broadcast_in_dim3A_37 : f32 to vector<16xf32>
    %swap3A_39 = arith.constant 64 : index
    %swap3A_40 = tpu.vector_load %arg11[%swap3A_39] {strides = array<i32>} : memref<128xf32, #tpu.memory_space<vmem>>, vector<16xf32>,
    tpu.vector_store %arg11[%swap3A_39], %broadcast_in_dim3A_38 {strides = array<i32>} : memref<128xf32, #tpu.memory_space<vmem>>, vector<16xf32>,
    %broadcast_in_dim3A_41 = arith.constant 1.000000e+00 : f32
    %broadcast_in_dim3A_42 = vector.broadcast %broadcast_in_dim3A_41 : f32 to vector<16xf32>
    %swap3A_43 = arith.constant 80 : index
    %swap3A_44 = tpu.vector_load %arg11[%swap3A_43] {strides = array<i32>} : memref<128xf32, #tpu.memory_space<vmem>>, vector<16xf32>,
    tpu.vector_store %arg11[%swap3A_43], %broadcast_in_dim3A_42 {strides = array<i32>} : memref<128xf32, #tpu.memory_space<vmem>>, vector<16xf32>,
    %broadcast_in_dim3A_45 = arith.constant 1.000000e+00 : f32
    %broadcast_in_dim3A_46 = vector.broadcast %broadcast_in_dim3A_45 : f32 to vector<16xf32>
    %swap3A_47 = arith.constant 96 : index
    %swap3A_48 = tpu.vector_load %arg11[%swap3A_47] {strides = array<i32>} : memref<128xf32, #tpu.memory_space<vmem>>, vector<16xf32>,
    tpu.vector_store %arg11[%swap3A_47], %broadcast_in_dim3A_46 {strides = array<i32>} : memref<128xf32, #tpu.memory_space<vmem>>, vector<16xf32>,
    %broadcast_in_dim3A_49 = arith.constant 1.000000e+00 : f32
    %broadcast_in_dim3A_50 = vector.broadcast %broadcast_in_dim3A_49 : f32 to vector<16xf32>
    %swap3A_51 = arith.constant 112 : index
    %swap3A_52 = tpu.vector_load %arg11[%swap3A_51] {strides = array<i32>} : memref<128xf32, #tpu.memory_space<vmem>>, vector<16xf32>,
    tpu.vector_store %arg11[%swap3A_51], %broadcast_in_dim3A_50 {strides = array<i32>} : memref<128xf32, #tpu.memory_space<vmem>>, vector<16xf32>,
    %dma_wait3A = arith.constant 0 : i32
    %dma_wait3A_53 = tpu.memref_slice %arg12[%mul3A_4, %dma_wait3A] : memref<10000x64xf32, #tpu.memory_space<vmem_shared>> -> memref<625x64xf32, #tpu.memory_space<vmem_shared>>
    %dma_wait3A_54 = arith.constant 0 : i32
    %dma_wait3A_55 = tpu.memref_slice %arg2[%mul3A_2, %dma_wait3A_54] : memref<10000x64xf32, #tpu.memory_space<hbm>> -> memref<625x64xf32, #tpu.memory_space<hbm>>
    tpu.wait_dma2 semaphore(%arg18 : memref<!tpu.dma_semaphore, #tpu.memory_space<semaphore_mem>>) src(%dma_wait3A_55 : memref<625x64xf32, #tpu.memory_space<hbm>>) dst(%dma_wait3A_53 : memref<625x64xf32, #tpu.memory_space<vmem_shared>>)
    %dma_wait3A_56 = arith.constant 0 : i32
    %dma_wait3A_57 = tpu.memref_slice %arg13[%mul3A_9, %dma_wait3A_56] : memref<10112x64xf32, #tpu.memory_space<vmem_shared>> -> memref<632x64xf32, #tpu.memory_space<vmem_shared>>
    tpu.wait_dma2 semaphore(%arg18 : memref<!tpu.dma_semaphore, #tpu.memory_space<semaphore_mem>>) src(%arg4 : memref<632x64xf32, #tpu.memory_space<hbm>>) dst(%dma_wait3A_57 : memref<632x64xf32, #tpu.memory_space<vmem_shared>>)
    %dma_wait3A_58 = tpu.memref_slice %arg14[%mul3A_15] : memref<10112xf32, #tpu.memory_space<vmem_shared>> -> memref<632xf32, #tpu.memory_space<vmem_shared>>
    %dma_wait3A_59 = tpu.memref_slice %arg5[%mul3A_13] : memref<10112xf32, #tpu.memory_space<hbm>> -> memref<632xf32, #tpu.memory_space<hbm>>
    tpu.wait_dma2 semaphore(%arg18 : memref<!tpu.dma_semaphore, #tpu.memory_space<semaphore_mem>>) src(%dma_wait3A_59 : memref<632xf32, #tpu.memory_space<hbm>>) dst(%dma_wait3A_58 : memref<632xf32, #tpu.memory_space<vmem_shared>>)
    %barrier3A = arith.constant 0 : index
    tpu.barrier barrier_id(%barrier3A)
    %dma_start3A_60 = arith.constant 0 : i32
    %dma_start3A_61 = arith.constant 0 : i32
    %dma_start3A_62 = arith.constant 0 : i32
    %dma_start3A_63 = arith.constant 0 : i32
    %dma_start3A_64 = tpu.memref_slice %arg10[%dma_start3A_60, %dma_start3A_62, %dma_start3A_63] : memref<3x128x64xf32, #tpu.memory_space<vmem>> -> memref<1x128x64xf32, #tpu.memory_space<vmem>>
    %dma_start3A_65 = tpu.memref_squeeze %dma_start3A_64 : memref<1x128x64xf32, #tpu.memory_space<vmem>> -> memref<128x64xf32, #tpu.memory_space<vmem>>
    %dma_start3A_66 = arith.constant 0 : i32
    %dma_start3A_67 = tpu.memref_slice %arg8[%dma_start3A_66] : memref<10000xi32, #tpu.memory_space<vmem>> -> memref<128xi32, #tpu.memory_space<vmem>>
    %dma_start3A_68 = arith.constant 0 : i32
    %dma_start3A_69 = arith.constant 0 : i32
    %dma_start3A_70 = tpu.memref_slice %arg12[%dma_start3A_68, %dma_start3A_69] : memref<10000x64xf32, #tpu.memory_space<vmem_shared>> -> memref<10000x64xf32, #tpu.memory_space<vmem_shared>>
    %dma_start3A_71 = tpu.memref_slice %arg15[%dma_start3A_61] : memref<3x!tpu.dma_semaphore, #tpu.memory_space<semaphore_mem>> -> memref<1x!tpu.dma_semaphore, #tpu.memory_space<semaphore_mem>>
    %dma_start3A_72 = tpu.memref_squeeze %dma_start3A_71 : memref<1x!tpu.dma_semaphore, #tpu.memory_space<semaphore_mem>> -> memref<!tpu.dma_semaphore, #tpu.memory_space<semaphore_mem>>
    tpu.enqueue_indirect_dma source(%dma_start3A_70 : memref<10000x64xf32, #tpu.memory_space<vmem_shared>>) target(%dma_start3A_65 : memref<128x64xf32, #tpu.memory_space<vmem>>) offsets(%dma_start3A_67 : memref<128xi32, #tpu.memory_space<vmem>>) semaphore(%dma_start3A_72 : memref<!tpu.dma_semaphore, #tpu.memory_space<semaphore_mem>>)
    %dma_start3A_73 = arith.constant 1 : i32
    %dma_start3A_74 = arith.constant 1 : i32
    %dma_start3A_75 = arith.constant 0 : i32
    %dma_start3A_76 = arith.constant 0 : i32
    %dma_start3A_77 = tpu.memref_slice %arg10[%dma_start3A_73, %dma_start3A_75, %dma_start3A_76] : memref<3x128x64xf32, #tpu.memory_space<vmem>> -> memref<1x128x64xf32, #tpu.memory_space<vmem>>
    %dma_start3A_78 = tpu.memref_squeeze %dma_start3A_77 : memref<1x128x64xf32, #tpu.memory_space<vmem>> -> memref<128x64xf32, #tpu.memory_space<vmem>>
    %dma_start3A_79 = arith.constant 128 : i32
    %dma_start3A_80 = tpu.memref_slice %arg8[%dma_start3A_79] : memref<10000xi32, #tpu.memory_space<vmem>> -> memref<128xi32, #tpu.memory_space<vmem>>
    %dma_start3A_81 = arith.constant 0 : i32
    %dma_start3A_82 = arith.constant 0 : i32
    %dma_start3A_83 = tpu.memref_slice %arg12[%dma_start3A_81, %dma_start3A_82] : memref<10000x64xf32, #tpu.memory_space<vmem_shared>> -> memref<10000x64xf32, #tpu.memory_space<vmem_shared>>
    %dma_start3A_84 = tpu.memref_slice %arg15[%dma_start3A_74] : memref<3x!tpu.dma_semaphore, #tpu.memory_space<semaphore_mem>> -> memref<1x!tpu.dma_semaphore, #tpu.memory_space<semaphore_mem>>
    %dma_start3A_85 = tpu.memref_squeeze %dma_start3A_84 : memref<1x!tpu.dma_semaphore, #tpu.memory_space<semaphore_mem>> -> memref<!tpu.dma_semaphore, #tpu.memory_space<semaphore_mem>>
    tpu.enqueue_indirect_dma source(%dma_start3A_83 : memref<10000x64xf32, #tpu.memory_space<vmem_shared>>) target(%dma_start3A_78 : memref<128x64xf32, #tpu.memory_space<vmem>>) offsets(%dma_start3A_80 : memref<128xi32, #tpu.memory_space<vmem>>) semaphore(%dma_start3A_85 : memref<!tpu.dma_semaphore, #tpu.memory_space<semaphore_mem>>)
    %scan3A = arith.constant 0 : i32
    %scan3A_86 = arith.constant 0 : i32
    %scan3A_87 = arith.constant 26 : i32
    %scan3A_88 = arith.addi %scan3A_86, %scan3A_87 : i32
    %scan3A_89 = arith.constant 1 : i32
    %scan3A_90 = scf.for %scan3A_494 = %scan3A_86 to %scan3A_88 step %scan3A_89 iter_args(%scan3A_495 = %scan3A) -> (i32)  : i32 {
      %mul3A_496 = arith.constant 3 : i32
      %mul3A_497 = arith.muli %scan3A_494, %mul3A_496 : i32
      %add3A_498 = arith.constant 0 : i32
      %add3A_499 = arith.addi %mul3A_497, %add3A_498 : i32
      %dma_wait3A_500 = arith.constant 0 : i32
      %dma_wait3A_501 = arith.constant 0 : i32
      %dma_wait3A_502 = arith.constant 0 : i32
      %dma_wait3A_503 = arith.constant 0 : i32
      %dma_wait3A_504 = tpu.memref_slice %arg10[%dma_wait3A_500, %dma_wait3A_502, %dma_wait3A_503] : memref<3x128x64xf32, #tpu.memory_space<vmem>> -> memref<1x128x64xf32, #tpu.memory_space<vmem>>
      %dma_wait3A_505 = tpu.memref_squeeze %dma_wait3A_504 : memref<1x128x64xf32, #tpu.memory_space<vmem>> -> memref<128x64xf32, #tpu.memory_space<vmem>>
      %dma_wait3A_506 = arith.constant 0 : i32
      %dma_wait3A_507 = arith.constant 0 : i32
      %dma_wait3A_508 = tpu.memref_slice %arg12[%dma_wait3A_506, %dma_wait3A_507] : memref<10000x64xf32, #tpu.memory_space<vmem_shared>> -> memref<128x64xf32, #tpu.memory_space<vmem_shared>>
      %dma_wait3A_509 = tpu.memref_slice %arg15[%dma_wait3A_501] : memref<3x!tpu.dma_semaphore, #tpu.memory_space<semaphore_mem>> -> memref<1x!tpu.dma_semaphore, #tpu.memory_space<semaphore_mem>>
      %dma_wait3A_510 = tpu.memref_squeeze %dma_wait3A_509 : memref<1x!tpu.dma_semaphore, #tpu.memory_space<semaphore_mem>> -> memref<!tpu.dma_semaphore, #tpu.memory_space<semaphore_mem>>
      %dma_wait3A_511 = arith.constant 0 : i32
      %dma_wait3A_512 = arith.constant 0 : i32
      %dma_wait3A_513 = tpu.memref_slice %arg10[%dma_wait3A_500, %dma_wait3A_511, %dma_wait3A_512] : memref<3x128x64xf32, #tpu.memory_space<vmem>> -> memref<1x128x64xf32, #tpu.memory_space<vmem>>
      %dma_wait3A_514 = tpu.memref_squeeze %dma_wait3A_513 : memref<1x128x64xf32, #tpu.memory_space<vmem>> -> memref<128x64xf32, #tpu.memory_space<vmem>>
      %dma_wait3A_515 = arith.constant 0 : i32
      %dma_wait3A_516 = arith.constant 0 : i32
      %dma_wait3A_517 = tpu.memref_slice %arg12[%dma_wait3A_515, %dma_wait3A_516] : memref<10000x64xf32, #tpu.memory_space<vmem_shared>> -> memref<128x64xf32, #tpu.memory_space<vmem_shared>>
      tpu.wait_dma2 semaphore(%dma_wait3A_510 : memref<!tpu.dma_semaphore, #tpu.memory_space<semaphore_mem>>) src(%dma_wait3A_517 : memref<128x64xf32, #tpu.memory_space<vmem_shared>>) dst(%dma_wait3A_514 : memref<128x64xf32, #tpu.memory_space<vmem>>)
      %mul3A_518 = arith.constant 128 : i32
      %mul3A_519 = arith.muli %add3A_499, %mul3A_518 : i32
      %dma_start3A_520 = arith.constant 0 : i32
      %dma_start3A_521 = arith.constant 0 : i32
      %dma_start3A_522 = arith.constant 0 : i32
      %dma_start3A_523 = arith.constant 0 : i32
      %dma_start3A_524 = tpu.memref_slice %arg10[%dma_start3A_520, %dma_start3A_522, %dma_start3A_523] : memref<3x128x64xf32, #tpu.memory_space<vmem>> -> memref<1x128x64xf32, #tpu.memory_space<vmem>>
      %dma_start3A_525 = tpu.memref_squeeze %dma_start3A_524 : memref<1x128x64xf32, #tpu.memory_space<vmem>> -> memref<128x64xf32, #tpu.memory_space<vmem>>
      %dma_start3A_526 = tpu.memref_slice %arg9[%mul3A_519] : memref<10000xi32, #tpu.memory_space<vmem>> -> memref<128xi32, #tpu.memory_space<vmem>>
      %dma_start3A_527 = arith.constant 0 : i32
      %dma_start3A_528 = arith.constant 0 : i32
      %dma_start3A_529 = tpu.memref_slice %arg13[%dma_start3A_527, %dma_start3A_528] : memref<10112x64xf32, #tpu.memory_space<vmem_shared>> -> memref<10112x64xf32, #tpu.memory_space<vmem_shared>>
      %dma_start3A_530 = tpu.memref_slice %arg16[%dma_start3A_521] : memref<3x!tpu.dma_semaphore, #tpu.memory_space<semaphore_mem>> -> memref<1x!tpu.dma_semaphore, #tpu.memory_space<semaphore_mem>>
      %dma_start3A_531 = tpu.memref_squeeze %dma_start3A_530 : memref<1x!tpu.dma_semaphore, #tpu.memory_space<semaphore_mem>> -> memref<!tpu.dma_semaphore, #tpu.memory_space<semaphore_mem>>
      tpu.enqueue_indirect_dma source(%dma_start3A_525 : memref<128x64xf32, #tpu.memory_space<vmem>>) target(%dma_start3A_529 : memref<10112x64xf32, #tpu.memory_space<vmem_shared>>) offsets(%dma_start3A_526 : memref<128xi32, #tpu.memory_space<vmem>>) semaphore(%dma_start3A_531 : memref<!tpu.dma_semaphore, #tpu.memory_space<semaphore_mem>>) {add = true}
      %mul3A_532 = arith.constant 128 : i32
      %mul3A_533 = arith.muli %add3A_499, %mul3A_532 : i32
      %dma_start3A_534 = tpu.memref_slice %arg9[%mul3A_533] : memref<10000xi32, #tpu.memory_space<vmem>> -> memref<128xi32, #tpu.memory_space<vmem>>
      %dma_start3A_535 = arith.constant 0 : i32
      %dma_start3A_536 = tpu.memref_slice %arg14[%dma_start3A_535] : memref<10112xf32, #tpu.memory_space<vmem_shared>> -> memref<10112xf32, #tpu.memory_space<vmem_shared>>
      tpu.enqueue_indirect_dma source(%arg11 : memref<128xf32, #tpu.memory_space<vmem>>) target(%dma_start3A_536 : memref<10112xf32, #tpu.memory_space<vmem_shared>>) offsets(%dma_start3A_534 : memref<128xi32, #tpu.memory_space<vmem>>) semaphore(%arg17 : memref<!tpu.dma_semaphore, #tpu.memory_space<semaphore_mem>>) {add = true}
      %add3A_537 = arith.constant 2 : i32
      %add3A_538 = arith.addi %add3A_499, %add3A_537 : i32
      %lt3A = arith.constant 78 : i32
      %lt3A_539 = arith.cmpi slt, %add3A_538, %lt3A : i32
      %convert_element_type3A = arith.extui %lt3A_539 : i1 to i32
      %cond3A = arith.constant 0 : i32
      %cond3A_540 = arith.cmpi ne, %convert_element_type3A, %cond3A : i32
      scf.if %cond3A_540 {
        %ge3A = arith.constant 1 : i32
        %ge3A_638 = arith.cmpi sge, %add3A_499, %ge3A : i32
        %convert_element_type3A_639 = arith.extui %ge3A_638 : i1 to i32
        %cond3A_640 = arith.constant 0 : i32
        %cond3A_641 = arith.cmpi ne, %convert_element_type3A_639, %cond3A_640 : i32
        scf.if %cond3A_641 {
          %dma_wait3A_658 = arith.constant 2 : i32
          %dma_wait3A_659 = arith.constant 2 : i32
          %dma_wait3A_660 = arith.constant 0 : i32
          %dma_wait3A_661 = arith.constant 0 : i32
          %dma_wait3A_662 = tpu.memref_slice %arg10[%dma_wait3A_658, %dma_wait3A_660, %dma_wait3A_661] : memref<3x128x64xf32, #tpu.memory_space<vmem>> -> memref<1x128x64xf32, #tpu.memory_space<vmem>>
          %dma_wait3A_663 = tpu.memref_squeeze %dma_wait3A_662 : memref<1x128x64xf32, #tpu.memory_space<vmem>> -> memref<128x64xf32, #tpu.memory_space<vmem>>
          %dma_wait3A_664 = arith.constant 0 : i32
          %dma_wait3A_665 = arith.constant 0 : i32
          %dma_wait3A_666 = tpu.memref_slice %arg13[%dma_wait3A_664, %dma_wait3A_665] : memref<10112x64xf32, #tpu.memory_space<vmem_shared>> -> memref<128x64xf32, #tpu.memory_space<vmem_shared>>
          %dma_wait3A_667 = tpu.memref_slice %arg16[%dma_wait3A_659] : memref<3x!tpu.dma_semaphore, #tpu.memory_space<semaphore_mem>> -> memref<1x!tpu.dma_semaphore, #tpu.memory_space<semaphore_mem>>
          %dma_wait3A_668 = tpu.memref_squeeze %dma_wait3A_667 : memref<1x!tpu.dma_semaphore, #tpu.memory_space<semaphore_mem>> -> memref<!tpu.dma_semaphore, #tpu.memory_space<semaphore_mem>>
          %dma_wait3A_669 = arith.constant 0 : i32
          %dma_wait3A_670 = arith.constant 0 : i32
          %dma_wait3A_671 = tpu.memref_slice %arg13[%dma_wait3A_669, %dma_wait3A_670] : memref<10112x64xf32, #tpu.memory_space<vmem_shared>> -> memref<128x64xf32, #tpu.memory_space<vmem_shared>>
          %dma_wait3A_672 = arith.constant 0 : i32
          %dma_wait3A_673 = arith.constant 0 : i32
          %dma_wait3A_674 = tpu.memref_slice %arg10[%dma_wait3A_658, %dma_wait3A_672, %dma_wait3A_673] : memref<3x128x64xf32, #tpu.memory_space<vmem>> -> memref<1x128x64xf32, #tpu.memory_space<vmem>>
          %dma_wait3A_675 = tpu.memref_squeeze %dma_wait3A_674 : memref<1x128x64xf32, #tpu.memory_space<vmem>> -> memref<128x64xf32, #tpu.memory_space<vmem>>
          tpu.wait_dma2 semaphore(%dma_wait3A_668 : memref<!tpu.dma_semaphore, #tpu.memory_space<semaphore_mem>>) src(%dma_wait3A_675 : memref<128x64xf32, #tpu.memory_space<vmem>>) dst(%dma_wait3A_671 : memref<128x64xf32, #tpu.memory_space<vmem_shared>>)
        } else {
        }
        %add3A_642 = arith.constant 2 : i32
        %add3A_643 = arith.addi %add3A_499, %add3A_642 : i32
        %mul3A_644 = arith.constant 128 : i32
        %mul3A_645 = arith.muli %add3A_643, %mul3A_644 : i32
        %dma_start3A_646 = arith.constant 2 : i32
        %dma_start3A_647 = arith.constant 2 : i32
        %dma_start3A_648 = arith.constant 0 : i32
        %dma_start3A_649 = arith.constant 0 : i32
        %dma_start3A_650 = tpu.memref_slice %arg10[%dma_start3A_646, %dma_start3A_648, %dma_start3A_649] : memref<3x128x64xf32, #tpu.memory_space<vmem>> -> memref<1x128x64xf32, #tpu.memory_space<vmem>>
        %dma_start3A_651 = tpu.memref_squeeze %dma_start3A_650 : memref<1x128x64xf32, #tpu.memory_space<vmem>> -> memref<128x64xf32, #tpu.memory_space<vmem>>
        %dma_start3A_652 = tpu.memref_slice %arg8[%mul3A_645] : memref<10000xi32, #tpu.memory_space<vmem>> -> memref<128xi32, #tpu.memory_space<vmem>>
        %dma_start3A_653 = arith.constant 0 : i32
        %dma_start3A_654 = arith.constant 0 : i32
        %dma_start3A_655 = tpu.memref_slice %arg12[%dma_start3A_653, %dma_start3A_654] : memref<10000x64xf32, #tpu.memory_space<vmem_shared>> -> memref<10000x64xf32, #tpu.memory_space<vmem_shared>>
        %dma_start3A_656 = tpu.memref_slice %arg15[%dma_start3A_647] : memref<3x!tpu.dma_semaphore, #tpu.memory_space<semaphore_mem>> -> memref<1x!tpu.dma_semaphore, #tpu.memory_space<semaphore_mem>>
        %dma_start3A_657 = tpu.memref_squeeze %dma_start3A_656 : memref<1x!tpu.dma_semaphore, #tpu.memory_space<semaphore_mem>> -> memref<!tpu.dma_semaphore, #tpu.memory_space<semaphore_mem>>
        tpu.enqueue_indirect_dma source(%dma_start3A_655 : memref<10000x64xf32, #tpu.memory_space<vmem_shared>>) target(%dma_start3A_651 : memref<128x64xf32, #tpu.memory_space<vmem>>) offsets(%dma_start3A_652 : memref<128xi32, #tpu.memory_space<vmem>>) semaphore(%dma_start3A_657 : memref<!tpu.dma_semaphore, #tpu.memory_space<semaphore_mem>>)
      } else {
      }
      %mul3A_541 = arith.constant 3 : i32
      %mul3A_542 = arith.muli %scan3A_494, %mul3A_541 : i32
      %add3A_543 = arith.constant 1 : i32
      %add3A_544 = arith.addi %mul3A_542, %add3A_543 : i32
      %dma_wait3A_545 = arith.constant 1 : i32
      %dma_wait3A_546 = arith.constant 1 : i32
      %dma_wait3A_547 = arith.constant 0 : i32
      %dma_wait3A_548 = arith.constant 0 : i32
      %dma_wait3A_549 = tpu.memref_slice %arg10[%dma_wait3A_545, %dma_wait3A_547, %dma_wait3A_548] : memref<3x128x64xf32, #tpu.memory_space<vmem>> -> memref<1x128x64xf32, #tpu.memory_space<vmem>>
      %dma_wait3A_550 = tpu.memref_squeeze %dma_wait3A_549 : memref<1x128x64xf32, #tpu.memory_space<vmem>> -> memref<128x64xf32, #tpu.memory_space<vmem>>
      %dma_wait3A_551 = arith.constant 0 : i32
      %dma_wait3A_552 = arith.constant 0 : i32
      %dma_wait3A_553 = tpu.memref_slice %arg12[%dma_wait3A_551, %dma_wait3A_552] : memref<10000x64xf32, #tpu.memory_space<vmem_shared>> -> memref<128x64xf32, #tpu.memory_space<vmem_shared>>
      %dma_wait3A_554 = tpu.memref_slice %arg15[%dma_wait3A_546] : memref<3x!tpu.dma_semaphore, #tpu.memory_space<semaphore_mem>> -> memref<1x!tpu.dma_semaphore, #tpu.memory_space<semaphore_mem>>
      %dma_wait3A_555 = tpu.memref_squeeze %dma_wait3A_554 : memref<1x!tpu.dma_semaphore, #tpu.memory_space<semaphore_mem>> -> memref<!tpu.dma_semaphore, #tpu.memory_space<semaphore_mem>>
      %dma_wait3A_556 = arith.constant 0 : i32
      %dma_wait3A_557 = arith.constant 0 : i32
      %dma_wait3A_558 = tpu.memref_slice %arg10[%dma_wait3A_545, %dma_wait3A_556, %dma_wait3A_557] : memref<3x128x64xf32, #tpu.memory_space<vmem>> -> memref<1x128x64xf32, #tpu.memory_space<vmem>>
      %dma_wait3A_559 = tpu.memref_squeeze %dma_wait3A_558 : memref<1x128x64xf32, #tpu.memory_space<vmem>> -> memref<128x64xf32, #tpu.memory_space<vmem>>
      %dma_wait3A_560 = arith.constant 0 : i32
      %dma_wait3A_561 = arith.constant 0 : i32
      %dma_wait3A_562 = tpu.memref_slice %arg12[%dma_wait3A_560, %dma_wait3A_561] : memref<10000x64xf32, #tpu.memory_space<vmem_shared>> -> memref<128x64xf32, #tpu.memory_space<vmem_shared>>
      tpu.wait_dma2 semaphore(%dma_wait3A_555 : memref<!tpu.dma_semaphore, #tpu.memory_space<semaphore_mem>>) src(%dma_wait3A_562 : memref<128x64xf32, #tpu.memory_space<vmem_shared>>) dst(%dma_wait3A_559 : memref<128x64xf32, #tpu.memory_space<vmem>>)
      %mul3A_563 = arith.constant 128 : i32
      %mul3A_564 = arith.muli %add3A_544, %mul3A_563 : i32
      %dma_start3A_565 = arith.constant 1 : i32
      %dma_start3A_566 = arith.constant 1 : i32
      %dma_start3A_567 = arith.constant 0 : i32
      %dma_start3A_568 = arith.constant 0 : i32
      %dma_start3A_569 = tpu.memref_slice %arg10[%dma_start3A_565, %dma_start3A_567, %dma_start3A_568] : memref<3x128x64xf32, #tpu.memory_space<vmem>> -> memref<1x128x64xf32, #tpu.memory_space<vmem>>
      %dma_start3A_570 = tpu.memref_squeeze %dma_start3A_569 : memref<1x128x64xf32, #tpu.memory_space<vmem>> -> memref<128x64xf32, #tpu.memory_space<vmem>>
      %dma_start3A_571 = tpu.memref_slice %arg9[%mul3A_564] : memref<10000xi32, #tpu.memory_space<vmem>> -> memref<128xi32, #tpu.memory_space<vmem>>
      %dma_start3A_572 = arith.constant 0 : i32
      %dma_start3A_573 = arith.constant 0 : i32
      %dma_start3A_574 = tpu.memref_slice %arg13[%dma_start3A_572, %dma_start3A_573] : memref<10112x64xf32, #tpu.memory_space<vmem_shared>> -> memref<10112x64xf32, #tpu.memory_space<vmem_shared>>
      %dma_start3A_575 = tpu.memref_slice %arg16[%dma_start3A_566] : memref<3x!tpu.dma_semaphore, #tpu.memory_space<semaphore_mem>> -> memref<1x!tpu.dma_semaphore, #tpu.memory_space<semaphore_mem>>
      %dma_start3A_576 = tpu.memref_squeeze %dma_start3A_575 : memref<1x!tpu.dma_semaphore, #tpu.memory_space<semaphore_mem>> -> memref<!tpu.dma_semaphore, #tpu.memory_space<semaphore_mem>>
      tpu.enqueue_indirect_dma source(%dma_start3A_570 : memref<128x64xf32, #tpu.memory_space<vmem>>) target(%dma_start3A_574 : memref<10112x64xf32, #tpu.memory_space<vmem_shared>>) offsets(%dma_start3A_571 : memref<128xi32, #tpu.memory_space<vmem>>) semaphore(%dma_start3A_576 : memref<!tpu.dma_semaphore, #tpu.memory_space<semaphore_mem>>) {add = true}
      %mul3A_577 = arith.constant 128 : i32
      %mul3A_578 = arith.muli %add3A_544, %mul3A_577 : i32
      %dma_start3A_579 = tpu.memref_slice %arg9[%mul3A_578] : memref<10000xi32, #tpu.memory_space<vmem>> -> memref<128xi32, #tpu.memory_space<vmem>>
      %dma_start3A_580 = arith.constant 0 : i32
      %dma_start3A_581 = tpu.memref_slice %arg14[%dma_start3A_580] : memref<10112xf32, #tpu.memory_space<vmem_shared>> -> memref<10112xf32, #tpu.memory_space<vmem_shared>>
      tpu.enqueue_indirect_dma source(%arg11 : memref<128xf32, #tpu.memory_space<vmem>>) target(%dma_start3A_581 : memref<10112xf32, #tpu.memory_space<vmem_shared>>) offsets(%dma_start3A_579 : memref<128xi32, #tpu.memory_space<vmem>>) semaphore(%arg17 : memref<!tpu.dma_semaphore, #tpu.memory_space<semaphore_mem>>) {add = true}
      %add3A_582 = arith.constant 2 : i32
      %add3A_583 = arith.addi %add3A_544, %add3A_582 : i32
      %lt3A_584 = arith.constant 78 : i32
      %lt3A_585 = arith.cmpi slt, %add3A_583, %lt3A_584 : i32
      %convert_element_type3A_586 = arith.extui %lt3A_585 : i1 to i32
      %cond3A_587 = arith.constant 0 : i32
      %cond3A_588 = arith.cmpi ne, %convert_element_type3A_586, %cond3A_587 : i32
      scf.if %cond3A_588 {
        %ge3A = arith.constant 1 : i32
        %ge3A_638 = arith.cmpi sge, %add3A_544, %ge3A : i32
        %convert_element_type3A_639 = arith.extui %ge3A_638 : i1 to i32
        %cond3A_640 = arith.constant 0 : i32
        %cond3A_641 = arith.cmpi ne, %convert_element_type3A_639, %cond3A_640 : i32
        scf.if %cond3A_641 {
          %dma_wait3A_658 = arith.constant 0 : i32
          %dma_wait3A_659 = arith.constant 0 : i32
          %dma_wait3A_660 = arith.constant 0 : i32
          %dma_wait3A_661 = arith.constant 0 : i32
          %dma_wait3A_662 = tpu.memref_slice %arg10[%dma_wait3A_658, %dma_wait3A_660, %dma_wait3A_661] : memref<3x128x64xf32, #tpu.memory_space<vmem>> -> memref<1x128x64xf32, #tpu.memory_space<vmem>>
          %dma_wait3A_663 = tpu.memref_squeeze %dma_wait3A_662 : memref<1x128x64xf32, #tpu.memory_space<vmem>> -> memref<128x64xf32, #tpu.memory_space<vmem>>
          %dma_wait3A_664 = arith.constant 0 : i32
          %dma_wait3A_665 = arith.constant 0 : i32
          %dma_wait3A_666 = tpu.memref_slice %arg13[%dma_wait3A_664, %dma_wait3A_665] : memref<10112x64xf32, #tpu.memory_space<vmem_shared>> -> memref<128x64xf32, #tpu.memory_space<vmem_shared>>
          %dma_wait3A_667 = tpu.memref_slice %arg16[%dma_wait3A_659] : memref<3x!tpu.dma_semaphore, #tpu.memory_space<semaphore_mem>> -> memref<1x!tpu.dma_semaphore, #tpu.memory_space<semaphore_mem>>
          %dma_wait3A_668 = tpu.memref_squeeze %dma_wait3A_667 : memref<1x!tpu.dma_semaphore, #tpu.memory_space<semaphore_mem>> -> memref<!tpu.dma_semaphore, #tpu.memory_space<semaphore_mem>>
          %dma_wait3A_669 = arith.constant 0 : i32
          %dma_wait3A_670 = arith.constant 0 : i32
          %dma_wait3A_671 = tpu.memref_slice %arg13[%dma_wait3A_669, %dma_wait3A_670] : memref<10112x64xf32, #tpu.memory_space<vmem_shared>> -> memref<128x64xf32, #tpu.memory_space<vmem_shared>>
          %dma_wait3A_672 = arith.constant 0 : i32
          %dma_wait3A_673 = arith.constant 0 : i32
          %dma_wait3A_674 = tpu.memref_slice %arg10[%dma_wait3A_658, %dma_wait3A_672, %dma_wait3A_673] : memref<3x128x64xf32, #tpu.memory_space<vmem>> -> memref<1x128x64xf32, #tpu.memory_space<vmem>>
          %dma_wait3A_675 = tpu.memref_squeeze %dma_wait3A_674 : memref<1x128x64xf32, #tpu.memory_space<vmem>> -> memref<128x64xf32, #tpu.memory_space<vmem>>
          tpu.wait_dma2 semaphore(%dma_wait3A_668 : memref<!tpu.dma_semaphore, #tpu.memory_space<semaphore_mem>>) src(%dma_wait3A_675 : memref<128x64xf32, #tpu.memory_space<vmem>>) dst(%dma_wait3A_671 : memref<128x64xf32, #tpu.memory_space<vmem_shared>>)
        } else {
        }
        %add3A_642 = arith.constant 2 : i32
        %add3A_643 = arith.addi %add3A_544, %add3A_642 : i32
        %mul3A_644 = arith.constant 128 : i32
        %mul3A_645 = arith.muli %add3A_643, %mul3A_644 : i32
        %dma_start3A_646 = arith.constant 0 : i32
        %dma_start3A_647 = arith.constant 0 : i32
        %dma_start3A_648 = arith.constant 0 : i32
        %dma_start3A_649 = arith.constant 0 : i32
        %dma_start3A_650 = tpu.memref_slice %arg10[%dma_start3A_646, %dma_start3A_648, %dma_start3A_649] : memref<3x128x64xf32, #tpu.memory_space<vmem>> -> memref<1x128x64xf32, #tpu.memory_space<vmem>>
        %dma_start3A_651 = tpu.memref_squeeze %dma_start3A_650 : memref<1x128x64xf32, #tpu.memory_space<vmem>> -> memref<128x64xf32, #tpu.memory_space<vmem>>
        %dma_start3A_652 = tpu.memref_slice %arg8[%mul3A_645] : memref<10000xi32, #tpu.memory_space<vmem>> -> memref<128xi32, #tpu.memory_space<vmem>>
        %dma_start3A_653 = arith.constant 0 : i32
        %dma_start3A_654 = arith.constant 0 : i32
        %dma_start3A_655 = tpu.memref_slice %arg12[%dma_start3A_653, %dma_start3A_654] : memref<10000x64xf32, #tpu.memory_space<vmem_shared>> -> memref<10000x64xf32, #tpu.memory_space<vmem_shared>>
        %dma_start3A_656 = tpu.memref_slice %arg15[%dma_start3A_647] : memref<3x!tpu.dma_semaphore, #tpu.memory_space<semaphore_mem>> -> memref<1x!tpu.dma_semaphore, #tpu.memory_space<semaphore_mem>>
        %dma_start3A_657 = tpu.memref_squeeze %dma_start3A_656 : memref<1x!tpu.dma_semaphore, #tpu.memory_space<semaphore_mem>> -> memref<!tpu.dma_semaphore, #tpu.memory_space<semaphore_mem>>
        tpu.enqueue_indirect_dma source(%dma_start3A_655 : memref<10000x64xf32, #tpu.memory_space<vmem_shared>>) target(%dma_start3A_651 : memref<128x64xf32, #tpu.memory_space<vmem>>) offsets(%dma_start3A_652 : memref<128xi32, #tpu.memory_space<vmem>>) semaphore(%dma_start3A_657 : memref<!tpu.dma_semaphore, #tpu.memory_space<semaphore_mem>>)
      } else {
      }
      %mul3A_589 = arith.constant 3 : i32
      %mul3A_590 = arith.muli %scan3A_494, %mul3A_589 : i32
      %add3A_591 = arith.constant 2 : i32
      %add3A_592 = arith.addi %mul3A_590, %add3A_591 : i32
      %dma_wait3A_593 = arith.constant 2 : i32
      %dma_wait3A_594 = arith.constant 2 : i32
      %dma_wait3A_595 = arith.constant 0 : i32
      %dma_wait3A_596 = arith.constant 0 : i32
      %dma_wait3A_597 = tpu.memref_slice %arg10[%dma_wait3A_593, %dma_wait3A_595, %dma_wait3A_596] : memref<3x128x64xf32, #tpu.memory_space<vmem>> -> memref<1x128x64xf32, #tpu.memory_space<vmem>>
      %dma_wait3A_598 = tpu.memref_squeeze %dma_wait3A_597 : memref<1x128x64xf32, #tpu.memory_space<vmem>> -> memref<128x64xf32, #tpu.memory_space<vmem>>
      %dma_wait3A_599 = arith.constant 0 : i32
      %dma_wait3A_600 = arith.constant 0 : i32
      %dma_wait3A_601 = tpu.memref_slice %arg12[%dma_wait3A_599, %dma_wait3A_600] : memref<10000x64xf32, #tpu.memory_space<vmem_shared>> -> memref<128x64xf32, #tpu.memory_space<vmem_shared>>
      %dma_wait3A_602 = tpu.memref_slice %arg15[%dma_wait3A_594] : memref<3x!tpu.dma_semaphore, #tpu.memory_space<semaphore_mem>> -> memref<1x!tpu.dma_semaphore, #tpu.memory_space<semaphore_mem>>
      %dma_wait3A_603 = tpu.memref_squeeze %dma_wait3A_602 : memref<1x!tpu.dma_semaphore, #tpu.memory_space<semaphore_mem>> -> memref<!tpu.dma_semaphore, #tpu.memory_space<semaphore_mem>>
      %dma_wait3A_604 = arith.constant 0 : i32
      %dma_wait3A_605 = arith.constant 0 : i32
      %dma_wait3A_606 = tpu.memref_slice %arg10[%dma_wait3A_593, %dma_wait3A_604, %dma_wait3A_605] : memref<3x128x64xf32, #tpu.memory_space<vmem>> -> memref<1x128x64xf32, #tpu.memory_space<vmem>>
      %dma_wait3A_607 = tpu.memref_squeeze %dma_wait3A_606 : memref<1x128x64xf32, #tpu.memory_space<vmem>> -> memref<128x64xf32, #tpu.memory_space<vmem>>
      %dma_wait3A_608 = arith.constant 0 : i32
      %dma_wait3A_609 = arith.constant 0 : i32
      %dma_wait3A_610 = tpu.memref_slice %arg12[%dma_wait3A_608, %dma_wait3A_609] : memref<10000x64xf32, #tpu.memory_space<vmem_shared>> -> memref<128x64xf32, #tpu.memory_space<vmem_shared>>
      tpu.wait_dma2 semaphore(%dma_wait3A_603 : memref<!tpu.dma_semaphore, #tpu.memory_space<semaphore_mem>>) src(%dma_wait3A_610 : memref<128x64xf32, #tpu.memory_space<vmem_shared>>) dst(%dma_wait3A_607 : memref<128x64xf32, #tpu.memory_space<vmem>>)
      %mul3A_611 = arith.constant 128 : i32
      %mul3A_612 = arith.muli %add3A_592, %mul3A_611 : i32
      %dma_start3A_613 = arith.constant 2 : i32
      %dma_start3A_614 = arith.constant 2 : i32
      %dma_start3A_615 = arith.constant 0 : i32
      %dma_start3A_616 = arith.constant 0 : i32
      %dma_start3A_617 = tpu.memref_slice %arg10[%dma_start3A_613, %dma_start3A_615, %dma_start3A_616] : memref<3x128x64xf32, #tpu.memory_space<vmem>> -> memref<1x128x64xf32, #tpu.memory_space<vmem>>
      %dma_start3A_618 = tpu.memref_squeeze %dma_start3A_617 : memref<1x128x64xf32, #tpu.memory_space<vmem>> -> memref<128x64xf32, #tpu.memory_space<vmem>>
      %dma_start3A_619 = tpu.memref_slice %arg9[%mul3A_612] : memref<10000xi32, #tpu.memory_space<vmem>> -> memref<128xi32, #tpu.memory_space<vmem>>
      %dma_start3A_620 = arith.constant 0 : i32
      %dma_start3A_621 = arith.constant 0 : i32
      %dma_start3A_622 = tpu.memref_slice %arg13[%dma_start3A_620, %dma_start3A_621] : memref<10112x64xf32, #tpu.memory_space<vmem_shared>> -> memref<10112x64xf32, #tpu.memory_space<vmem_shared>>
      %dma_start3A_623 = tpu.memref_slice %arg16[%dma_start3A_614] : memref<3x!tpu.dma_semaphore, #tpu.memory_space<semaphore_mem>> -> memref<1x!tpu.dma_semaphore, #tpu.memory_space<semaphore_mem>>
      %dma_start3A_624 = tpu.memref_squeeze %dma_start3A_623 : memref<1x!tpu.dma_semaphore, #tpu.memory_space<semaphore_mem>> -> memref<!tpu.dma_semaphore, #tpu.memory_space<semaphore_mem>>
      tpu.enqueue_indirect_dma source(%dma_start3A_618 : memref<128x64xf32, #tpu.memory_space<vmem>>) target(%dma_start3A_622 : memref<10112x64xf32, #tpu.memory_space<vmem_shared>>) offsets(%dma_start3A_619 : memref<128xi32, #tpu.memory_space<vmem>>) semaphore(%dma_start3A_624 : memref<!tpu.dma_semaphore, #tpu.memory_space<semaphore_mem>>) {add = true}
      %mul3A_625 = arith.constant 128 : i32
      %mul3A_626 = arith.muli %add3A_592, %mul3A_625 : i32
      %dma_start3A_627 = tpu.memref_slice %arg9[%mul3A_626] : memref<10000xi32, #tpu.memory_space<vmem>> -> memref<128xi32, #tpu.memory_space<vmem>>
      %dma_start3A_628 = arith.constant 0 : i32
      %dma_start3A_629 = tpu.memref_slice %arg14[%dma_start3A_628] : memref<10112xf32, #tpu.memory_space<vmem_shared>> -> memref<10112xf32, #tpu.memory_space<vmem_shared>>
      tpu.enqueue_indirect_dma source(%arg11 : memref<128xf32, #tpu.memory_space<vmem>>) target(%dma_start3A_629 : memref<10112xf32, #tpu.memory_space<vmem_shared>>) offsets(%dma_start3A_627 : memref<128xi32, #tpu.memory_space<vmem>>) semaphore(%arg17 : memref<!tpu.dma_semaphore, #tpu.memory_space<semaphore_mem>>) {add = true}
      %add3A_630 = arith.constant 2 : i32
      %add3A_631 = arith.addi %add3A_592, %add3A_630 : i32
      %lt3A_632 = arith.constant 78 : i32
      %lt3A_633 = arith.cmpi slt, %add3A_631, %lt3A_632 : i32
      %convert_element_type3A_634 = arith.extui %lt3A_633 : i1 to i32
      %cond3A_635 = arith.constant 0 : i32
      %cond3A_636 = arith.cmpi ne, %convert_element_type3A_634, %cond3A_635 : i32
      scf.if %cond3A_636 {
        %ge3A = arith.constant 1 : i32
        %ge3A_638 = arith.cmpi sge, %add3A_592, %ge3A : i32
        %convert_element_type3A_639 = arith.extui %ge3A_638 : i1 to i32
        %cond3A_640 = arith.constant 0 : i32
        %cond3A_641 = arith.cmpi ne, %convert_element_type3A_639, %cond3A_640 : i32
        scf.if %cond3A_641 {
          %dma_wait3A_658 = arith.constant 1 : i32
          %dma_wait3A_659 = arith.constant 1 : i32
          %dma_wait3A_660 = arith.constant 0 : i32
          %dma_wait3A_661 = arith.constant 0 : i32
          %dma_wait3A_662 = tpu.memref_slice %arg10[%dma_wait3A_658, %dma_wait3A_660, %dma_wait3A_661] : memref<3x128x64xf32, #tpu.memory_space<vmem>> -> memref<1x128x64xf32, #tpu.memory_space<vmem>>
          %dma_wait3A_663 = tpu.memref_squeeze %dma_wait3A_662 : memref<1x128x64xf32, #tpu.memory_space<vmem>> -> memref<128x64xf32, #tpu.memory_space<vmem>>
          %dma_wait3A_664 = arith.constant 0 : i32
          %dma_wait3A_665 = arith.constant 0 : i32
          %dma_wait3A_666 = tpu.memref_slice %arg13[%dma_wait3A_664, %dma_wait3A_665] : memref<10112x64xf32, #tpu.memory_space<vmem_shared>> -> memref<128x64xf32, #tpu.memory_space<vmem_shared>>
          %dma_wait3A_667 = tpu.memref_slice %arg16[%dma_wait3A_659] : memref<3x!tpu.dma_semaphore, #tpu.memory_space<semaphore_mem>> -> memref<1x!tpu.dma_semaphore, #tpu.memory_space<semaphore_mem>>
          %dma_wait3A_668 = tpu.memref_squeeze %dma_wait3A_667 : memref<1x!tpu.dma_semaphore, #tpu.memory_space<semaphore_mem>> -> memref<!tpu.dma_semaphore, #tpu.memory_space<semaphore_mem>>
          %dma_wait3A_669 = arith.constant 0 : i32
          %dma_wait3A_670 = arith.constant 0 : i32
          %dma_wait3A_671 = tpu.memref_slice %arg13[%dma_wait3A_669, %dma_wait3A_670] : memref<10112x64xf32, #tpu.memory_space<vmem_shared>> -> memref<128x64xf32, #tpu.memory_space<vmem_shared>>
          %dma_wait3A_672 = arith.constant 0 : i32
          %dma_wait3A_673 = arith.constant 0 : i32
          %dma_wait3A_674 = tpu.memref_slice %arg10[%dma_wait3A_658, %dma_wait3A_672, %dma_wait3A_673] : memref<3x128x64xf32, #tpu.memory_space<vmem>> -> memref<1x128x64xf32, #tpu.memory_space<vmem>>
          %dma_wait3A_675 = tpu.memref_squeeze %dma_wait3A_674 : memref<1x128x64xf32, #tpu.memory_space<vmem>> -> memref<128x64xf32, #tpu.memory_space<vmem>>
          tpu.wait_dma2 semaphore(%dma_wait3A_668 : memref<!tpu.dma_semaphore, #tpu.memory_space<semaphore_mem>>) src(%dma_wait3A_675 : memref<128x64xf32, #tpu.memory_space<vmem>>) dst(%dma_wait3A_671 : memref<128x64xf32, #tpu.memory_space<vmem_shared>>)
        } else {
        }
        %add3A_642 = arith.constant 2 : i32
        %add3A_643 = arith.addi %add3A_592, %add3A_642 : i32
        %mul3A_644 = arith.constant 128 : i32
        %mul3A_645 = arith.muli %add3A_643, %mul3A_644 : i32
        %dma_start3A_646 = arith.constant 1 : i32
        %dma_start3A_647 = arith.constant 1 : i32
        %dma_start3A_648 = arith.constant 0 : i32
        %dma_start3A_649 = arith.constant 0 : i32
        %dma_start3A_650 = tpu.memref_slice %arg10[%dma_start3A_646, %dma_start3A_648, %dma_start3A_649] : memref<3x128x64xf32, #tpu.memory_space<vmem>> -> memref<1x128x64xf32, #tpu.memory_space<vmem>>
        %dma_start3A_651 = tpu.memref_squeeze %dma_start3A_650 : memref<1x128x64xf32, #tpu.memory_space<vmem>> -> memref<128x64xf32, #tpu.memory_space<vmem>>
        %dma_start3A_652 = tpu.memref_slice %arg8[%mul3A_645] : memref<10000xi32, #tpu.memory_space<vmem>> -> memref<128xi32, #tpu.memory_space<vmem>>
        %dma_start3A_653 = arith.constant 0 : i32
        %dma_start3A_654 = arith.constant 0 : i32
        %dma_start3A_655 = tpu.memref_slice %arg12[%dma_start3A_653, %dma_start3A_654] : memref<10000x64xf32, #tpu.memory_space<vmem_shared>> -> memref<10000x64xf32, #tpu.memory_space<vmem_shared>>
        %dma_start3A_656 = tpu.memref_slice %arg15[%dma_start3A_647] : memref<3x!tpu.dma_semaphore, #tpu.memory_space<semaphore_mem>> -> memref<1x!tpu.dma_semaphore, #tpu.memory_space<semaphore_mem>>
        %dma_start3A_657 = tpu.memref_squeeze %dma_start3A_656 : memref<1x!tpu.dma_semaphore, #tpu.memory_space<semaphore_mem>> -> memref<!tpu.dma_semaphore, #tpu.memory_space<semaphore_mem>>
        tpu.enqueue_indirect_dma source(%dma_start3A_655 : memref<10000x64xf32, #tpu.memory_space<vmem_shared>>) target(%dma_start3A_651 : memref<128x64xf32, #tpu.memory_space<vmem>>) offsets(%dma_start3A_652 : memref<128xi32, #tpu.memory_space<vmem>>) semaphore(%dma_start3A_657 : memref<!tpu.dma_semaphore, #tpu.memory_space<semaphore_mem>>)
      } else {
      }
      %scan3A_637 = arith.constant 0 : i32
      scf.yield %scan3A_637 : i32
    }
    %scan3A_91 = arith.constant 26 : i32
    %dma_wait3A_92 = arith.constant 0 : i32
    %dma_wait3A_93 = arith.constant 0 : i32
    %dma_wait3A_94 = arith.constant 0 : i32
    %dma_wait3A_95 = arith.constant 0 : i32
    %dma_wait3A_96 = tpu.memref_slice %arg10[%dma_wait3A_92, %dma_wait3A_94, %dma_wait3A_95] : memref<3x128x64xf32, #tpu.memory_space<vmem>> -> memref<1x128x64xf32, #tpu.memory_space<vmem>>
    %dma_wait3A_97 = tpu.memref_squeeze %dma_wait3A_96 : memref<1x128x64xf32, #tpu.memory_space<vmem>> -> memref<128x64xf32, #tpu.memory_space<vmem>>
    %dma_wait3A_98 = arith.constant 0 : i32
    %dma_wait3A_99 = arith.constant 0 : i32
    %dma_wait3A_100 = tpu.memref_slice %arg13[%dma_wait3A_98, %dma_wait3A_99] : memref<10112x64xf32, #tpu.memory_space<vmem_shared>> -> memref<128x64xf32, #tpu.memory_space<vmem_shared>>
    %dma_wait3A_101 = tpu.memref_slice %arg16[%dma_wait3A_93] : memref<3x!tpu.dma_semaphore, #tpu.memory_space<semaphore_mem>> -> memref<1x!tpu.dma_semaphore, #tpu.memory_space<semaphore_mem>>
    %dma_wait3A_102 = tpu.memref_squeeze %dma_wait3A_101 : memref<1x!tpu.dma_semaphore, #tpu.memory_space<semaphore_mem>> -> memref<!tpu.dma_semaphore, #tpu.memory_space<semaphore_mem>>
    %dma_wait3A_103 = arith.constant 0 : i32
    %dma_wait3A_104 = arith.constant 0 : i32
    %dma_wait3A_105 = tpu.memref_slice %arg13[%dma_wait3A_103, %dma_wait3A_104] : memref<10112x64xf32, #tpu.memory_space<vmem_shared>> -> memref<128x64xf32, #tpu.memory_space<vmem_shared>>
    %dma_wait3A_106 = arith.constant 0 : i32
    %dma_wait3A_107 = arith.constant 0 : i32
    %dma_wait3A_108 = tpu.memref_slice %arg10[%dma_wait3A_92, %dma_wait3A_106, %dma_wait3A_107] : memref<3x128x64xf32, #tpu.memory_space<vmem>> -> memref<1x128x64xf32, #tpu.memory_space<vmem>>
    %dma_wait3A_109 = tpu.memref_squeeze %dma_wait3A_108 : memref<1x128x64xf32, #tpu.memory_space<vmem>> -> memref<128x64xf32, #tpu.memory_space<vmem>>
    tpu.wait_dma2 semaphore(%dma_wait3A_102 : memref<!tpu.dma_semaphore, #tpu.memory_space<semaphore_mem>>) src(%dma_wait3A_109 : memref<128x64xf32, #tpu.memory_space<vmem>>) dst(%dma_wait3A_105 : memref<128x64xf32, #tpu.memory_space<vmem_shared>>)
    %dma_wait3A_110 = arith.constant 1 : i32
    %dma_wait3A_111 = arith.constant 1 : i32
    %dma_wait3A_112 = arith.constant 0 : i32
    %dma_wait3A_113 = arith.constant 0 : i32
    %dma_wait3A_114 = tpu.memref_slice %arg10[%dma_wait3A_110, %dma_wait3A_112, %dma_wait3A_113] : memref<3x128x64xf32, #tpu.memory_space<vmem>> -> memref<1x128x64xf32, #tpu.memory_space<vmem>>
    %dma_wait3A_115 = tpu.memref_squeeze %dma_wait3A_114 : memref<1x128x64xf32, #tpu.memory_space<vmem>> -> memref<128x64xf32, #tpu.memory_space<vmem>>
    %dma_wait3A_116 = arith.constant 0 : i32
    %dma_wait3A_117 = arith.constant 0 : i32
    %dma_wait3A_118 = tpu.memref_slice %arg13[%dma_wait3A_116, %dma_wait3A_117] : memref<10112x64xf32, #tpu.memory_space<vmem_shared>> -> memref<128x64xf32, #tpu.memory_space<vmem_shared>>
    %dma_wait3A_119 = tpu.memref_slice %arg16[%dma_wait3A_111] : memref<3x!tpu.dma_semaphore, #tpu.memory_space<semaphore_mem>> -> memref<1x!tpu.dma_semaphore, #tpu.memory_space<semaphore_mem>>
    %dma_wait3A_120 = tpu.memref_squeeze %dma_wait3A_119 : memref<1x!tpu.dma_semaphore, #tpu.memory_space<semaphore_mem>> -> memref<!tpu.dma_semaphore, #tpu.memory_space<semaphore_mem>>
    %dma_wait3A_121 = arith.constant 0 : i32
    %dma_wait3A_122 = arith.constant 0 : i32
    %dma_wait3A_123 = tpu.memref_slice %arg13[%dma_wait3A_121, %dma_wait3A_122] : memref<10112x64xf32, #tpu.memory_space<vmem_shared>> -> memref<128x64xf32, #tpu.memory_space<vmem_shared>>
    %dma_wait3A_124 = arith.constant 0 : i32
    %dma_wait3A_125 = arith.constant 0 : i32
    %dma_wait3A_126 = tpu.memref_slice %arg10[%dma_wait3A_110, %dma_wait3A_124, %dma_wait3A_125] : memref<3x128x64xf32, #tpu.memory_space<vmem>> -> memref<1x128x64xf32, #tpu.memory_space<vmem>>
    %dma_wait3A_127 = tpu.memref_squeeze %dma_wait3A_126 : memref<1x128x64xf32, #tpu.memory_space<vmem>> -> memref<128x64xf32, #tpu.memory_space<vmem>>
    tpu.wait_dma2 semaphore(%dma_wait3A_120 : memref<!tpu.dma_semaphore, #tpu.memory_space<semaphore_mem>>) src(%dma_wait3A_127 : memref<128x64xf32, #tpu.memory_space<vmem>>) dst(%dma_wait3A_123 : memref<128x64xf32, #tpu.memory_space<vmem_shared>>)
    %dma_wait3A_128 = arith.constant 2 : i32
    %dma_wait3A_129 = arith.constant 2 : i32
    %dma_wait3A_130 = arith.constant 0 : i32
    %dma_wait3A_131 = arith.constant 0 : i32
    %dma_wait3A_132 = tpu.memref_slice %arg10[%dma_wait3A_128, %dma_wait3A_130, %dma_wait3A_131] : memref<3x128x64xf32, #tpu.memory_space<vmem>> -> memref<1x128x64xf32, #tpu.memory_space<vmem>>
    %dma_wait3A_133 = tpu.memref_squeeze %dma_wait3A_132 : memref<1x128x64xf32, #tpu.memory_space<vmem>> -> memref<128x64xf32, #tpu.memory_space<vmem>>
    %dma_wait3A_134 = arith.constant 0 : i32
    %dma_wait3A_135 = arith.constant 0 : i32
    %dma_wait3A_136 = tpu.memref_slice %arg13[%dma_wait3A_134, %dma_wait3A_135] : memref<10112x64xf32, #tpu.memory_space<vmem_shared>> -> memref<128x64xf32, #tpu.memory_space<vmem_shared>>
    %dma_wait3A_137 = tpu.memref_slice %arg16[%dma_wait3A_129] : memref<3x!tpu.dma_semaphore, #tpu.memory_space<semaphore_mem>> -> memref<1x!tpu.dma_semaphore, #tpu.memory_space<semaphore_mem>>
    %dma_wait3A_138 = tpu.memref_squeeze %dma_wait3A_137 : memref<1x!tpu.dma_semaphore, #tpu.memory_space<semaphore_mem>> -> memref<!tpu.dma_semaphore, #tpu.memory_space<semaphore_mem>>
    %dma_wait3A_139 = arith.constant 0 : i32
    %dma_wait3A_140 = arith.constant 0 : i32
    %dma_wait3A_141 = tpu.memref_slice %arg13[%dma_wait3A_139, %dma_wait3A_140] : memref<10112x64xf32, #tpu.memory_space<vmem_shared>> -> memref<128x64xf32, #tpu.memory_space<vmem_shared>>
    %dma_wait3A_142 = arith.constant 0 : i32
    %dma_wait3A_143 = arith.constant 0 : i32
    %dma_wait3A_144 = tpu.memref_slice %arg10[%dma_wait3A_128, %dma_wait3A_142, %dma_wait3A_143] : memref<3x128x64xf32, #tpu.memory_space<vmem>> -> memref<1x128x64xf32, #tpu.memory_space<vmem>>
    %dma_wait3A_145 = tpu.memref_squeeze %dma_wait3A_144 : memref<1x128x64xf32, #tpu.memory_space<vmem>> -> memref<128x64xf32, #tpu.memory_space<vmem>>
    tpu.wait_dma2 semaphore(%dma_wait3A_138 : memref<!tpu.dma_semaphore, #tpu.memory_space<semaphore_mem>>) src(%dma_wait3A_145 : memref<128x64xf32, #tpu.memory_space<vmem>>) dst(%dma_wait3A_141 : memref<128x64xf32, #tpu.memory_space<vmem_shared>>)
    %dma_start3A_146 = arith.constant 0 : i32
    %dma_start3A_147 = arith.constant 0 : i32
    %dma_start3A_148 = arith.constant 0 : i32
    %dma_start3A_149 = arith.constant 0 : i32
    %dma_start3A_150 = tpu.memref_slice %arg10[%dma_start3A_146, %dma_start3A_148, %dma_start3A_149] : memref<3x128x64xf32, #tpu.memory_space<vmem>> -> memref<1x16x64xf32, #tpu.memory_space<vmem>>
    %dma_start3A_151 = tpu.memref_squeeze %dma_start3A_150 : memref<1x16x64xf32, #tpu.memory_space<vmem>> -> memref<16x64xf32, #tpu.memory_space<vmem>>
    %dma_start3A_152 = arith.constant 9984 : i32
    %dma_start3A_153 = tpu.memref_slice %arg8[%dma_start3A_152] : memref<10000xi32, #tpu.memory_space<vmem>> -> memref<16xi32, #tpu.memory_space<vmem>>
    %dma_start3A_154 = arith.constant 0 : i32
    %dma_start3A_155 = arith.constant 0 : i32
    %dma_start3A_156 = tpu.memref_slice %arg12[%dma_start3A_154, %dma_start3A_155] : memref<10000x64xf32, #tpu.memory_space<vmem_shared>> -> memref<10000x64xf32, #tpu.memory_space<vmem_shared>>
    %dma_start3A_157 = tpu.memref_slice %arg15[%dma_start3A_147] : memref<3x!tpu.dma_semaphore, #tpu.memory_space<semaphore_mem>> -> memref<1x!tpu.dma_semaphore, #tpu.memory_space<semaphore_mem>>
    %dma_start3A_158 = tpu.memref_squeeze %dma_start3A_157 : memref<1x!tpu.dma_semaphore, #tpu.memory_space<semaphore_mem>> -> memref<!tpu.dma_semaphore, #tpu.memory_space<semaphore_mem>>
    tpu.enqueue_indirect_dma source(%dma_start3A_156 : memref<10000x64xf32, #tpu.memory_space<vmem_shared>>) target(%dma_start3A_151 : memref<16x64xf32, #tpu.memory_space<vmem>>) offsets(%dma_start3A_153 : memref<16xi32, #tpu.memory_space<vmem>>) semaphore(%dma_start3A_158 : memref<!tpu.dma_semaphore, #tpu.memory_space<semaphore_mem>>)
    %dma_wait3A_159 = arith.constant 0 : i32
    %dma_wait3A_160 = arith.constant 0 : i32
    %dma_wait3A_161 = arith.constant 0 : i32
    %dma_wait3A_162 = arith.constant 0 : i32
    %dma_wait3A_163 = tpu.memref_slice %arg10[%dma_wait3A_159, %dma_wait3A_161, %dma_wait3A_162] : memref<3x128x64xf32, #tpu.memory_space<vmem>> -> memref<1x16x64xf32, #tpu.memory_space<vmem>>
    %dma_wait3A_164 = tpu.memref_squeeze %dma_wait3A_163 : memref<1x16x64xf32, #tpu.memory_space<vmem>> -> memref<16x64xf32, #tpu.memory_space<vmem>>
    %dma_wait3A_165 = arith.constant 9984 : i32
    %dma_wait3A_166 = tpu.memref_slice %arg8[%dma_wait3A_165] : memref<10000xi32, #tpu.memory_space<vmem>> -> memref<16xi32, #tpu.memory_space<vmem>>
    %dma_wait3A_167 = arith.constant 0 : i32
    %dma_wait3A_168 = arith.constant 0 : i32
    %dma_wait3A_169 = tpu.memref_slice %arg12[%dma_wait3A_167, %dma_wait3A_168] : memref<10000x64xf32, #tpu.memory_space<vmem_shared>> -> memref<10000x64xf32, #tpu.memory_space<vmem_shared>>
    %dma_wait3A_170 = tpu.memref_slice %arg15[%dma_wait3A_160] : memref<3x!tpu.dma_semaphore, #tpu.memory_space<semaphore_mem>> -> memref<1x!tpu.dma_semaphore, #tpu.memory_space<semaphore_mem>>
    %dma_wait3A_171 = tpu.memref_squeeze %dma_wait3A_170 : memref<1x!tpu.dma_semaphore, #tpu.memory_space<semaphore_mem>> -> memref<!tpu.dma_semaphore, #tpu.memory_space<semaphore_mem>>
    tpu.wait_indirect_dma semaphore(%dma_wait3A_171 : memref<!tpu.dma_semaphore, #tpu.memory_space<semaphore_mem>>) src(%dma_wait3A_169 : memref<10000x64xf32, #tpu.memory_space<vmem_shared>>) dst(%dma_wait3A_164 : memref<16x64xf32, #tpu.memory_space<vmem>>)
    %run_scoped3A_172 = arith.constant 0 : i32
    "tpu.region"() ({
      %run_scoped3A_494 = tpu.sem_alloc : memref<!tpu.dma_semaphore, #tpu.memory_space<semaphore_mem>>
      %dma_start3A_495 = arith.constant 0 : i32
      %dma_start3A_496 = arith.constant 0 : i32
      %dma_start3A_497 = tpu.memref_slice %arg10[%run_scoped3A_172, %dma_start3A_495, %dma_start3A_496] : memref<3x128x64xf32, #tpu.memory_space<vmem>> -> memref<1x16x64xf32, #tpu.memory_space<vmem>>
      %dma_start3A_498 = tpu.memref_squeeze %dma_start3A_497 : memref<1x16x64xf32, #tpu.memory_space<vmem>> -> memref<16x64xf32, #tpu.memory_space<vmem>>
      %dma_start3A_499 = arith.constant 9984 : i32
      %dma_start3A_500 = tpu.memref_slice %arg9[%dma_start3A_499] : memref<10000xi32, #tpu.memory_space<vmem>> -> memref<16xi32, #tpu.memory_space<vmem>>
      %dma_start3A_501 = arith.constant 0 : i32
      %dma_start3A_502 = arith.constant 0 : i32
      %dma_start3A_503 = tpu.memref_slice %arg13[%dma_start3A_501, %dma_start3A_502] : memref<10112x64xf32, #tpu.memory_space<vmem_shared>> -> memref<10112x64xf32, #tpu.memory_space<vmem_shared>>
      tpu.enqueue_indirect_dma source(%dma_start3A_498 : memref<16x64xf32, #tpu.memory_space<vmem>>) target(%dma_start3A_503 : memref<10112x64xf32, #tpu.memory_space<vmem_shared>>) offsets(%dma_start3A_500 : memref<16xi32, #tpu.memory_space<vmem>>) semaphore(%run_scoped3A_494 : memref<!tpu.dma_semaphore, #tpu.memory_space<semaphore_mem>>) {add = true}
      %dma_wait3A_504 = arith.constant 0 : i32
      %dma_wait3A_505 = arith.constant 0 : i32
      %dma_wait3A_506 = tpu.memref_slice %arg10[%run_scoped3A_172, %dma_wait3A_504, %dma_wait3A_505] : memref<3x128x64xf32, #tpu.memory_space<vmem>> -> memref<1x16x64xf32, #tpu.memory_space<vmem>>
      %dma_wait3A_507 = tpu.memref_squeeze %dma_wait3A_506 : memref<1x16x64xf32, #tpu.memory_space<vmem>> -> memref<16x64xf32, #tpu.memory_space<vmem>>
      %dma_wait3A_508 = arith.constant 9984 : i32
      %dma_wait3A_509 = tpu.memref_slice %arg9[%dma_wait3A_508] : memref<10000xi32, #tpu.memory_space<vmem>> -> memref<16xi32, #tpu.memory_space<vmem>>
      %dma_wait3A_510 = arith.constant 0 : i32
      %dma_wait3A_511 = arith.constant 0 : i32
      %dma_wait3A_512 = tpu.memref_slice %arg13[%dma_wait3A_510, %dma_wait3A_511] : memref<10112x64xf32, #tpu.memory_space<vmem_shared>> -> memref<10112x64xf32, #tpu.memory_space<vmem_shared>>
      tpu.wait_indirect_dma semaphore(%run_scoped3A_494 : memref<!tpu.dma_semaphore, #tpu.memory_space<semaphore_mem>>) src(%dma_wait3A_507 : memref<16x64xf32, #tpu.memory_space<vmem>>) dst(%dma_wait3A_512 : memref<10112x64xf32, #tpu.memory_space<vmem_shared>>)
      tpu.yield
    }) : () -> ()
    "tpu.region"() ({
      %run_scoped3A_494 = tpu.sem_alloc : memref<!tpu.dma_semaphore, #tpu.memory_space<semaphore_mem>>
      %dma_start3A_495 = arith.constant 0 : i32
      %dma_start3A_496 = tpu.memref_slice %arg11[%dma_start3A_495] : memref<128xf32, #tpu.memory_space<vmem>> -> memref<16xf32, #tpu.memory_space<vmem>>
      %dma_start3A_497 = arith.constant 9984 : i32
      %dma_start3A_498 = tpu.memref_slice %arg9[%dma_start3A_497] : memref<10000xi32, #tpu.memory_space<vmem>> -> memref<16xi32, #tpu.memory_space<vmem>>
      %dma_start3A_499 = arith.constant 0 : i32
      %dma_start3A_500 = tpu.memref_slice %arg14[%dma_start3A_499] : memref<10112xf32, #tpu.memory_space<vmem_shared>> -> memref<10112xf32, #tpu.memory_space<vmem_shared>>
      tpu.enqueue_indirect_dma source(%dma_start3A_496 : memref<16xf32, #tpu.memory_space<vmem>>) target(%dma_start3A_500 : memref<10112xf32, #tpu.memory_space<vmem_shared>>) offsets(%dma_start3A_498 : memref<16xi32, #tpu.memory_space<vmem>>) semaphore(%run_scoped3A_494 : memref<!tpu.dma_semaphore, #tpu.memory_space<semaphore_mem>>) {add = true}
      %dma_wait3A_501 = arith.constant 0 : i32
      %dma_wait3A_502 = tpu.memref_slice %arg11[%dma_wait3A_501] : memref<128xf32, #tpu.memory_space<vmem>> -> memref<16xf32, #tpu.memory_space<vmem>>
      %dma_wait3A_503 = arith.constant 9984 : i32
      %dma_wait3A_504 = tpu.memref_slice %arg9[%dma_wait3A_503] : memref<10000xi32, #tpu.memory_space<vmem>> -> memref<16xi32, #tpu.memory_space<vmem>>
      %dma_wait3A_505 = arith.constant 0 : i32
      %dma_wait3A_506 = tpu.memref_slice %arg14[%dma_wait3A_505] : memref<10112xf32, #tpu.memory_space<vmem_shared>> -> memref<10112xf32, #tpu.memory_space<vmem_shared>>
      tpu.wait_indirect_dma semaphore(%run_scoped3A_494 : memref<!tpu.dma_semaphore, #tpu.memory_space<semaphore_mem>>) src(%dma_wait3A_502 : memref<16xf32, #tpu.memory_space<vmem>>) dst(%dma_wait3A_506 : memref<10112xf32, #tpu.memory_space<vmem_shared>>)
      tpu.yield
    }) : () -> ()
    %dma_wait3A_173 = arith.constant 0 : i32
    %dma_wait3A_174 = tpu.memref_slice %arg14[%dma_wait3A_173] : memref<10112xf32, #tpu.memory_space<vmem_shared>> -> memref<128xf32, #tpu.memory_space<vmem_shared>>
    %dma_wait3A_175 = arith.constant 0 : i32
    %dma_wait3A_176 = tpu.memref_slice %arg14[%dma_wait3A_175] : memref<10112xf32, #tpu.memory_space<vmem_shared>> -> memref<128xf32, #tpu.memory_space<vmem_shared>>
    tpu.wait_dma2 semaphore(%arg17 : memref<!tpu.dma_semaphore, #tpu.memory_space<semaphore_mem>>) src(%arg11 : memref<128xf32, #tpu.memory_space<vmem>>) dst(%dma_wait3A_176 : memref<128xf32, #tpu.memory_space<vmem_shared>>)
    %dma_wait3A_177 = arith.constant 0 : i32
    %dma_wait3A_178 = tpu.memref_slice %arg14[%dma_wait3A_177] : memref<10112xf32, #tpu.memory_space<vmem_shared>> -> memref<128xf32, #tpu.memory_space<vmem_shared>>
    %dma_wait3A_179 = arith.constant 0 : i32
    %dma_wait3A_180 = tpu.memref_slice %arg14[%dma_wait3A_179] : memref<10112xf32, #tpu.memory_space<vmem_shared>> -> memref<128xf32, #tpu.memory_space<vmem_shared>>
    tpu.wait_dma2 semaphore(%arg17 : memref<!tpu.dma_semaphore, #tpu.memory_space<semaphore_mem>>) src(%arg11 : memref<128xf32, #tpu.memory_space<vmem>>) dst(%dma_wait3A_180 : memref<128xf32, #tpu.memory_space<vmem_shared>>)
    %dma_wait3A_181 = arith.constant 0 : i32
    %dma_wait3A_182 = tpu.memref_slice %arg14[%dma_wait3A_181] : memref<10112xf32, #tpu.memory_space<vmem_shared>> -> memref<128xf32, #tpu.memory_space<vmem_shared>>
    %dma_wait3A_183 = arith.constant 0 : i32
    %dma_wait3A_184 = tpu.memref_slice %arg14[%dma_wait3A_183] : memref<10112xf32, #tpu.memory_space<vmem_shared>> -> memref<128xf32, #tpu.memory_space<vmem_shared>>
    tpu.wait_dma2 semaphore(%arg17 : memref<!tpu.dma_semaphore, #tpu.memory_space<semaphore_mem>>) src(%arg11 : memref<128xf32, #tpu.memory_space<vmem>>) dst(%dma_wait3A_184 : memref<128xf32, #tpu.memory_space<vmem_shared>>)
    %dma_wait3A_185 = arith.constant 0 : i32
    %dma_wait3A_186 = tpu.memref_slice %arg14[%dma_wait3A_185] : memref<10112xf32, #tpu.memory_space<vmem_shared>> -> memref<128xf32, #tpu.memory_space<vmem_shared>>
    %dma_wait3A_187 = arith.constant 0 : i32
    %dma_wait3A_188 = tpu.memref_slice %arg14[%dma_wait3A_187] : memref<10112xf32, #tpu.memory_space<vmem_shared>> -> memref<128xf32, #tpu.memory_space<vmem_shared>>
    tpu.wait_dma2 semaphore(%arg17 : memref<!tpu.dma_semaphore, #tpu.memory_space<semaphore_mem>>) src(%arg11 : memref<128xf32, #tpu.memory_space<vmem>>) dst(%dma_wait3A_188 : memref<128xf32, #tpu.memory_space<vmem_shared>>)
    %dma_wait3A_189 = arith.constant 0 : i32
    %dma_wait3A_190 = tpu.memref_slice %arg14[%dma_wait3A_189] : memref<10112xf32, #tpu.memory_space<vmem_shared>> -> memref<128xf32, #tpu.memory_space<vmem_shared>>
    %dma_wait3A_191 = arith.constant 0 : i32
    %dma_wait3A_192 = tpu.memref_slice %arg14[%dma_wait3A_191] : memref<10112xf32, #tpu.memory_space<vmem_shared>> -> memref<128xf32, #tpu.memory_space<vmem_shared>>
    tpu.wait_dma2 semaphore(%arg17 : memref<!tpu.dma_semaphore, #tpu.memory_space<semaphore_mem>>) src(%arg11 : memref<128xf32, #tpu.memory_space<vmem>>) dst(%dma_wait3A_192 : memref<128xf32, #tpu.memory_space<vmem_shared>>)
    %dma_wait3A_193 = arith.constant 0 : i32
    %dma_wait3A_194 = tpu.memref_slice %arg14[%dma_wait3A_193] : memref<10112xf32, #tpu.memory_space<vmem_shared>> -> memref<128xf32, #tpu.memory_space<vmem_shared>>
    %dma_wait3A_195 = arith.constant 0 : i32
    %dma_wait3A_196 = tpu.memref_slice %arg14[%dma_wait3A_195] : memref<10112xf32, #tpu.memory_space<vmem_shared>> -> memref<128xf32, #tpu.memory_space<vmem_shared>>
    tpu.wait_dma2 semaphore(%arg17 : memref<!tpu.dma_semaphore, #tpu.memory_space<semaphore_mem>>) src(%arg11 : memref<128xf32, #tpu.memory_space<vmem>>) dst(%dma_wait3A_196 : memref<128xf32, #tpu.memory_space<vmem_shared>>)
    %dma_wait3A_197 = arith.constant 0 : i32
    %dma_wait3A_198 = tpu.memref_slice %arg14[%dma_wait3A_197] : memref<10112xf32, #tpu.memory_space<vmem_shared>> -> memref<128xf32, #tpu.memory_space<vmem_shared>>
    %dma_wait3A_199 = arith.constant 0 : i32
    %dma_wait3A_200 = tpu.memref_slice %arg14[%dma_wait3A_199] : memref<10112xf32, #tpu.memory_space<vmem_shared>> -> memref<128xf32, #tpu.memory_space<vmem_shared>>
    tpu.wait_dma2 semaphore(%arg17 : memref<!tpu.dma_semaphore, #tpu.memory_space<semaphore_mem>>) src(%arg11 : memref<128xf32, #tpu.memory_space<vmem>>) dst(%dma_wait3A_200 : memref<128xf32, #tpu.memory_space<vmem_shared>>)
    %dma_wait3A_201 = arith.constant 0 : i32
    %dma_wait3A_202 = tpu.memref_slice %arg14[%dma_wait3A_201] : memref<10112xf32, #tpu.memory_space<vmem_shared>> -> memref<128xf32, #tpu.memory_space<vmem_shared>>
    %dma_wait3A_203 = arith.constant 0 : i32
    %dma_wait3A_204 = tpu.memref_slice %arg14[%dma_wait3A_203] : memref<10112xf32, #tpu.memory_space<vmem_shared>> -> memref<128xf32, #tpu.memory_space<vmem_shared>>
    tpu.wait_dma2 semaphore(%arg17 : memref<!tpu.dma_semaphore, #tpu.memory_space<semaphore_mem>>) src(%arg11 : memref<128xf32, #tpu.memory_space<vmem>>) dst(%dma_wait3A_204 : memref<128xf32, #tpu.memory_space<vmem_shared>>)
    %dma_wait3A_205 = arith.constant 0 : i32
    %dma_wait3A_206 = tpu.memref_slice %arg14[%dma_wait3A_205] : memref<10112xf32, #tpu.memory_space<vmem_shared>> -> memref<128xf32, #tpu.memory_space<vmem_shared>>
    %dma_wait3A_207 = arith.constant 0 : i32
    %dma_wait3A_208 = tpu.memref_slice %arg14[%dma_wait3A_207] : memref<10112xf32, #tpu.memory_space<vmem_shared>> -> memref<128xf32, #tpu.memory_space<vmem_shared>>
    tpu.wait_dma2 semaphore(%arg17 : memref<!tpu.dma_semaphore, #tpu.memory_space<semaphore_mem>>) src(%arg11 : memref<128xf32, #tpu.memory_space<vmem>>) dst(%dma_wait3A_208 : memref<128xf32, #tpu.memory_space<vmem_shared>>)
    %dma_wait3A_209 = arith.constant 0 : i32
    %dma_wait3A_210 = tpu.memref_slice %arg14[%dma_wait3A_209] : memref<10112xf32, #tpu.memory_space<vmem_shared>> -> memref<128xf32, #tpu.memory_space<vmem_shared>>
    %dma_wait3A_211 = arith.constant 0 : i32
    %dma_wait3A_212 = tpu.memref_slice %arg14[%dma_wait3A_211] : memref<10112xf32, #tpu.memory_space<vmem_shared>> -> memref<128xf32, #tpu.memory_space<vmem_shared>>
    tpu.wait_dma2 semaphore(%arg17 : memref<!tpu.dma_semaphore, #tpu.memory_space<semaphore_mem>>) src(%arg11 : memref<128xf32, #tpu.memory_space<vmem>>) dst(%dma_wait3A_212 : memref<128xf32, #tpu.memory_space<vmem_shared>>)
    %dma_wait3A_213 = arith.constant 0 : i32
    %dma_wait3A_214 = tpu.memref_slice %arg14[%dma_wait3A_213] : memref<10112xf32, #tpu.memory_space<vmem_shared>> -> memref<128xf32, #tpu.memory_space<vmem_shared>>
    %dma_wait3A_215 = arith.constant 0 : i32
    %dma_wait3A_216 = tpu.memref_slice %arg14[%dma_wait3A_215] : memref<10112xf32, #tpu.memory_space<vmem_shared>> -> memref<128xf32, #tpu.memory_space<vmem_shared>>
    tpu.wait_dma2 semaphore(%arg17 : memref<!tpu.dma_semaphore, #tpu.memory_space<semaphore_mem>>) src(%arg11 : memref<128xf32, #tpu.memory_space<vmem>>) dst(%dma_wait3A_216 : memref<128xf32, #tpu.memory_space<vmem_shared>>)
    %dma_wait3A_217 = arith.constant 0 : i32
    %dma_wait3A_218 = tpu.memref_slice %arg14[%dma_wait3A_217] : memref<10112xf32, #tpu.memory_space<vmem_shared>> -> memref<128xf32, #tpu.memory_space<vmem_shared>>
    %dma_wait3A_219 = arith.constant 0 : i32
    %dma_wait3A_220 = tpu.memref_slice %arg14[%dma_wait3A_219] : memref<10112xf32, #tpu.memory_space<vmem_shared>> -> memref<128xf32, #tpu.memory_space<vmem_shared>>
    tpu.wait_dma2 semaphore(%arg17 : memref<!tpu.dma_semaphore, #tpu.memory_space<semaphore_mem>>) src(%arg11 : memref<128xf32, #tpu.memory_space<vmem>>) dst(%dma_wait3A_220 : memref<128xf32, #tpu.memory_space<vmem_shared>>)
    %dma_wait3A_221 = arith.constant 0 : i32
    %dma_wait3A_222 = tpu.memref_slice %arg14[%dma_wait3A_221] : memref<10112xf32, #tpu.memory_space<vmem_shared>> -> memref<128xf32, #tpu.memory_space<vmem_shared>>
    %dma_wait3A_223 = arith.constant 0 : i32
    %dma_wait3A_224 = tpu.memref_slice %arg14[%dma_wait3A_223] : memref<10112xf32, #tpu.memory_space<vmem_shared>> -> memref<128xf32, #tpu.memory_space<vmem_shared>>
    tpu.wait_dma2 semaphore(%arg17 : memref<!tpu.dma_semaphore, #tpu.memory_space<semaphore_mem>>) src(%arg11 : memref<128xf32, #tpu.memory_space<vmem>>) dst(%dma_wait3A_224 : memref<128xf32, #tpu.memory_space<vmem_shared>>)
    %dma_wait3A_225 = arith.constant 0 : i32
    %dma_wait3A_226 = tpu.memref_slice %arg14[%dma_wait3A_225] : memref<10112xf32, #tpu.memory_space<vmem_shared>> -> memref<128xf32, #tpu.memory_space<vmem_shared>>
    %dma_wait3A_227 = arith.constant 0 : i32
    %dma_wait3A_228 = tpu.memref_slice %arg14[%dma_wait3A_227] : memref<10112xf32, #tpu.memory_space<vmem_shared>> -> memref<128xf32, #tpu.memory_space<vmem_shared>>
    tpu.wait_dma2 semaphore(%arg17 : memref<!tpu.dma_semaphore, #tpu.memory_space<semaphore_mem>>) src(%arg11 : memref<128xf32, #tpu.memory_space<vmem>>) dst(%dma_wait3A_228 : memref<128xf32, #tpu.memory_space<vmem_shared>>)
    %dma_wait3A_229 = arith.constant 0 : i32
    %dma_wait3A_230 = tpu.memref_slice %arg14[%dma_wait3A_229] : memref<10112xf32, #tpu.memory_space<vmem_shared>> -> memref<128xf32, #tpu.memory_space<vmem_shared>>
    %dma_wait3A_231 = arith.constant 0 : i32
    %dma_wait3A_232 = tpu.memref_slice %arg14[%dma_wait3A_231] : memref<10112xf32, #tpu.memory_space<vmem_shared>> -> memref<128xf32, #tpu.memory_space<vmem_shared>>
    tpu.wait_dma2 semaphore(%arg17 : memref<!tpu.dma_semaphore, #tpu.memory_space<semaphore_mem>>) src(%arg11 : memref<128xf32, #tpu.memory_space<vmem>>) dst(%dma_wait3A_232 : memref<128xf32, #tpu.memory_space<vmem_shared>>)
    %dma_wait3A_233 = arith.constant 0 : i32
    %dma_wait3A_234 = tpu.memref_slice %arg14[%dma_wait3A_233] : memref<10112xf32, #tpu.memory_space<vmem_shared>> -> memref<128xf32, #tpu.memory_space<vmem_shared>>
    %dma_wait3A_235 = arith.constant 0 : i32
    %dma_wait3A_236 = tpu.memref_slice %arg14[%dma_wait3A_235] : memref<10112xf32, #tpu.memory_space<vmem_shared>> -> memref<128xf32, #tpu.memory_space<vmem_shared>>
    tpu.wait_dma2 semaphore(%arg17 : memref<!tpu.dma_semaphore, #tpu.memory_space<semaphore_mem>>) src(%arg11 : memref<128xf32, #tpu.memory_space<vmem>>) dst(%dma_wait3A_236 : memref<128xf32, #tpu.memory_space<vmem_shared>>)
    %dma_wait3A_237 = arith.constant 0 : i32
    %dma_wait3A_238 = tpu.memref_slice %arg14[%dma_wait3A_237] : memref<10112xf32, #tpu.memory_space<vmem_shared>> -> memref<128xf32, #tpu.memory_space<vmem_shared>>
    %dma_wait3A_239 = arith.constant 0 : i32
    %dma_wait3A_240 = tpu.memref_slice %arg14[%dma_wait3A_239] : memref<10112xf32, #tpu.memory_space<vmem_shared>> -> memref<128xf32, #tpu.memory_space<vmem_shared>>
    tpu.wait_dma2 semaphore(%arg17 : memref<!tpu.dma_semaphore, #tpu.memory_space<semaphore_mem>>) src(%arg11 : memref<128xf32, #tpu.memory_space<vmem>>) dst(%dma_wait3A_240 : memref<128xf32, #tpu.memory_space<vmem_shared>>)
    %dma_wait3A_241 = arith.constant 0 : i32
    %dma_wait3A_242 = tpu.memref_slice %arg14[%dma_wait3A_241] : memref<10112xf32, #tpu.memory_space<vmem_shared>> -> memref<128xf32, #tpu.memory_space<vmem_shared>>
    %dma_wait3A_243 = arith.constant 0 : i32
    %dma_wait3A_244 = tpu.memref_slice %arg14[%dma_wait3A_243] : memref<10112xf32, #tpu.memory_space<vmem_shared>> -> memref<128xf32, #tpu.memory_space<vmem_shared>>
    tpu.wait_dma2 semaphore(%arg17 : memref<!tpu.dma_semaphore, #tpu.memory_space<semaphore_mem>>) src(%arg11 : memref<128xf32, #tpu.memory_space<vmem>>) dst(%dma_wait3A_244 : memref<128xf32, #tpu.memory_space<vmem_shared>>)
    %dma_wait3A_245 = arith.constant 0 : i32
    %dma_wait3A_246 = tpu.memref_slice %arg14[%dma_wait3A_245] : memref<10112xf32, #tpu.memory_space<vmem_shared>> -> memref<128xf32, #tpu.memory_space<vmem_shared>>
    %dma_wait3A_247 = arith.constant 0 : i32
    %dma_wait3A_248 = tpu.memref_slice %arg14[%dma_wait3A_247] : memref<10112xf32, #tpu.memory_space<vmem_shared>> -> memref<128xf32, #tpu.memory_space<vmem_shared>>
    tpu.wait_dma2 semaphore(%arg17 : memref<!tpu.dma_semaphore, #tpu.memory_space<semaphore_mem>>) src(%arg11 : memref<128xf32, #tpu.memory_space<vmem>>) dst(%dma_wait3A_248 : memref<128xf32, #tpu.memory_space<vmem_shared>>)
    %dma_wait3A_249 = arith.constant 0 : i32
    %dma_wait3A_250 = tpu.memref_slice %arg14[%dma_wait3A_249] : memref<10112xf32, #tpu.memory_space<vmem_shared>> -> memref<128xf32, #tpu.memory_space<vmem_shared>>
    %dma_wait3A_251 = arith.constant 0 : i32
    %dma_wait3A_252 = tpu.memref_slice %arg14[%dma_wait3A_251] : memref<10112xf32, #tpu.memory_space<vmem_shared>> -> memref<128xf32, #tpu.memory_space<vmem_shared>>
    tpu.wait_dma2 semaphore(%arg17 : memref<!tpu.dma_semaphore, #tpu.memory_space<semaphore_mem>>) src(%arg11 : memref<128xf32, #tpu.memory_space<vmem>>) dst(%dma_wait3A_252 : memref<128xf32, #tpu.memory_space<vmem_shared>>)
    %dma_wait3A_253 = arith.constant 0 : i32
    %dma_wait3A_254 = tpu.memref_slice %arg14[%dma_wait3A_253] : memref<10112xf32, #tpu.memory_space<vmem_shared>> -> memref<128xf32, #tpu.memory_space<vmem_shared>>
    %dma_wait3A_255 = arith.constant 0 : i32
    %dma_wait3A_256 = tpu.memref_slice %arg14[%dma_wait3A_255] : memref<10112xf32, #tpu.memory_space<vmem_shared>> -> memref<128xf32, #tpu.memory_space<vmem_shared>>
    tpu.wait_dma2 semaphore(%arg17 : memref<!tpu.dma_semaphore, #tpu.memory_space<semaphore_mem>>) src(%arg11 : memref<128xf32, #tpu.memory_space<vmem>>) dst(%dma_wait3A_256 : memref<128xf32, #tpu.memory_space<vmem_shared>>)
    %dma_wait3A_257 = arith.constant 0 : i32
    %dma_wait3A_258 = tpu.memref_slice %arg14[%dma_wait3A_257] : memref<10112xf32, #tpu.memory_space<vmem_shared>> -> memref<128xf32, #tpu.memory_space<vmem_shared>>
    %dma_wait3A_259 = arith.constant 0 : i32
    %dma_wait3A_260 = tpu.memref_slice %arg14[%dma_wait3A_259] : memref<10112xf32, #tpu.memory_space<vmem_shared>> -> memref<128xf32, #tpu.memory_space<vmem_shared>>
    tpu.wait_dma2 semaphore(%arg17 : memref<!tpu.dma_semaphore, #tpu.memory_space<semaphore_mem>>) src(%arg11 : memref<128xf32, #tpu.memory_space<vmem>>) dst(%dma_wait3A_260 : memref<128xf32, #tpu.memory_space<vmem_shared>>)
    %dma_wait3A_261 = arith.constant 0 : i32
    %dma_wait3A_262 = tpu.memref_slice %arg14[%dma_wait3A_261] : memref<10112xf32, #tpu.memory_space<vmem_shared>> -> memref<128xf32, #tpu.memory_space<vmem_shared>>
    %dma_wait3A_263 = arith.constant 0 : i32
    %dma_wait3A_264 = tpu.memref_slice %arg14[%dma_wait3A_263] : memref<10112xf32, #tpu.memory_space<vmem_shared>> -> memref<128xf32, #tpu.memory_space<vmem_shared>>
    tpu.wait_dma2 semaphore(%arg17 : memref<!tpu.dma_semaphore, #tpu.memory_space<semaphore_mem>>) src(%arg11 : memref<128xf32, #tpu.memory_space<vmem>>) dst(%dma_wait3A_264 : memref<128xf32, #tpu.memory_space<vmem_shared>>)
    %dma_wait3A_265 = arith.constant 0 : i32
    %dma_wait3A_266 = tpu.memref_slice %arg14[%dma_wait3A_265] : memref<10112xf32, #tpu.memory_space<vmem_shared>> -> memref<128xf32, #tpu.memory_space<vmem_shared>>
    %dma_wait3A_267 = arith.constant 0 : i32
    %dma_wait3A_268 = tpu.memref_slice %arg14[%dma_wait3A_267] : memref<10112xf32, #tpu.memory_space<vmem_shared>> -> memref<128xf32, #tpu.memory_space<vmem_shared>>
    tpu.wait_dma2 semaphore(%arg17 : memref<!tpu.dma_semaphore, #tpu.memory_space<semaphore_mem>>) src(%arg11 : memref<128xf32, #tpu.memory_space<vmem>>) dst(%dma_wait3A_268 : memref<128xf32, #tpu.memory_space<vmem_shared>>)
    %dma_wait3A_269 = arith.constant 0 : i32
    %dma_wait3A_270 = tpu.memref_slice %arg14[%dma_wait3A_269] : memref<10112xf32, #tpu.memory_space<vmem_shared>> -> memref<128xf32, #tpu.memory_space<vmem_shared>>
    %dma_wait3A_271 = arith.constant 0 : i32
    %dma_wait3A_272 = tpu.memref_slice %arg14[%dma_wait3A_271] : memref<10112xf32, #tpu.memory_space<vmem_shared>> -> memref<128xf32, #tpu.memory_space<vmem_shared>>
    tpu.wait_dma2 semaphore(%arg17 : memref<!tpu.dma_semaphore, #tpu.memory_space<semaphore_mem>>) src(%arg11 : memref<128xf32, #tpu.memory_space<vmem>>) dst(%dma_wait3A_272 : memref<128xf32, #tpu.memory_space<vmem_shared>>)
    %dma_wait3A_273 = arith.constant 0 : i32
    %dma_wait3A_274 = tpu.memref_slice %arg14[%dma_wait3A_273] : memref<10112xf32, #tpu.memory_space<vmem_shared>> -> memref<128xf32, #tpu.memory_space<vmem_shared>>
    %dma_wait3A_275 = arith.constant 0 : i32
    %dma_wait3A_276 = tpu.memref_slice %arg14[%dma_wait3A_275] : memref<10112xf32, #tpu.memory_space<vmem_shared>> -> memref<128xf32, #tpu.memory_space<vmem_shared>>
    tpu.wait_dma2 semaphore(%arg17 : memref<!tpu.dma_semaphore, #tpu.memory_space<semaphore_mem>>) src(%arg11 : memref<128xf32, #tpu.memory_space<vmem>>) dst(%dma_wait3A_276 : memref<128xf32, #tpu.memory_space<vmem_shared>>)
    %dma_wait3A_277 = arith.constant 0 : i32
    %dma_wait3A_278 = tpu.memref_slice %arg14[%dma_wait3A_277] : memref<10112xf32, #tpu.memory_space<vmem_shared>> -> memref<128xf32, #tpu.memory_space<vmem_shared>>
    %dma_wait3A_279 = arith.constant 0 : i32
    %dma_wait3A_280 = tpu.memref_slice %arg14[%dma_wait3A_279] : memref<10112xf32, #tpu.memory_space<vmem_shared>> -> memref<128xf32, #tpu.memory_space<vmem_shared>>
    tpu.wait_dma2 semaphore(%arg17 : memref<!tpu.dma_semaphore, #tpu.memory_space<semaphore_mem>>) src(%arg11 : memref<128xf32, #tpu.memory_space<vmem>>) dst(%dma_wait3A_280 : memref<128xf32, #tpu.memory_space<vmem_shared>>)
    %dma_wait3A_281 = arith.constant 0 : i32
    %dma_wait3A_282 = tpu.memref_slice %arg14[%dma_wait3A_281] : memref<10112xf32, #tpu.memory_space<vmem_shared>> -> memref<128xf32, #tpu.memory_space<vmem_shared>>
    %dma_wait3A_283 = arith.constant 0 : i32
    %dma_wait3A_284 = tpu.memref_slice %arg14[%dma_wait3A_283] : memref<10112xf32, #tpu.memory_space<vmem_shared>> -> memref<128xf32, #tpu.memory_space<vmem_shared>>
    tpu.wait_dma2 semaphore(%arg17 : memref<!tpu.dma_semaphore, #tpu.memory_space<semaphore_mem>>) src(%arg11 : memref<128xf32, #tpu.memory_space<vmem>>) dst(%dma_wait3A_284 : memref<128xf32, #tpu.memory_space<vmem_shared>>)
    %dma_wait3A_285 = arith.constant 0 : i32
    %dma_wait3A_286 = tpu.memref_slice %arg14[%dma_wait3A_285] : memref<10112xf32, #tpu.memory_space<vmem_shared>> -> memref<128xf32, #tpu.memory_space<vmem_shared>>
    %dma_wait3A_287 = arith.constant 0 : i32
    %dma_wait3A_288 = tpu.memref_slice %arg14[%dma_wait3A_287] : memref<10112xf32, #tpu.memory_space<vmem_shared>> -> memref<128xf32, #tpu.memory_space<vmem_shared>>
    tpu.wait_dma2 semaphore(%arg17 : memref<!tpu.dma_semaphore, #tpu.memory_space<semaphore_mem>>) src(%arg11 : memref<128xf32, #tpu.memory_space<vmem>>) dst(%dma_wait3A_288 : memref<128xf32, #tpu.memory_space<vmem_shared>>)
    %dma_wait3A_289 = arith.constant 0 : i32
    %dma_wait3A_290 = tpu.memref_slice %arg14[%dma_wait3A_289] : memref<10112xf32, #tpu.memory_space<vmem_shared>> -> memref<128xf32, #tpu.memory_space<vmem_shared>>
    %dma_wait3A_291 = arith.constant 0 : i32
    %dma_wait3A_292 = tpu.memref_slice %arg14[%dma_wait3A_291] : memref<10112xf32, #tpu.memory_space<vmem_shared>> -> memref<128xf32, #tpu.memory_space<vmem_shared>>
    tpu.wait_dma2 semaphore(%arg17 : memref<!tpu.dma_semaphore, #tpu.memory_space<semaphore_mem>>) src(%arg11 : memref<128xf32, #tpu.memory_space<vmem>>) dst(%dma_wait3A_292 : memref<128xf32, #tpu.memory_space<vmem_shared>>)
    %dma_wait3A_293 = arith.constant 0 : i32
    %dma_wait3A_294 = tpu.memref_slice %arg14[%dma_wait3A_293] : memref<10112xf32, #tpu.memory_space<vmem_shared>> -> memref<128xf32, #tpu.memory_space<vmem_shared>>
    %dma_wait3A_295 = arith.constant 0 : i32
    %dma_wait3A_296 = tpu.memref_slice %arg14[%dma_wait3A_295] : memref<10112xf32, #tpu.memory_space<vmem_shared>> -> memref<128xf32, #tpu.memory_space<vmem_shared>>
    tpu.wait_dma2 semaphore(%arg17 : memref<!tpu.dma_semaphore, #tpu.memory_space<semaphore_mem>>) src(%arg11 : memref<128xf32, #tpu.memory_space<vmem>>) dst(%dma_wait3A_296 : memref<128xf32, #tpu.memory_space<vmem_shared>>)
    %dma_wait3A_297 = arith.constant 0 : i32
    %dma_wait3A_298 = tpu.memref_slice %arg14[%dma_wait3A_297] : memref<10112xf32, #tpu.memory_space<vmem_shared>> -> memref<128xf32, #tpu.memory_space<vmem_shared>>
    %dma_wait3A_299 = arith.constant 0 : i32
    %dma_wait3A_300 = tpu.memref_slice %arg14[%dma_wait3A_299] : memref<10112xf32, #tpu.memory_space<vmem_shared>> -> memref<128xf32, #tpu.memory_space<vmem_shared>>
    tpu.wait_dma2 semaphore(%arg17 : memref<!tpu.dma_semaphore, #tpu.memory_space<semaphore_mem>>) src(%arg11 : memref<128xf32, #tpu.memory_space<vmem>>) dst(%dma_wait3A_300 : memref<128xf32, #tpu.memory_space<vmem_shared>>)
    %dma_wait3A_301 = arith.constant 0 : i32
    %dma_wait3A_302 = tpu.memref_slice %arg14[%dma_wait3A_301] : memref<10112xf32, #tpu.memory_space<vmem_shared>> -> memref<128xf32, #tpu.memory_space<vmem_shared>>
    %dma_wait3A_303 = arith.constant 0 : i32
    %dma_wait3A_304 = tpu.memref_slice %arg14[%dma_wait3A_303] : memref<10112xf32, #tpu.memory_space<vmem_shared>> -> memref<128xf32, #tpu.memory_space<vmem_shared>>
    tpu.wait_dma2 semaphore(%arg17 : memref<!tpu.dma_semaphore, #tpu.memory_space<semaphore_mem>>) src(%arg11 : memref<128xf32, #tpu.memory_space<vmem>>) dst(%dma_wait3A_304 : memref<128xf32, #tpu.memory_space<vmem_shared>>)
    %dma_wait3A_305 = arith.constant 0 : i32
    %dma_wait3A_306 = tpu.memref_slice %arg14[%dma_wait3A_305] : memref<10112xf32, #tpu.memory_space<vmem_shared>> -> memref<128xf32, #tpu.memory_space<vmem_shared>>
    %dma_wait3A_307 = arith.constant 0 : i32
    %dma_wait3A_308 = tpu.memref_slice %arg14[%dma_wait3A_307] : memref<10112xf32, #tpu.memory_space<vmem_shared>> -> memref<128xf32, #tpu.memory_space<vmem_shared>>
    tpu.wait_dma2 semaphore(%arg17 : memref<!tpu.dma_semaphore, #tpu.memory_space<semaphore_mem>>) src(%arg11 : memref<128xf32, #tpu.memory_space<vmem>>) dst(%dma_wait3A_308 : memref<128xf32, #tpu.memory_space<vmem_shared>>)
    %dma_wait3A_309 = arith.constant 0 : i32
    %dma_wait3A_310 = tpu.memref_slice %arg14[%dma_wait3A_309] : memref<10112xf32, #tpu.memory_space<vmem_shared>> -> memref<128xf32, #tpu.memory_space<vmem_shared>>
    %dma_wait3A_311 = arith.constant 0 : i32
    %dma_wait3A_312 = tpu.memref_slice %arg14[%dma_wait3A_311] : memref<10112xf32, #tpu.memory_space<vmem_shared>> -> memref<128xf32, #tpu.memory_space<vmem_shared>>
    tpu.wait_dma2 semaphore(%arg17 : memref<!tpu.dma_semaphore, #tpu.memory_space<semaphore_mem>>) src(%arg11 : memref<128xf32, #tpu.memory_space<vmem>>) dst(%dma_wait3A_312 : memref<128xf32, #tpu.memory_space<vmem_shared>>)
    %dma_wait3A_313 = arith.constant 0 : i32
    %dma_wait3A_314 = tpu.memref_slice %arg14[%dma_wait3A_313] : memref<10112xf32, #tpu.memory_space<vmem_shared>> -> memref<128xf32, #tpu.memory_space<vmem_shared>>
    %dma_wait3A_315 = arith.constant 0 : i32
    %dma_wait3A_316 = tpu.memref_slice %arg14[%dma_wait3A_315] : memref<10112xf32, #tpu.memory_space<vmem_shared>> -> memref<128xf32, #tpu.memory_space<vmem_shared>>
    tpu.wait_dma2 semaphore(%arg17 : memref<!tpu.dma_semaphore, #tpu.memory_space<semaphore_mem>>) src(%arg11 : memref<128xf32, #tpu.memory_space<vmem>>) dst(%dma_wait3A_316 : memref<128xf32, #tpu.memory_space<vmem_shared>>)
    %dma_wait3A_317 = arith.constant 0 : i32
    %dma_wait3A_318 = tpu.memref_slice %arg14[%dma_wait3A_317] : memref<10112xf32, #tpu.memory_space<vmem_shared>> -> memref<128xf32, #tpu.memory_space<vmem_shared>>
    %dma_wait3A_319 = arith.constant 0 : i32
    %dma_wait3A_320 = tpu.memref_slice %arg14[%dma_wait3A_319] : memref<10112xf32, #tpu.memory_space<vmem_shared>> -> memref<128xf32, #tpu.memory_space<vmem_shared>>
    tpu.wait_dma2 semaphore(%arg17 : memref<!tpu.dma_semaphore, #tpu.memory_space<semaphore_mem>>) src(%arg11 : memref<128xf32, #tpu.memory_space<vmem>>) dst(%dma_wait3A_320 : memref<128xf32, #tpu.memory_space<vmem_shared>>)
    %dma_wait3A_321 = arith.constant 0 : i32
    %dma_wait3A_322 = tpu.memref_slice %arg14[%dma_wait3A_321] : memref<10112xf32, #tpu.memory_space<vmem_shared>> -> memref<128xf32, #tpu.memory_space<vmem_shared>>
    %dma_wait3A_323 = arith.constant 0 : i32
    %dma_wait3A_324 = tpu.memref_slice %arg14[%dma_wait3A_323] : memref<10112xf32, #tpu.memory_space<vmem_shared>> -> memref<128xf32, #tpu.memory_space<vmem_shared>>
    tpu.wait_dma2 semaphore(%arg17 : memref<!tpu.dma_semaphore, #tpu.memory_space<semaphore_mem>>) src(%arg11 : memref<128xf32, #tpu.memory_space<vmem>>) dst(%dma_wait3A_324 : memref<128xf32, #tpu.memory_space<vmem_shared>>)
    %dma_wait3A_325 = arith.constant 0 : i32
    %dma_wait3A_326 = tpu.memref_slice %arg14[%dma_wait3A_325] : memref<10112xf32, #tpu.memory_space<vmem_shared>> -> memref<128xf32, #tpu.memory_space<vmem_shared>>
    %dma_wait3A_327 = arith.constant 0 : i32
    %dma_wait3A_328 = tpu.memref_slice %arg14[%dma_wait3A_327] : memref<10112xf32, #tpu.memory_space<vmem_shared>> -> memref<128xf32, #tpu.memory_space<vmem_shared>>
    tpu.wait_dma2 semaphore(%arg17 : memref<!tpu.dma_semaphore, #tpu.memory_space<semaphore_mem>>) src(%arg11 : memref<128xf32, #tpu.memory_space<vmem>>) dst(%dma_wait3A_328 : memref<128xf32, #tpu.memory_space<vmem_shared>>)
    %dma_wait3A_329 = arith.constant 0 : i32
    %dma_wait3A_330 = tpu.memref_slice %arg14[%dma_wait3A_329] : memref<10112xf32, #tpu.memory_space<vmem_shared>> -> memref<128xf32, #tpu.memory_space<vmem_shared>>
    %dma_wait3A_331 = arith.constant 0 : i32
    %dma_wait3A_332 = tpu.memref_slice %arg14[%dma_wait3A_331] : memref<10112xf32, #tpu.memory_space<vmem_shared>> -> memref<128xf32, #tpu.memory_space<vmem_shared>>
    tpu.wait_dma2 semaphore(%arg17 : memref<!tpu.dma_semaphore, #tpu.memory_space<semaphore_mem>>) src(%arg11 : memref<128xf32, #tpu.memory_space<vmem>>) dst(%dma_wait3A_332 : memref<128xf32, #tpu.memory_space<vmem_shared>>)
    %dma_wait3A_333 = arith.constant 0 : i32
    %dma_wait3A_334 = tpu.memref_slice %arg14[%dma_wait3A_333] : memref<10112xf32, #tpu.memory_space<vmem_shared>> -> memref<128xf32, #tpu.memory_space<vmem_shared>>
    %dma_wait3A_335 = arith.constant 0 : i32
    %dma_wait3A_336 = tpu.memref_slice %arg14[%dma_wait3A_335] : memref<10112xf32, #tpu.memory_space<vmem_shared>> -> memref<128xf32, #tpu.memory_space<vmem_shared>>
    tpu.wait_dma2 semaphore(%arg17 : memref<!tpu.dma_semaphore, #tpu.memory_space<semaphore_mem>>) src(%arg11 : memref<128xf32, #tpu.memory_space<vmem>>) dst(%dma_wait3A_336 : memref<128xf32, #tpu.memory_space<vmem_shared>>)
    %dma_wait3A_337 = arith.constant 0 : i32
    %dma_wait3A_338 = tpu.memref_slice %arg14[%dma_wait3A_337] : memref<10112xf32, #tpu.memory_space<vmem_shared>> -> memref<128xf32, #tpu.memory_space<vmem_shared>>
    %dma_wait3A_339 = arith.constant 0 : i32
    %dma_wait3A_340 = tpu.memref_slice %arg14[%dma_wait3A_339] : memref<10112xf32, #tpu.memory_space<vmem_shared>> -> memref<128xf32, #tpu.memory_space<vmem_shared>>
    tpu.wait_dma2 semaphore(%arg17 : memref<!tpu.dma_semaphore, #tpu.memory_space<semaphore_mem>>) src(%arg11 : memref<128xf32, #tpu.memory_space<vmem>>) dst(%dma_wait3A_340 : memref<128xf32, #tpu.memory_space<vmem_shared>>)
    %dma_wait3A_341 = arith.constant 0 : i32
    %dma_wait3A_342 = tpu.memref_slice %arg14[%dma_wait3A_341] : memref<10112xf32, #tpu.memory_space<vmem_shared>> -> memref<128xf32, #tpu.memory_space<vmem_shared>>
    %dma_wait3A_343 = arith.constant 0 : i32
    %dma_wait3A_344 = tpu.memref_slice %arg14[%dma_wait3A_343] : memref<10112xf32, #tpu.memory_space<vmem_shared>> -> memref<128xf32, #tpu.memory_space<vmem_shared>>
    tpu.wait_dma2 semaphore(%arg17 : memref<!tpu.dma_semaphore, #tpu.memory_space<semaphore_mem>>) src(%arg11 : memref<128xf32, #tpu.memory_space<vmem>>) dst(%dma_wait3A_344 : memref<128xf32, #tpu.memory_space<vmem_shared>>)
    %dma_wait3A_345 = arith.constant 0 : i32
    %dma_wait3A_346 = tpu.memref_slice %arg14[%dma_wait3A_345] : memref<10112xf32, #tpu.memory_space<vmem_shared>> -> memref<128xf32, #tpu.memory_space<vmem_shared>>
    %dma_wait3A_347 = arith.constant 0 : i32
    %dma_wait3A_348 = tpu.memref_slice %arg14[%dma_wait3A_347] : memref<10112xf32, #tpu.memory_space<vmem_shared>> -> memref<128xf32, #tpu.memory_space<vmem_shared>>
    tpu.wait_dma2 semaphore(%arg17 : memref<!tpu.dma_semaphore, #tpu.memory_space<semaphore_mem>>) src(%arg11 : memref<128xf32, #tpu.memory_space<vmem>>) dst(%dma_wait3A_348 : memref<128xf32, #tpu.memory_space<vmem_shared>>)
    %dma_wait3A_349 = arith.constant 0 : i32
    %dma_wait3A_350 = tpu.memref_slice %arg14[%dma_wait3A_349] : memref<10112xf32, #tpu.memory_space<vmem_shared>> -> memref<128xf32, #tpu.memory_space<vmem_shared>>
    %dma_wait3A_351 = arith.constant 0 : i32
    %dma_wait3A_352 = tpu.memref_slice %arg14[%dma_wait3A_351] : memref<10112xf32, #tpu.memory_space<vmem_shared>> -> memref<128xf32, #tpu.memory_space<vmem_shared>>
    tpu.wait_dma2 semaphore(%arg17 : memref<!tpu.dma_semaphore, #tpu.memory_space<semaphore_mem>>) src(%arg11 : memref<128xf32, #tpu.memory_space<vmem>>) dst(%dma_wait3A_352 : memref<128xf32, #tpu.memory_space<vmem_shared>>)
    %dma_wait3A_353 = arith.constant 0 : i32
    %dma_wait3A_354 = tpu.memref_slice %arg14[%dma_wait3A_353] : memref<10112xf32, #tpu.memory_space<vmem_shared>> -> memref<128xf32, #tpu.memory_space<vmem_shared>>
    %dma_wait3A_355 = arith.constant 0 : i32
    %dma_wait3A_356 = tpu.memref_slice %arg14[%dma_wait3A_355] : memref<10112xf32, #tpu.memory_space<vmem_shared>> -> memref<128xf32, #tpu.memory_space<vmem_shared>>
    tpu.wait_dma2 semaphore(%arg17 : memref<!tpu.dma_semaphore, #tpu.memory_space<semaphore_mem>>) src(%arg11 : memref<128xf32, #tpu.memory_space<vmem>>) dst(%dma_wait3A_356 : memref<128xf32, #tpu.memory_space<vmem_shared>>)
    %dma_wait3A_357 = arith.constant 0 : i32
    %dma_wait3A_358 = tpu.memref_slice %arg14[%dma_wait3A_357] : memref<10112xf32, #tpu.memory_space<vmem_shared>> -> memref<128xf32, #tpu.memory_space<vmem_shared>>
    %dma_wait3A_359 = arith.constant 0 : i32
    %dma_wait3A_360 = tpu.memref_slice %arg14[%dma_wait3A_359] : memref<10112xf32, #tpu.memory_space<vmem_shared>> -> memref<128xf32, #tpu.memory_space<vmem_shared>>
    tpu.wait_dma2 semaphore(%arg17 : memref<!tpu.dma_semaphore, #tpu.memory_space<semaphore_mem>>) src(%arg11 : memref<128xf32, #tpu.memory_space<vmem>>) dst(%dma_wait3A_360 : memref<128xf32, #tpu.memory_space<vmem_shared>>)
    %dma_wait3A_361 = arith.constant 0 : i32
    %dma_wait3A_362 = tpu.memref_slice %arg14[%dma_wait3A_361] : memref<10112xf32, #tpu.memory_space<vmem_shared>> -> memref<128xf32, #tpu.memory_space<vmem_shared>>
    %dma_wait3A_363 = arith.constant 0 : i32
    %dma_wait3A_364 = tpu.memref_slice %arg14[%dma_wait3A_363] : memref<10112xf32, #tpu.memory_space<vmem_shared>> -> memref<128xf32, #tpu.memory_space<vmem_shared>>
    tpu.wait_dma2 semaphore(%arg17 : memref<!tpu.dma_semaphore, #tpu.memory_space<semaphore_mem>>) src(%arg11 : memref<128xf32, #tpu.memory_space<vmem>>) dst(%dma_wait3A_364 : memref<128xf32, #tpu.memory_space<vmem_shared>>)
    %dma_wait3A_365 = arith.constant 0 : i32
    %dma_wait3A_366 = tpu.memref_slice %arg14[%dma_wait3A_365] : memref<10112xf32, #tpu.memory_space<vmem_shared>> -> memref<128xf32, #tpu.memory_space<vmem_shared>>
    %dma_wait3A_367 = arith.constant 0 : i32
    %dma_wait3A_368 = tpu.memref_slice %arg14[%dma_wait3A_367] : memref<10112xf32, #tpu.memory_space<vmem_shared>> -> memref<128xf32, #tpu.memory_space<vmem_shared>>
    tpu.wait_dma2 semaphore(%arg17 : memref<!tpu.dma_semaphore, #tpu.memory_space<semaphore_mem>>) src(%arg11 : memref<128xf32, #tpu.memory_space<vmem>>) dst(%dma_wait3A_368 : memref<128xf32, #tpu.memory_space<vmem_shared>>)
    %dma_wait3A_369 = arith.constant 0 : i32
    %dma_wait3A_370 = tpu.memref_slice %arg14[%dma_wait3A_369] : memref<10112xf32, #tpu.memory_space<vmem_shared>> -> memref<128xf32, #tpu.memory_space<vmem_shared>>
    %dma_wait3A_371 = arith.constant 0 : i32
    %dma_wait3A_372 = tpu.memref_slice %arg14[%dma_wait3A_371] : memref<10112xf32, #tpu.memory_space<vmem_shared>> -> memref<128xf32, #tpu.memory_space<vmem_shared>>
    tpu.wait_dma2 semaphore(%arg17 : memref<!tpu.dma_semaphore, #tpu.memory_space<semaphore_mem>>) src(%arg11 : memref<128xf32, #tpu.memory_space<vmem>>) dst(%dma_wait3A_372 : memref<128xf32, #tpu.memory_space<vmem_shared>>)
    %dma_wait3A_373 = arith.constant 0 : i32
    %dma_wait3A_374 = tpu.memref_slice %arg14[%dma_wait3A_373] : memref<10112xf32, #tpu.memory_space<vmem_shared>> -> memref<128xf32, #tpu.memory_space<vmem_shared>>
    %dma_wait3A_375 = arith.constant 0 : i32
    %dma_wait3A_376 = tpu.memref_slice %arg14[%dma_wait3A_375] : memref<10112xf32, #tpu.memory_space<vmem_shared>> -> memref<128xf32, #tpu.memory_space<vmem_shared>>
    tpu.wait_dma2 semaphore(%arg17 : memref<!tpu.dma_semaphore, #tpu.memory_space<semaphore_mem>>) src(%arg11 : memref<128xf32, #tpu.memory_space<vmem>>) dst(%dma_wait3A_376 : memref<128xf32, #tpu.memory_space<vmem_shared>>)
    %dma_wait3A_377 = arith.constant 0 : i32
    %dma_wait3A_378 = tpu.memref_slice %arg14[%dma_wait3A_377] : memref<10112xf32, #tpu.memory_space<vmem_shared>> -> memref<128xf32, #tpu.memory_space<vmem_shared>>
    %dma_wait3A_379 = arith.constant 0 : i32
    %dma_wait3A_380 = tpu.memref_slice %arg14[%dma_wait3A_379] : memref<10112xf32, #tpu.memory_space<vmem_shared>> -> memref<128xf32, #tpu.memory_space<vmem_shared>>
    tpu.wait_dma2 semaphore(%arg17 : memref<!tpu.dma_semaphore, #tpu.memory_space<semaphore_mem>>) src(%arg11 : memref<128xf32, #tpu.memory_space<vmem>>) dst(%dma_wait3A_380 : memref<128xf32, #tpu.memory_space<vmem_shared>>)
    %dma_wait3A_381 = arith.constant 0 : i32
    %dma_wait3A_382 = tpu.memref_slice %arg14[%dma_wait3A_381] : memref<10112xf32, #tpu.memory_space<vmem_shared>> -> memref<128xf32, #tpu.memory_space<vmem_shared>>
    %dma_wait3A_383 = arith.constant 0 : i32
    %dma_wait3A_384 = tpu.memref_slice %arg14[%dma_wait3A_383] : memref<10112xf32, #tpu.memory_space<vmem_shared>> -> memref<128xf32, #tpu.memory_space<vmem_shared>>
    tpu.wait_dma2 semaphore(%arg17 : memref<!tpu.dma_semaphore, #tpu.memory_space<semaphore_mem>>) src(%arg11 : memref<128xf32, #tpu.memory_space<vmem>>) dst(%dma_wait3A_384 : memref<128xf32, #tpu.memory_space<vmem_shared>>)
    %dma_wait3A_385 = arith.constant 0 : i32
    %dma_wait3A_386 = tpu.memref_slice %arg14[%dma_wait3A_385] : memref<10112xf32, #tpu.memory_space<vmem_shared>> -> memref<128xf32, #tpu.memory_space<vmem_shared>>
    %dma_wait3A_387 = arith.constant 0 : i32
    %dma_wait3A_388 = tpu.memref_slice %arg14[%dma_wait3A_387] : memref<10112xf32, #tpu.memory_space<vmem_shared>> -> memref<128xf32, #tpu.memory_space<vmem_shared>>
    tpu.wait_dma2 semaphore(%arg17 : memref<!tpu.dma_semaphore, #tpu.memory_space<semaphore_mem>>) src(%arg11 : memref<128xf32, #tpu.memory_space<vmem>>) dst(%dma_wait3A_388 : memref<128xf32, #tpu.memory_space<vmem_shared>>)
    %dma_wait3A_389 = arith.constant 0 : i32
    %dma_wait3A_390 = tpu.memref_slice %arg14[%dma_wait3A_389] : memref<10112xf32, #tpu.memory_space<vmem_shared>> -> memref<128xf32, #tpu.memory_space<vmem_shared>>
    %dma_wait3A_391 = arith.constant 0 : i32
    %dma_wait3A_392 = tpu.memref_slice %arg14[%dma_wait3A_391] : memref<10112xf32, #tpu.memory_space<vmem_shared>> -> memref<128xf32, #tpu.memory_space<vmem_shared>>
    tpu.wait_dma2 semaphore(%arg17 : memref<!tpu.dma_semaphore, #tpu.memory_space<semaphore_mem>>) src(%arg11 : memref<128xf32, #tpu.memory_space<vmem>>) dst(%dma_wait3A_392 : memref<128xf32, #tpu.memory_space<vmem_shared>>)
    %dma_wait3A_393 = arith.constant 0 : i32
    %dma_wait3A_394 = tpu.memref_slice %arg14[%dma_wait3A_393] : memref<10112xf32, #tpu.memory_space<vmem_shared>> -> memref<128xf32, #tpu.memory_space<vmem_shared>>
    %dma_wait3A_395 = arith.constant 0 : i32
    %dma_wait3A_396 = tpu.memref_slice %arg14[%dma_wait3A_395] : memref<10112xf32, #tpu.memory_space<vmem_shared>> -> memref<128xf32, #tpu.memory_space<vmem_shared>>
    tpu.wait_dma2 semaphore(%arg17 : memref<!tpu.dma_semaphore, #tpu.memory_space<semaphore_mem>>) src(%arg11 : memref<128xf32, #tpu.memory_space<vmem>>) dst(%dma_wait3A_396 : memref<128xf32, #tpu.memory_space<vmem_shared>>)
    %dma_wait3A_397 = arith.constant 0 : i32
    %dma_wait3A_398 = tpu.memref_slice %arg14[%dma_wait3A_397] : memref<10112xf32, #tpu.memory_space<vmem_shared>> -> memref<128xf32, #tpu.memory_space<vmem_shared>>
    %dma_wait3A_399 = arith.constant 0 : i32
    %dma_wait3A_400 = tpu.memref_slice %arg14[%dma_wait3A_399] : memref<10112xf32, #tpu.memory_space<vmem_shared>> -> memref<128xf32, #tpu.memory_space<vmem_shared>>
    tpu.wait_dma2 semaphore(%arg17 : memref<!tpu.dma_semaphore, #tpu.memory_space<semaphore_mem>>) src(%arg11 : memref<128xf32, #tpu.memory_space<vmem>>) dst(%dma_wait3A_400 : memref<128xf32, #tpu.memory_space<vmem_shared>>)
    %dma_wait3A_401 = arith.constant 0 : i32
    %dma_wait3A_402 = tpu.memref_slice %arg14[%dma_wait3A_401] : memref<10112xf32, #tpu.memory_space<vmem_shared>> -> memref<128xf32, #tpu.memory_space<vmem_shared>>
    %dma_wait3A_403 = arith.constant 0 : i32
    %dma_wait3A_404 = tpu.memref_slice %arg14[%dma_wait3A_403] : memref<10112xf32, #tpu.memory_space<vmem_shared>> -> memref<128xf32, #tpu.memory_space<vmem_shared>>
    tpu.wait_dma2 semaphore(%arg17 : memref<!tpu.dma_semaphore, #tpu.memory_space<semaphore_mem>>) src(%arg11 : memref<128xf32, #tpu.memory_space<vmem>>) dst(%dma_wait3A_404 : memref<128xf32, #tpu.memory_space<vmem_shared>>)
    %dma_wait3A_405 = arith.constant 0 : i32
    %dma_wait3A_406 = tpu.memref_slice %arg14[%dma_wait3A_405] : memref<10112xf32, #tpu.memory_space<vmem_shared>> -> memref<128xf32, #tpu.memory_space<vmem_shared>>
    %dma_wait3A_407 = arith.constant 0 : i32
    %dma_wait3A_408 = tpu.memref_slice %arg14[%dma_wait3A_407] : memref<10112xf32, #tpu.memory_space<vmem_shared>> -> memref<128xf32, #tpu.memory_space<vmem_shared>>
    tpu.wait_dma2 semaphore(%arg17 : memref<!tpu.dma_semaphore, #tpu.memory_space<semaphore_mem>>) src(%arg11 : memref<128xf32, #tpu.memory_space<vmem>>) dst(%dma_wait3A_408 : memref<128xf32, #tpu.memory_space<vmem_shared>>)
    %dma_wait3A_409 = arith.constant 0 : i32
    %dma_wait3A_410 = tpu.memref_slice %arg14[%dma_wait3A_409] : memref<10112xf32, #tpu.memory_space<vmem_shared>> -> memref<128xf32, #tpu.memory_space<vmem_shared>>
    %dma_wait3A_411 = arith.constant 0 : i32
    %dma_wait3A_412 = tpu.memref_slice %arg14[%dma_wait3A_411] : memref<10112xf32, #tpu.memory_space<vmem_shared>> -> memref<128xf32, #tpu.memory_space<vmem_shared>>
    tpu.wait_dma2 semaphore(%arg17 : memref<!tpu.dma_semaphore, #tpu.memory_space<semaphore_mem>>) src(%arg11 : memref<128xf32, #tpu.memory_space<vmem>>) dst(%dma_wait3A_412 : memref<128xf32, #tpu.memory_space<vmem_shared>>)
    %dma_wait3A_413 = arith.constant 0 : i32
    %dma_wait3A_414 = tpu.memref_slice %arg14[%dma_wait3A_413] : memref<10112xf32, #tpu.memory_space<vmem_shared>> -> memref<128xf32, #tpu.memory_space<vmem_shared>>
    %dma_wait3A_415 = arith.constant 0 : i32
    %dma_wait3A_416 = tpu.memref_slice %arg14[%dma_wait3A_415] : memref<10112xf32, #tpu.memory_space<vmem_shared>> -> memref<128xf32, #tpu.memory_space<vmem_shared>>
    tpu.wait_dma2 semaphore(%arg17 : memref<!tpu.dma_semaphore, #tpu.memory_space<semaphore_mem>>) src(%arg11 : memref<128xf32, #tpu.memory_space<vmem>>) dst(%dma_wait3A_416 : memref<128xf32, #tpu.memory_space<vmem_shared>>)
    %dma_wait3A_417 = arith.constant 0 : i32
    %dma_wait3A_418 = tpu.memref_slice %arg14[%dma_wait3A_417] : memref<10112xf32, #tpu.memory_space<vmem_shared>> -> memref<128xf32, #tpu.memory_space<vmem_shared>>
    %dma_wait3A_419 = arith.constant 0 : i32
    %dma_wait3A_420 = tpu.memref_slice %arg14[%dma_wait3A_419] : memref<10112xf32, #tpu.memory_space<vmem_shared>> -> memref<128xf32, #tpu.memory_space<vmem_shared>>
    tpu.wait_dma2 semaphore(%arg17 : memref<!tpu.dma_semaphore, #tpu.memory_space<semaphore_mem>>) src(%arg11 : memref<128xf32, #tpu.memory_space<vmem>>) dst(%dma_wait3A_420 : memref<128xf32, #tpu.memory_space<vmem_shared>>)
    %dma_wait3A_421 = arith.constant 0 : i32
    %dma_wait3A_422 = tpu.memref_slice %arg14[%dma_wait3A_421] : memref<10112xf32, #tpu.memory_space<vmem_shared>> -> memref<128xf32, #tpu.memory_space<vmem_shared>>
    %dma_wait3A_423 = arith.constant 0 : i32
    %dma_wait3A_424 = tpu.memref_slice %arg14[%dma_wait3A_423] : memref<10112xf32, #tpu.memory_space<vmem_shared>> -> memref<128xf32, #tpu.memory_space<vmem_shared>>
    tpu.wait_dma2 semaphore(%arg17 : memref<!tpu.dma_semaphore, #tpu.memory_space<semaphore_mem>>) src(%arg11 : memref<128xf32, #tpu.memory_space<vmem>>) dst(%dma_wait3A_424 : memref<128xf32, #tpu.memory_space<vmem_shared>>)
    %dma_wait3A_425 = arith.constant 0 : i32
    %dma_wait3A_426 = tpu.memref_slice %arg14[%dma_wait3A_425] : memref<10112xf32, #tpu.memory_space<vmem_shared>> -> memref<128xf32, #tpu.memory_space<vmem_shared>>
    %dma_wait3A_427 = arith.constant 0 : i32
    %dma_wait3A_428 = tpu.memref_slice %arg14[%dma_wait3A_427] : memref<10112xf32, #tpu.memory_space<vmem_shared>> -> memref<128xf32, #tpu.memory_space<vmem_shared>>
    tpu.wait_dma2 semaphore(%arg17 : memref<!tpu.dma_semaphore, #tpu.memory_space<semaphore_mem>>) src(%arg11 : memref<128xf32, #tpu.memory_space<vmem>>) dst(%dma_wait3A_428 : memref<128xf32, #tpu.memory_space<vmem_shared>>)
    %dma_wait3A_429 = arith.constant 0 : i32
    %dma_wait3A_430 = tpu.memref_slice %arg14[%dma_wait3A_429] : memref<10112xf32, #tpu.memory_space<vmem_shared>> -> memref<128xf32, #tpu.memory_space<vmem_shared>>
    %dma_wait3A_431 = arith.constant 0 : i32
    %dma_wait3A_432 = tpu.memref_slice %arg14[%dma_wait3A_431] : memref<10112xf32, #tpu.memory_space<vmem_shared>> -> memref<128xf32, #tpu.memory_space<vmem_shared>>
    tpu.wait_dma2 semaphore(%arg17 : memref<!tpu.dma_semaphore, #tpu.memory_space<semaphore_mem>>) src(%arg11 : memref<128xf32, #tpu.memory_space<vmem>>) dst(%dma_wait3A_432 : memref<128xf32, #tpu.memory_space<vmem_shared>>)
    %dma_wait3A_433 = arith.constant 0 : i32
    %dma_wait3A_434 = tpu.memref_slice %arg14[%dma_wait3A_433] : memref<10112xf32, #tpu.memory_space<vmem_shared>> -> memref<128xf32, #tpu.memory_space<vmem_shared>>
    %dma_wait3A_435 = arith.constant 0 : i32
    %dma_wait3A_436 = tpu.memref_slice %arg14[%dma_wait3A_435] : memref<10112xf32, #tpu.memory_space<vmem_shared>> -> memref<128xf32, #tpu.memory_space<vmem_shared>>
    tpu.wait_dma2 semaphore(%arg17 : memref<!tpu.dma_semaphore, #tpu.memory_space<semaphore_mem>>) src(%arg11 : memref<128xf32, #tpu.memory_space<vmem>>) dst(%dma_wait3A_436 : memref<128xf32, #tpu.memory_space<vmem_shared>>)
    %dma_wait3A_437 = arith.constant 0 : i32
    %dma_wait3A_438 = tpu.memref_slice %arg14[%dma_wait3A_437] : memref<10112xf32, #tpu.memory_space<vmem_shared>> -> memref<128xf32, #tpu.memory_space<vmem_shared>>
    %dma_wait3A_439 = arith.constant 0 : i32
    %dma_wait3A_440 = tpu.memref_slice %arg14[%dma_wait3A_439] : memref<10112xf32, #tpu.memory_space<vmem_shared>> -> memref<128xf32, #tpu.memory_space<vmem_shared>>
    tpu.wait_dma2 semaphore(%arg17 : memref<!tpu.dma_semaphore, #tpu.memory_space<semaphore_mem>>) src(%arg11 : memref<128xf32, #tpu.memory_space<vmem>>) dst(%dma_wait3A_440 : memref<128xf32, #tpu.memory_space<vmem_shared>>)
    %dma_wait3A_441 = arith.constant 0 : i32
    %dma_wait3A_442 = tpu.memref_slice %arg14[%dma_wait3A_441] : memref<10112xf32, #tpu.memory_space<vmem_shared>> -> memref<128xf32, #tpu.memory_space<vmem_shared>>
    %dma_wait3A_443 = arith.constant 0 : i32
    %dma_wait3A_444 = tpu.memref_slice %arg14[%dma_wait3A_443] : memref<10112xf32, #tpu.memory_space<vmem_shared>> -> memref<128xf32, #tpu.memory_space<vmem_shared>>
    tpu.wait_dma2 semaphore(%arg17 : memref<!tpu.dma_semaphore, #tpu.memory_space<semaphore_mem>>) src(%arg11 : memref<128xf32, #tpu.memory_space<vmem>>) dst(%dma_wait3A_444 : memref<128xf32, #tpu.memory_space<vmem_shared>>)
    %dma_wait3A_445 = arith.constant 0 : i32
    %dma_wait3A_446 = tpu.memref_slice %arg14[%dma_wait3A_445] : memref<10112xf32, #tpu.memory_space<vmem_shared>> -> memref<128xf32, #tpu.memory_space<vmem_shared>>
    %dma_wait3A_447 = arith.constant 0 : i32
    %dma_wait3A_448 = tpu.memref_slice %arg14[%dma_wait3A_447] : memref<10112xf32, #tpu.memory_space<vmem_shared>> -> memref<128xf32, #tpu.memory_space<vmem_shared>>
    tpu.wait_dma2 semaphore(%arg17 : memref<!tpu.dma_semaphore, #tpu.memory_space<semaphore_mem>>) src(%arg11 : memref<128xf32, #tpu.memory_space<vmem>>) dst(%dma_wait3A_448 : memref<128xf32, #tpu.memory_space<vmem_shared>>)
    %dma_wait3A_449 = arith.constant 0 : i32
    %dma_wait3A_450 = tpu.memref_slice %arg14[%dma_wait3A_449] : memref<10112xf32, #tpu.memory_space<vmem_shared>> -> memref<128xf32, #tpu.memory_space<vmem_shared>>
    %dma_wait3A_451 = arith.constant 0 : i32
    %dma_wait3A_452 = tpu.memref_slice %arg14[%dma_wait3A_451] : memref<10112xf32, #tpu.memory_space<vmem_shared>> -> memref<128xf32, #tpu.memory_space<vmem_shared>>
    tpu.wait_dma2 semaphore(%arg17 : memref<!tpu.dma_semaphore, #tpu.memory_space<semaphore_mem>>) src(%arg11 : memref<128xf32, #tpu.memory_space<vmem>>) dst(%dma_wait3A_452 : memref<128xf32, #tpu.memory_space<vmem_shared>>)
    %dma_wait3A_453 = arith.constant 0 : i32
    %dma_wait3A_454 = tpu.memref_slice %arg14[%dma_wait3A_453] : memref<10112xf32, #tpu.memory_space<vmem_shared>> -> memref<128xf32, #tpu.memory_space<vmem_shared>>
    %dma_wait3A_455 = arith.constant 0 : i32
    %dma_wait3A_456 = tpu.memref_slice %arg14[%dma_wait3A_455] : memref<10112xf32, #tpu.memory_space<vmem_shared>> -> memref<128xf32, #tpu.memory_space<vmem_shared>>
    tpu.wait_dma2 semaphore(%arg17 : memref<!tpu.dma_semaphore, #tpu.memory_space<semaphore_mem>>) src(%arg11 : memref<128xf32, #tpu.memory_space<vmem>>) dst(%dma_wait3A_456 : memref<128xf32, #tpu.memory_space<vmem_shared>>)
    %dma_wait3A_457 = arith.constant 0 : i32
    %dma_wait3A_458 = tpu.memref_slice %arg14[%dma_wait3A_457] : memref<10112xf32, #tpu.memory_space<vmem_shared>> -> memref<128xf32, #tpu.memory_space<vmem_shared>>
    %dma_wait3A_459 = arith.constant 0 : i32
    %dma_wait3A_460 = tpu.memref_slice %arg14[%dma_wait3A_459] : memref<10112xf32, #tpu.memory_space<vmem_shared>> -> memref<128xf32, #tpu.memory_space<vmem_shared>>
    tpu.wait_dma2 semaphore(%arg17 : memref<!tpu.dma_semaphore, #tpu.memory_space<semaphore_mem>>) src(%arg11 : memref<128xf32, #tpu.memory_space<vmem>>) dst(%dma_wait3A_460 : memref<128xf32, #tpu.memory_space<vmem_shared>>)
    %dma_wait3A_461 = arith.constant 0 : i32
    %dma_wait3A_462 = tpu.memref_slice %arg14[%dma_wait3A_461] : memref<10112xf32, #tpu.memory_space<vmem_shared>> -> memref<128xf32, #tpu.memory_space<vmem_shared>>
    %dma_wait3A_463 = arith.constant 0 : i32
    %dma_wait3A_464 = tpu.memref_slice %arg14[%dma_wait3A_463] : memref<10112xf32, #tpu.memory_space<vmem_shared>> -> memref<128xf32, #tpu.memory_space<vmem_shared>>
    tpu.wait_dma2 semaphore(%arg17 : memref<!tpu.dma_semaphore, #tpu.memory_space<semaphore_mem>>) src(%arg11 : memref<128xf32, #tpu.memory_space<vmem>>) dst(%dma_wait3A_464 : memref<128xf32, #tpu.memory_space<vmem_shared>>)
    %dma_wait3A_465 = arith.constant 0 : i32
    %dma_wait3A_466 = tpu.memref_slice %arg14[%dma_wait3A_465] : memref<10112xf32, #tpu.memory_space<vmem_shared>> -> memref<128xf32, #tpu.memory_space<vmem_shared>>
    %dma_wait3A_467 = arith.constant 0 : i32
    %dma_wait3A_468 = tpu.memref_slice %arg14[%dma_wait3A_467] : memref<10112xf32, #tpu.memory_space<vmem_shared>> -> memref<128xf32, #tpu.memory_space<vmem_shared>>
    tpu.wait_dma2 semaphore(%arg17 : memref<!tpu.dma_semaphore, #tpu.memory_space<semaphore_mem>>) src(%arg11 : memref<128xf32, #tpu.memory_space<vmem>>) dst(%dma_wait3A_468 : memref<128xf32, #tpu.memory_space<vmem_shared>>)
    %dma_wait3A_469 = arith.constant 0 : i32
    %dma_wait3A_470 = tpu.memref_slice %arg14[%dma_wait3A_469] : memref<10112xf32, #tpu.memory_space<vmem_shared>> -> memref<128xf32, #tpu.memory_space<vmem_shared>>
    %dma_wait3A_471 = arith.constant 0 : i32
    %dma_wait3A_472 = tpu.memref_slice %arg14[%dma_wait3A_471] : memref<10112xf32, #tpu.memory_space<vmem_shared>> -> memref<128xf32, #tpu.memory_space<vmem_shared>>
    tpu.wait_dma2 semaphore(%arg17 : memref<!tpu.dma_semaphore, #tpu.memory_space<semaphore_mem>>) src(%arg11 : memref<128xf32, #tpu.memory_space<vmem>>) dst(%dma_wait3A_472 : memref<128xf32, #tpu.memory_space<vmem_shared>>)
    %dma_wait3A_473 = arith.constant 0 : i32
    %dma_wait3A_474 = tpu.memref_slice %arg14[%dma_wait3A_473] : memref<10112xf32, #tpu.memory_space<vmem_shared>> -> memref<128xf32, #tpu.memory_space<vmem_shared>>
    %dma_wait3A_475 = arith.constant 0 : i32
    %dma_wait3A_476 = tpu.memref_slice %arg14[%dma_wait3A_475] : memref<10112xf32, #tpu.memory_space<vmem_shared>> -> memref<128xf32, #tpu.memory_space<vmem_shared>>
    tpu.wait_dma2 semaphore(%arg17 : memref<!tpu.dma_semaphore, #tpu.memory_space<semaphore_mem>>) src(%arg11 : memref<128xf32, #tpu.memory_space<vmem>>) dst(%dma_wait3A_476 : memref<128xf32, #tpu.memory_space<vmem_shared>>)
    %dma_wait3A_477 = arith.constant 0 : i32
    %dma_wait3A_478 = tpu.memref_slice %arg14[%dma_wait3A_477] : memref<10112xf32, #tpu.memory_space<vmem_shared>> -> memref<128xf32, #tpu.memory_space<vmem_shared>>
    %dma_wait3A_479 = arith.constant 0 : i32
    %dma_wait3A_480 = tpu.memref_slice %arg14[%dma_wait3A_479] : memref<10112xf32, #tpu.memory_space<vmem_shared>> -> memref<128xf32, #tpu.memory_space<vmem_shared>>
    tpu.wait_dma2 semaphore(%arg17 : memref<!tpu.dma_semaphore, #tpu.memory_space<semaphore_mem>>) src(%arg11 : memref<128xf32, #tpu.memory_space<vmem>>) dst(%dma_wait3A_480 : memref<128xf32, #tpu.memory_space<vmem_shared>>)
    %dma_wait3A_481 = arith.constant 0 : i32
    %dma_wait3A_482 = tpu.memref_slice %arg14[%dma_wait3A_481] : memref<10112xf32, #tpu.memory_space<vmem_shared>> -> memref<128xf32, #tpu.memory_space<vmem_shared>>
    %dma_wait3A_483 = arith.constant 0 : i32
    %dma_wait3A_484 = tpu.memref_slice %arg14[%dma_wait3A_483] : memref<10112xf32, #tpu.memory_space<vmem_shared>> -> memref<128xf32, #tpu.memory_space<vmem_shared>>
    tpu.wait_dma2 semaphore(%arg17 : memref<!tpu.dma_semaphore, #tpu.memory_space<semaphore_mem>>) src(%arg11 : memref<128xf32, #tpu.memory_space<vmem>>) dst(%dma_wait3A_484 : memref<128xf32, #tpu.memory_space<vmem_shared>>)
    %barrier3A_485 = arith.constant 0 : index
    tpu.barrier barrier_id(%barrier3A_485)
    %mul3A_486 = arith.constant 632 : i32
    %mul3A_487 = arith.muli %arg1, %mul3A_486 : i32
    %mul3A_488 = arith.constant 632 : i32
    %mul3A_489 = arith.muli %arg1, %mul3A_488 : i32
    "tpu.region"() ({
      %run_scoped3A_494 = tpu.sem_alloc : memref<!tpu.dma_semaphore, #tpu.memory_space<semaphore_mem>>
      %dma_start3A_495 = arith.constant 0 : i32
      %dma_start3A_496 = tpu.memref_slice %arg6[%arg0, %mul3A_489, %dma_start3A_495] : memref<2x10112x64xf32, #tpu.memory_space<hbm>> -> memref<1x632x64xf32, #tpu.memory_space<hbm>>
      %dma_start3A_497 = tpu.memref_squeeze %dma_start3A_496 : memref<1x632x64xf32, #tpu.memory_space<hbm>> -> memref<632x64xf32, #tpu.memory_space<hbm>>
      %dma_start3A_498 = arith.constant 0 : i32
      %dma_start3A_499 = tpu.memref_slice %arg13[%mul3A_487, %dma_start3A_498] : memref<10112x64xf32, #tpu.memory_space<vmem_shared>> -> memref<632x64xf32, #tpu.memory_space<vmem_shared>>
      tpu.enqueue_dma source(%dma_start3A_499 : memref<632x64xf32, #tpu.memory_space<vmem_shared>>) target(%dma_start3A_497 : memref<632x64xf32, #tpu.memory_space<hbm>>) target_semaphore(%run_scoped3A_494 : memref<!tpu.dma_semaphore, #tpu.memory_space<semaphore_mem>>)
      %dma_wait3A_500 = arith.constant 0 : i32
      %dma_wait3A_501 = tpu.memref_slice %arg6[%arg0, %mul3A_489, %dma_wait3A_500] : memref<2x10112x64xf32, #tpu.memory_space<hbm>> -> memref<1x632x64xf32, #tpu.memory_space<hbm>>
      %dma_wait3A_502 = tpu.memref_squeeze %dma_wait3A_501 : memref<1x632x64xf32, #tpu.memory_space<hbm>> -> memref<632x64xf32, #tpu.memory_space<hbm>>
      %dma_wait3A_503 = arith.constant 0 : i32
      %dma_wait3A_504 = tpu.memref_slice %arg13[%mul3A_487, %dma_wait3A_503] : memref<10112x64xf32, #tpu.memory_space<vmem_shared>> -> memref<632x64xf32, #tpu.memory_space<vmem_shared>>
      tpu.wait_dma2 semaphore(%run_scoped3A_494 : memref<!tpu.dma_semaphore, #tpu.memory_space<semaphore_mem>>) src(%dma_wait3A_504 : memref<632x64xf32, #tpu.memory_space<vmem_shared>>) dst(%dma_wait3A_502 : memref<632x64xf32, #tpu.memory_space<hbm>>)
      tpu.yield
    }) : () -> ()
    %mul3A_490 = arith.constant 632 : i32
    %mul3A_491 = arith.muli %arg1, %mul3A_490 : i32
    %mul3A_492 = arith.constant 632 : i32
    %mul3A_493 = arith.muli %arg1, %mul3A_492 : i32
    "tpu.region"() ({
      %run_scoped3A_494 = tpu.sem_alloc : memref<!tpu.dma_semaphore, #tpu.memory_space<semaphore_mem>>
      %dma_start3A_495 = tpu.memref_slice %arg7[%arg0, %mul3A_493] : memref<2x10112xf32, #tpu.memory_space<hbm>> -> memref<1x632xf32, #tpu.memory_space<hbm>>
      %dma_start3A_496 = tpu.memref_squeeze %dma_start3A_495 : memref<1x632xf32, #tpu.memory_space<hbm>> -> memref<632xf32, #tpu.memory_space<hbm>>
      %dma_start3A_497 = tpu.memref_slice %arg14[%mul3A_491] : memref<10112xf32, #tpu.memory_space<vmem_shared>> -> memref<632xf32, #tpu.memory_space<vmem_shared>>
      tpu.enqueue_dma source(%dma_start3A_497 : memref<632xf32, #tpu.memory_space<vmem_shared>>) target(%dma_start3A_496 : memref<632xf32, #tpu.memory_space<hbm>>) target_semaphore(%run_scoped3A_494 : memref<!tpu.dma_semaphore, #tpu.memory_space<semaphore_mem>>)
      %dma_wait3A_498 = tpu.memref_slice %arg7[%arg0, %mul3A_493] : memref<2x10112xf32, #tpu.memory_space<hbm>> -> memref<1x632xf32, #tpu.memory_space<hbm>>
      %dma_wait3A_499 = tpu.memref_squeeze %dma_wait3A_498 : memref<1x632xf32, #tpu.memory_space<hbm>> -> memref<632xf32, #tpu.memory_space<hbm>>
      %dma_wait3A_500 = tpu.memref_slice %arg14[%mul3A_491] : memref<10112xf32, #tpu.memory_space<vmem_shared>> -> memref<632xf32, #tpu.memory_space<vmem_shared>>
      tpu.wait_dma2 semaphore(%run_scoped3A_494 : memref<!tpu.dma_semaphore, #tpu.memory_space<semaphore_mem>>) src(%dma_wait3A_500 : memref<632xf32, #tpu.memory_space<vmem_shared>>) dst(%dma_wait3A_499 : memref<632xf32, #tpu.memory_space<hbm>>)
      tpu.yield
    }) : () -> ()
    return
  }
}

#map = affine_map<(d0, d1) -> (0, 0)>
#map1 = affine_map<(d0, d1) -> (0)>
#map2 = affine_map<(d0, d1) -> (0, 0, 0)>
module attributes {stable_mosaic.version = 14 : i64} {
  func.func @_seg_sum_body(%arg0: i32, %arg1: i32, %arg2: memref<10000x32xf32, #tpu.memory_space<hbm>>, %arg3: memref<2x320000xi32, #tpu.memory_space<hbm>>, %arg4: memref<632x32xf32, #tpu.memory_space<hbm>>, %arg5: memref<10112xf32, #tpu.memory_space<hbm>>, %arg6: memref<2x10112x32xf32, #tpu.memory_space<hbm>>, %arg7: memref<10000xi32, #tpu.memory_space<vmem>>, %arg8: memref<10000xi32, #tpu.memory_space<vmem>>, %arg9: memref<3x256x32xf32, #tpu.memory_space<vmem>>, %arg10: memref<10000x32xf32, #tpu.memory_space<vmem_shared>>, %arg11: memref<10112x32xf32, #tpu.memory_space<vmem_shared>>, %arg12: memref<3x!tpu.dma_semaphore, #tpu.memory_space<semaphore_mem>>, %arg13: memref<3x!tpu.dma_semaphore, #tpu.memory_space<semaphore_mem>>, %arg14: memref<!tpu.dma_semaphore, #tpu.memory_space<semaphore_mem>>, %arg15: memref<!tpu.dma_semaphore, #tpu.memory_space<semaphore_mem>>) attributes {dimension_semantics = [#tpu.dimension_semantics<core_parallel>, #tpu.dimension_semantics<subcore_parallel>], iteration_bounds = array<i64: 2, 16>, scalar_prefetch = 0 : i64, scratch_operands = 9 : i64, tpu.core_type = #tpu.core_type<sc_vector_subcore>, window_params = [{transform_indices = #map}, {transform_indices = #map}, {transform_indices = #map}, {transform_indices = #map1}, {transform_indices = #map2}]} {
    %mul3A = arith.constant 2 : i32
    %mul3A_0 = arith.muli %arg1, %mul3A : i32
    %add3A = arith.addi %mul3A_0, %arg0 : i32
    %mul3A_1 = arith.constant 625 : i32
    %mul3A_2 = arith.muli %arg1, %mul3A_1 : i32
    %mul3A_3 = arith.constant 625 : i32
    %mul3A_4 = arith.muli %arg1, %mul3A_3 : i32
    %dma_start3A = arith.constant 0 : i32
    %dma_start3A_5 = tpu.memref_slice %arg10[%mul3A_4, %dma_start3A] : memref<10000x32xf32, #tpu.memory_space<vmem_shared>> -> memref<625x32xf32, #tpu.memory_space<vmem_shared>>
    %dma_start3A_6 = arith.constant 0 : i32
    %dma_start3A_7 = tpu.memref_slice %arg2[%mul3A_2, %dma_start3A_6] : memref<10000x32xf32, #tpu.memory_space<hbm>> -> memref<625x32xf32, #tpu.memory_space<hbm>>
    tpu.enqueue_dma source(%dma_start3A_7 : memref<625x32xf32, #tpu.memory_space<hbm>>) target(%dma_start3A_5 : memref<625x32xf32, #tpu.memory_space<vmem_shared>>) target_semaphore(%arg15 : memref<!tpu.dma_semaphore, #tpu.memory_space<semaphore_mem>>)
    %mul3A_8 = arith.constant 632 : i32
    %mul3A_9 = arith.muli %arg1, %mul3A_8 : i32
    %dma_start3A_10 = arith.constant 0 : i32
    %dma_start3A_11 = tpu.memref_slice %arg11[%mul3A_9, %dma_start3A_10] : memref<10112x32xf32, #tpu.memory_space<vmem_shared>> -> memref<632x32xf32, #tpu.memory_space<vmem_shared>>
    tpu.enqueue_dma source(%arg4 : memref<632x32xf32, #tpu.memory_space<hbm>>) target(%dma_start3A_11 : memref<632x32xf32, #tpu.memory_space<vmem_shared>>) target_semaphore(%arg15 : memref<!tpu.dma_semaphore, #tpu.memory_space<semaphore_mem>>)
    %mul3A_12 = arith.constant 10000 : i32
    %mul3A_13 = arith.muli %add3A, %mul3A_12 : i32
    %run_scoped3A = arith.constant 0 : i32
    "tpu.region"() ({
      %run_scoped3A_140 = tpu.sem_alloc : memref<!tpu.dma_semaphore, #tpu.memory_space<semaphore_mem>>
      %dma_start3A_141 = tpu.memref_slice %arg3[%run_scoped3A, %mul3A_13] : memref<2x320000xi32, #tpu.memory_space<hbm>> -> memref<1x10000xi32, #tpu.memory_space<hbm>>
      %dma_start3A_142 = tpu.memref_squeeze %dma_start3A_141 : memref<1x10000xi32, #tpu.memory_space<hbm>> -> memref<10000xi32, #tpu.memory_space<hbm>>
      %dma_start3A_143 = tpu.memref_slice %arg3[%run_scoped3A, %mul3A_13] : memref<2x320000xi32, #tpu.memory_space<hbm>> -> memref<1x10000xi32, #tpu.memory_space<hbm>>
      %dma_start3A_144 = tpu.memref_squeeze %dma_start3A_143 : memref<1x10000xi32, #tpu.memory_space<hbm>> -> memref<10000xi32, #tpu.memory_space<hbm>>
      tpu.enqueue_dma source(%dma_start3A_144 : memref<10000xi32, #tpu.memory_space<hbm>>) target(%arg7 : memref<10000xi32, #tpu.memory_space<vmem>>) target_semaphore(%run_scoped3A_140 : memref<!tpu.dma_semaphore, #tpu.memory_space<semaphore_mem>>)
      %dma_wait3A_145 = tpu.memref_slice %arg3[%run_scoped3A, %mul3A_13] : memref<2x320000xi32, #tpu.memory_space<hbm>> -> memref<1x10000xi32, #tpu.memory_space<hbm>>
      %dma_wait3A_146 = tpu.memref_squeeze %dma_wait3A_145 : memref<1x10000xi32, #tpu.memory_space<hbm>> -> memref<10000xi32, #tpu.memory_space<hbm>>
      %dma_wait3A_147 = tpu.memref_slice %arg3[%run_scoped3A, %mul3A_13] : memref<2x320000xi32, #tpu.memory_space<hbm>> -> memref<1x10000xi32, #tpu.memory_space<hbm>>
      %dma_wait3A_148 = tpu.memref_squeeze %dma_wait3A_147 : memref<1x10000xi32, #tpu.memory_space<hbm>> -> memref<10000xi32, #tpu.memory_space<hbm>>
      tpu.wait_dma2 semaphore(%run_scoped3A_140 : memref<!tpu.dma_semaphore, #tpu.memory_space<semaphore_mem>>) src(%dma_wait3A_148 : memref<10000xi32, #tpu.memory_space<hbm>>) dst(%arg7 : memref<10000xi32, #tpu.memory_space<vmem>>)
      tpu.yield
    }) : () -> ()
    %mul3A_14 = arith.constant 10000 : i32
    %mul3A_15 = arith.muli %add3A, %mul3A_14 : i32
    %run_scoped3A_16 = arith.constant 1 : i32
    "tpu.region"() ({
      %run_scoped3A_140 = tpu.sem_alloc : memref<!tpu.dma_semaphore, #tpu.memory_space<semaphore_mem>>
      %dma_start3A_141 = tpu.memref_slice %arg3[%run_scoped3A_16, %mul3A_15] : memref<2x320000xi32, #tpu.memory_space<hbm>> -> memref<1x10000xi32, #tpu.memory_space<hbm>>
      %dma_start3A_142 = tpu.memref_squeeze %dma_start3A_141 : memref<1x10000xi32, #tpu.memory_space<hbm>> -> memref<10000xi32, #tpu.memory_space<hbm>>
      %dma_start3A_143 = tpu.memref_slice %arg3[%run_scoped3A_16, %mul3A_15] : memref<2x320000xi32, #tpu.memory_space<hbm>> -> memref<1x10000xi32, #tpu.memory_space<hbm>>
      %dma_start3A_144 = tpu.memref_squeeze %dma_start3A_143 : memref<1x10000xi32, #tpu.memory_space<hbm>> -> memref<10000xi32, #tpu.memory_space<hbm>>
      tpu.enqueue_dma source(%dma_start3A_144 : memref<10000xi32, #tpu.memory_space<hbm>>) target(%arg8 : memref<10000xi32, #tpu.memory_space<vmem>>) target_semaphore(%run_scoped3A_140 : memref<!tpu.dma_semaphore, #tpu.memory_space<semaphore_mem>>)
      %dma_wait3A_145 = tpu.memref_slice %arg3[%run_scoped3A_16, %mul3A_15] : memref<2x320000xi32, #tpu.memory_space<hbm>> -> memref<1x10000xi32, #tpu.memory_space<hbm>>
      %dma_wait3A_146 = tpu.memref_squeeze %dma_wait3A_145 : memref<1x10000xi32, #tpu.memory_space<hbm>> -> memref<10000xi32, #tpu.memory_space<hbm>>
      %dma_wait3A_147 = tpu.memref_slice %arg3[%run_scoped3A_16, %mul3A_15] : memref<2x320000xi32, #tpu.memory_space<hbm>> -> memref<1x10000xi32, #tpu.memory_space<hbm>>
      %dma_wait3A_148 = tpu.memref_squeeze %dma_wait3A_147 : memref<1x10000xi32, #tpu.memory_space<hbm>> -> memref<10000xi32, #tpu.memory_space<hbm>>
      tpu.wait_dma2 semaphore(%run_scoped3A_140 : memref<!tpu.dma_semaphore, #tpu.memory_space<semaphore_mem>>) src(%dma_wait3A_148 : memref<10000xi32, #tpu.memory_space<hbm>>) dst(%arg8 : memref<10000xi32, #tpu.memory_space<vmem>>)
      tpu.yield
    }) : () -> ()
    %dma_wait3A = arith.constant 0 : i32
    %dma_wait3A_17 = tpu.memref_slice %arg10[%mul3A_4, %dma_wait3A] : memref<10000x32xf32, #tpu.memory_space<vmem_shared>> -> memref<625x32xf32, #tpu.memory_space<vmem_shared>>
    %dma_wait3A_18 = arith.constant 0 : i32
    %dma_wait3A_19 = tpu.memref_slice %arg2[%mul3A_2, %dma_wait3A_18] : memref<10000x32xf32, #tpu.memory_space<hbm>> -> memref<625x32xf32, #tpu.memory_space<hbm>>
    tpu.wait_dma2 semaphore(%arg15 : memref<!tpu.dma_semaphore, #tpu.memory_space<semaphore_mem>>) src(%dma_wait3A_19 : memref<625x32xf32, #tpu.memory_space<hbm>>) dst(%dma_wait3A_17 : memref<625x32xf32, #tpu.memory_space<vmem_shared>>)
    %dma_wait3A_20 = arith.constant 0 : i32
    %dma_wait3A_21 = tpu.memref_slice %arg11[%mul3A_9, %dma_wait3A_20] : memref<10112x32xf32, #tpu.memory_space<vmem_shared>> -> memref<632x32xf32, #tpu.memory_space<vmem_shared>>
    tpu.wait_dma2 semaphore(%arg15 : memref<!tpu.dma_semaphore, #tpu.memory_space<semaphore_mem>>) src(%arg4 : memref<632x32xf32, #tpu.memory_space<hbm>>) dst(%dma_wait3A_21 : memref<632x32xf32, #tpu.memory_space<vmem_shared>>)
    %barrier3A = arith.constant 0 : index
    tpu.barrier barrier_id(%barrier3A)
    %dma_start3A_22 = arith.constant 0 : i32
    %dma_start3A_23 = arith.constant 0 : i32
    %dma_start3A_24 = arith.constant 0 : i32
    %dma_start3A_25 = arith.constant 0 : i32
    %dma_start3A_26 = tpu.memref_slice %arg9[%dma_start3A_22, %dma_start3A_24, %dma_start3A_25] : memref<3x256x32xf32, #tpu.memory_space<vmem>> -> memref<1x256x32xf32, #tpu.memory_space<vmem>>
    %dma_start3A_27 = tpu.memref_squeeze %dma_start3A_26 : memref<1x256x32xf32, #tpu.memory_space<vmem>> -> memref<256x32xf32, #tpu.memory_space<vmem>>
    %dma_start3A_28 = arith.constant 0 : i32
    %dma_start3A_29 = tpu.memref_slice %arg7[%dma_start3A_28] : memref<10000xi32, #tpu.memory_space<vmem>> -> memref<256xi32, #tpu.memory_space<vmem>>
    %dma_start3A_30 = arith.constant 0 : i32
    %dma_start3A_31 = arith.constant 0 : i32
    %dma_start3A_32 = tpu.memref_slice %arg10[%dma_start3A_30, %dma_start3A_31] : memref<10000x32xf32, #tpu.memory_space<vmem_shared>> -> memref<10000x32xf32, #tpu.memory_space<vmem_shared>>
    %dma_start3A_33 = tpu.memref_slice %arg12[%dma_start3A_23] : memref<3x!tpu.dma_semaphore, #tpu.memory_space<semaphore_mem>> -> memref<1x!tpu.dma_semaphore, #tpu.memory_space<semaphore_mem>>
    %dma_start3A_34 = tpu.memref_squeeze %dma_start3A_33 : memref<1x!tpu.dma_semaphore, #tpu.memory_space<semaphore_mem>> -> memref<!tpu.dma_semaphore, #tpu.memory_space<semaphore_mem>>
    tpu.enqueue_indirect_dma source(%dma_start3A_32 : memref<10000x32xf32, #tpu.memory_space<vmem_shared>>) target(%dma_start3A_27 : memref<256x32xf32, #tpu.memory_space<vmem>>) offsets(%dma_start3A_29 : memref<256xi32, #tpu.memory_space<vmem>>) semaphore(%dma_start3A_34 : memref<!tpu.dma_semaphore, #tpu.memory_space<semaphore_mem>>)
    %dma_start3A_35 = arith.constant 1 : i32
    %dma_start3A_36 = arith.constant 1 : i32
    %dma_start3A_37 = arith.constant 0 : i32
    %dma_start3A_38 = arith.constant 0 : i32
    %dma_start3A_39 = tpu.memref_slice %arg9[%dma_start3A_35, %dma_start3A_37, %dma_start3A_38] : memref<3x256x32xf32, #tpu.memory_space<vmem>> -> memref<1x256x32xf32, #tpu.memory_space<vmem>>
    %dma_start3A_40 = tpu.memref_squeeze %dma_start3A_39 : memref<1x256x32xf32, #tpu.memory_space<vmem>> -> memref<256x32xf32, #tpu.memory_space<vmem>>
    %dma_start3A_41 = arith.constant 256 : i32
    %dma_start3A_42 = tpu.memref_slice %arg7[%dma_start3A_41] : memref<10000xi32, #tpu.memory_space<vmem>> -> memref<256xi32, #tpu.memory_space<vmem>>
    %dma_start3A_43 = arith.constant 0 : i32
    %dma_start3A_44 = arith.constant 0 : i32
    %dma_start3A_45 = tpu.memref_slice %arg10[%dma_start3A_43, %dma_start3A_44] : memref<10000x32xf32, #tpu.memory_space<vmem_shared>> -> memref<10000x32xf32, #tpu.memory_space<vmem_shared>>
    %dma_start3A_46 = tpu.memref_slice %arg12[%dma_start3A_36] : memref<3x!tpu.dma_semaphore, #tpu.memory_space<semaphore_mem>> -> memref<1x!tpu.dma_semaphore, #tpu.memory_space<semaphore_mem>>
    %dma_start3A_47 = tpu.memref_squeeze %dma_start3A_46 : memref<1x!tpu.dma_semaphore, #tpu.memory_space<semaphore_mem>> -> memref<!tpu.dma_semaphore, #tpu.memory_space<semaphore_mem>>
    tpu.enqueue_indirect_dma source(%dma_start3A_45 : memref<10000x32xf32, #tpu.memory_space<vmem_shared>>) target(%dma_start3A_40 : memref<256x32xf32, #tpu.memory_space<vmem>>) offsets(%dma_start3A_42 : memref<256xi32, #tpu.memory_space<vmem>>) semaphore(%dma_start3A_47 : memref<!tpu.dma_semaphore, #tpu.memory_space<semaphore_mem>>)
    %scan3A = arith.constant 0 : i32
    %scan3A_48 = arith.constant 0 : i32
    %scan3A_49 = arith.constant 13 : i32
    %scan3A_50 = arith.addi %scan3A_48, %scan3A_49 : i32
    %scan3A_51 = arith.constant 1 : i32
    %scan3A_52 = scf.for %scan3A_140 = %scan3A_48 to %scan3A_50 step %scan3A_51 iter_args(%scan3A_141 = %scan3A) -> (i32)  : i32 {
      %mul3A_142 = arith.constant 3 : i32
      %mul3A_143 = arith.muli %scan3A_140, %mul3A_142 : i32
      %add3A_144 = arith.constant 0 : i32
      %add3A_145 = arith.addi %mul3A_143, %add3A_144 : i32
      %dma_wait3A_146 = arith.constant 0 : i32
      %dma_wait3A_147 = arith.constant 0 : i32
      %dma_wait3A_148 = arith.constant 0 : i32
      %dma_wait3A_149 = arith.constant 0 : i32
      %dma_wait3A_150 = tpu.memref_slice %arg9[%dma_wait3A_146, %dma_wait3A_148, %dma_wait3A_149] : memref<3x256x32xf32, #tpu.memory_space<vmem>> -> memref<1x256x32xf32, #tpu.memory_space<vmem>>
      %dma_wait3A_151 = tpu.memref_squeeze %dma_wait3A_150 : memref<1x256x32xf32, #tpu.memory_space<vmem>> -> memref<256x32xf32, #tpu.memory_space<vmem>>
      %dma_wait3A_152 = arith.constant 0 : i32
      %dma_wait3A_153 = arith.constant 0 : i32
      %dma_wait3A_154 = tpu.memref_slice %arg10[%dma_wait3A_152, %dma_wait3A_153] : memref<10000x32xf32, #tpu.memory_space<vmem_shared>> -> memref<256x32xf32, #tpu.memory_space<vmem_shared>>
      %dma_wait3A_155 = tpu.memref_slice %arg12[%dma_wait3A_147] : memref<3x!tpu.dma_semaphore, #tpu.memory_space<semaphore_mem>> -> memref<1x!tpu.dma_semaphore, #tpu.memory_space<semaphore_mem>>
      %dma_wait3A_156 = tpu.memref_squeeze %dma_wait3A_155 : memref<1x!tpu.dma_semaphore, #tpu.memory_space<semaphore_mem>> -> memref<!tpu.dma_semaphore, #tpu.memory_space<semaphore_mem>>
      %dma_wait3A_157 = arith.constant 0 : i32
      %dma_wait3A_158 = arith.constant 0 : i32
      %dma_wait3A_159 = tpu.memref_slice %arg9[%dma_wait3A_146, %dma_wait3A_157, %dma_wait3A_158] : memref<3x256x32xf32, #tpu.memory_space<vmem>> -> memref<1x256x32xf32, #tpu.memory_space<vmem>>
      %dma_wait3A_160 = tpu.memref_squeeze %dma_wait3A_159 : memref<1x256x32xf32, #tpu.memory_space<vmem>> -> memref<256x32xf32, #tpu.memory_space<vmem>>
      %dma_wait3A_161 = arith.constant 0 : i32
      %dma_wait3A_162 = arith.constant 0 : i32
      %dma_wait3A_163 = tpu.memref_slice %arg10[%dma_wait3A_161, %dma_wait3A_162] : memref<10000x32xf32, #tpu.memory_space<vmem_shared>> -> memref<256x32xf32, #tpu.memory_space<vmem_shared>>
      tpu.wait_dma2 semaphore(%dma_wait3A_156 : memref<!tpu.dma_semaphore, #tpu.memory_space<semaphore_mem>>) src(%dma_wait3A_163 : memref<256x32xf32, #tpu.memory_space<vmem_shared>>) dst(%dma_wait3A_160 : memref<256x32xf32, #tpu.memory_space<vmem>>)
      %mul3A_164 = arith.constant 256 : i32
      %mul3A_165 = arith.muli %add3A_145, %mul3A_164 : i32
      %dma_start3A_166 = arith.constant 0 : i32
      %dma_start3A_167 = arith.constant 0 : i32
      %dma_start3A_168 = arith.constant 0 : i32
      %dma_start3A_169 = arith.constant 0 : i32
      %dma_start3A_170 = tpu.memref_slice %arg9[%dma_start3A_166, %dma_start3A_168, %dma_start3A_169] : memref<3x256x32xf32, #tpu.memory_space<vmem>> -> memref<1x256x32xf32, #tpu.memory_space<vmem>>
      %dma_start3A_171 = tpu.memref_squeeze %dma_start3A_170 : memref<1x256x32xf32, #tpu.memory_space<vmem>> -> memref<256x32xf32, #tpu.memory_space<vmem>>
      %dma_start3A_172 = tpu.memref_slice %arg8[%mul3A_165] : memref<10000xi32, #tpu.memory_space<vmem>> -> memref<256xi32, #tpu.memory_space<vmem>>
      %dma_start3A_173 = arith.constant 0 : i32
      %dma_start3A_174 = arith.constant 0 : i32
      %dma_start3A_175 = tpu.memref_slice %arg11[%dma_start3A_173, %dma_start3A_174] : memref<10112x32xf32, #tpu.memory_space<vmem_shared>> -> memref<10112x32xf32, #tpu.memory_space<vmem_shared>>
      %dma_start3A_176 = tpu.memref_slice %arg13[%dma_start3A_167] : memref<3x!tpu.dma_semaphore, #tpu.memory_space<semaphore_mem>> -> memref<1x!tpu.dma_semaphore, #tpu.memory_space<semaphore_mem>>
      %dma_start3A_177 = tpu.memref_squeeze %dma_start3A_176 : memref<1x!tpu.dma_semaphore, #tpu.memory_space<semaphore_mem>> -> memref<!tpu.dma_semaphore, #tpu.memory_space<semaphore_mem>>
      tpu.enqueue_indirect_dma source(%dma_start3A_171 : memref<256x32xf32, #tpu.memory_space<vmem>>) target(%dma_start3A_175 : memref<10112x32xf32, #tpu.memory_space<vmem_shared>>) offsets(%dma_start3A_172 : memref<256xi32, #tpu.memory_space<vmem>>) semaphore(%dma_start3A_177 : memref<!tpu.dma_semaphore, #tpu.memory_space<semaphore_mem>>) {add = true}
      %add3A_178 = arith.constant 2 : i32
      %add3A_179 = arith.addi %add3A_145, %add3A_178 : i32
      %lt3A = arith.constant 39 : i32
      %lt3A_180 = arith.cmpi slt, %add3A_179, %lt3A : i32
      %convert_element_type3A = arith.extui %lt3A_180 : i1 to i32
      %cond3A = arith.constant 0 : i32
      %cond3A_181 = arith.cmpi ne, %convert_element_type3A, %cond3A : i32
      scf.if %cond3A_181 {
        %ge3A = arith.constant 1 : i32
        %ge3A_269 = arith.cmpi sge, %add3A_145, %ge3A : i32
        %convert_element_type3A_270 = arith.extui %ge3A_269 : i1 to i32
        %cond3A_271 = arith.constant 0 : i32
        %cond3A_272 = arith.cmpi ne, %convert_element_type3A_270, %cond3A_271 : i32
        scf.if %cond3A_272 {
          %dma_wait3A_289 = arith.constant 2 : i32
          %dma_wait3A_290 = arith.constant 2 : i32
          %dma_wait3A_291 = arith.constant 0 : i32
          %dma_wait3A_292 = arith.constant 0 : i32
          %dma_wait3A_293 = tpu.memref_slice %arg9[%dma_wait3A_289, %dma_wait3A_291, %dma_wait3A_292] : memref<3x256x32xf32, #tpu.memory_space<vmem>> -> memref<1x256x32xf32, #tpu.memory_space<vmem>>
          %dma_wait3A_294 = tpu.memref_squeeze %dma_wait3A_293 : memref<1x256x32xf32, #tpu.memory_space<vmem>> -> memref<256x32xf32, #tpu.memory_space<vmem>>
          %dma_wait3A_295 = arith.constant 0 : i32
          %dma_wait3A_296 = arith.constant 0 : i32
          %dma_wait3A_297 = tpu.memref_slice %arg11[%dma_wait3A_295, %dma_wait3A_296] : memref<10112x32xf32, #tpu.memory_space<vmem_shared>> -> memref<256x32xf32, #tpu.memory_space<vmem_shared>>
          %dma_wait3A_298 = tpu.memref_slice %arg13[%dma_wait3A_290] : memref<3x!tpu.dma_semaphore, #tpu.memory_space<semaphore_mem>> -> memref<1x!tpu.dma_semaphore, #tpu.memory_space<semaphore_mem>>
          %dma_wait3A_299 = tpu.memref_squeeze %dma_wait3A_298 : memref<1x!tpu.dma_semaphore, #tpu.memory_space<semaphore_mem>> -> memref<!tpu.dma_semaphore, #tpu.memory_space<semaphore_mem>>
          %dma_wait3A_300 = arith.constant 0 : i32
          %dma_wait3A_301 = arith.constant 0 : i32
          %dma_wait3A_302 = tpu.memref_slice %arg11[%dma_wait3A_300, %dma_wait3A_301] : memref<10112x32xf32, #tpu.memory_space<vmem_shared>> -> memref<256x32xf32, #tpu.memory_space<vmem_shared>>
          %dma_wait3A_303 = arith.constant 0 : i32
          %dma_wait3A_304 = arith.constant 0 : i32
          %dma_wait3A_305 = tpu.memref_slice %arg9[%dma_wait3A_289, %dma_wait3A_303, %dma_wait3A_304] : memref<3x256x32xf32, #tpu.memory_space<vmem>> -> memref<1x256x32xf32, #tpu.memory_space<vmem>>
          %dma_wait3A_306 = tpu.memref_squeeze %dma_wait3A_305 : memref<1x256x32xf32, #tpu.memory_space<vmem>> -> memref<256x32xf32, #tpu.memory_space<vmem>>
          tpu.wait_dma2 semaphore(%dma_wait3A_299 : memref<!tpu.dma_semaphore, #tpu.memory_space<semaphore_mem>>) src(%dma_wait3A_306 : memref<256x32xf32, #tpu.memory_space<vmem>>) dst(%dma_wait3A_302 : memref<256x32xf32, #tpu.memory_space<vmem_shared>>)
        } else {
        }
        %add3A_273 = arith.constant 2 : i32
        %add3A_274 = arith.addi %add3A_145, %add3A_273 : i32
        %mul3A_275 = arith.constant 256 : i32
        %mul3A_276 = arith.muli %add3A_274, %mul3A_275 : i32
        %dma_start3A_277 = arith.constant 2 : i32
        %dma_start3A_278 = arith.constant 2 : i32
        %dma_start3A_279 = arith.constant 0 : i32
        %dma_start3A_280 = arith.constant 0 : i32
        %dma_start3A_281 = tpu.memref_slice %arg9[%dma_start3A_277, %dma_start3A_279, %dma_start3A_280] : memref<3x256x32xf32, #tpu.memory_space<vmem>> -> memref<1x256x32xf32, #tpu.memory_space<vmem>>
        %dma_start3A_282 = tpu.memref_squeeze %dma_start3A_281 : memref<1x256x32xf32, #tpu.memory_space<vmem>> -> memref<256x32xf32, #tpu.memory_space<vmem>>
        %dma_start3A_283 = tpu.memref_slice %arg7[%mul3A_276] : memref<10000xi32, #tpu.memory_space<vmem>> -> memref<256xi32, #tpu.memory_space<vmem>>
        %dma_start3A_284 = arith.constant 0 : i32
        %dma_start3A_285 = arith.constant 0 : i32
        %dma_start3A_286 = tpu.memref_slice %arg10[%dma_start3A_284, %dma_start3A_285] : memref<10000x32xf32, #tpu.memory_space<vmem_shared>> -> memref<10000x32xf32, #tpu.memory_space<vmem_shared>>
        %dma_start3A_287 = tpu.memref_slice %arg12[%dma_start3A_278] : memref<3x!tpu.dma_semaphore, #tpu.memory_space<semaphore_mem>> -> memref<1x!tpu.dma_semaphore, #tpu.memory_space<semaphore_mem>>
        %dma_start3A_288 = tpu.memref_squeeze %dma_start3A_287 : memref<1x!tpu.dma_semaphore, #tpu.memory_space<semaphore_mem>> -> memref<!tpu.dma_semaphore, #tpu.memory_space<semaphore_mem>>
        tpu.enqueue_indirect_dma source(%dma_start3A_286 : memref<10000x32xf32, #tpu.memory_space<vmem_shared>>) target(%dma_start3A_282 : memref<256x32xf32, #tpu.memory_space<vmem>>) offsets(%dma_start3A_283 : memref<256xi32, #tpu.memory_space<vmem>>) semaphore(%dma_start3A_288 : memref<!tpu.dma_semaphore, #tpu.memory_space<semaphore_mem>>)
      } else {
      }
      %mul3A_182 = arith.constant 3 : i32
      %mul3A_183 = arith.muli %scan3A_140, %mul3A_182 : i32
      %add3A_184 = arith.constant 1 : i32
      %add3A_185 = arith.addi %mul3A_183, %add3A_184 : i32
      %dma_wait3A_186 = arith.constant 1 : i32
      %dma_wait3A_187 = arith.constant 1 : i32
      %dma_wait3A_188 = arith.constant 0 : i32
      %dma_wait3A_189 = arith.constant 0 : i32
      %dma_wait3A_190 = tpu.memref_slice %arg9[%dma_wait3A_186, %dma_wait3A_188, %dma_wait3A_189] : memref<3x256x32xf32, #tpu.memory_space<vmem>> -> memref<1x256x32xf32, #tpu.memory_space<vmem>>
      %dma_wait3A_191 = tpu.memref_squeeze %dma_wait3A_190 : memref<1x256x32xf32, #tpu.memory_space<vmem>> -> memref<256x32xf32, #tpu.memory_space<vmem>>
      %dma_wait3A_192 = arith.constant 0 : i32
      %dma_wait3A_193 = arith.constant 0 : i32
      %dma_wait3A_194 = tpu.memref_slice %arg10[%dma_wait3A_192, %dma_wait3A_193] : memref<10000x32xf32, #tpu.memory_space<vmem_shared>> -> memref<256x32xf32, #tpu.memory_space<vmem_shared>>
      %dma_wait3A_195 = tpu.memref_slice %arg12[%dma_wait3A_187] : memref<3x!tpu.dma_semaphore, #tpu.memory_space<semaphore_mem>> -> memref<1x!tpu.dma_semaphore, #tpu.memory_space<semaphore_mem>>
      %dma_wait3A_196 = tpu.memref_squeeze %dma_wait3A_195 : memref<1x!tpu.dma_semaphore, #tpu.memory_space<semaphore_mem>> -> memref<!tpu.dma_semaphore, #tpu.memory_space<semaphore_mem>>
      %dma_wait3A_197 = arith.constant 0 : i32
      %dma_wait3A_198 = arith.constant 0 : i32
      %dma_wait3A_199 = tpu.memref_slice %arg9[%dma_wait3A_186, %dma_wait3A_197, %dma_wait3A_198] : memref<3x256x32xf32, #tpu.memory_space<vmem>> -> memref<1x256x32xf32, #tpu.memory_space<vmem>>
      %dma_wait3A_200 = tpu.memref_squeeze %dma_wait3A_199 : memref<1x256x32xf32, #tpu.memory_space<vmem>> -> memref<256x32xf32, #tpu.memory_space<vmem>>
      %dma_wait3A_201 = arith.constant 0 : i32
      %dma_wait3A_202 = arith.constant 0 : i32
      %dma_wait3A_203 = tpu.memref_slice %arg10[%dma_wait3A_201, %dma_wait3A_202] : memref<10000x32xf32, #tpu.memory_space<vmem_shared>> -> memref<256x32xf32, #tpu.memory_space<vmem_shared>>
      tpu.wait_dma2 semaphore(%dma_wait3A_196 : memref<!tpu.dma_semaphore, #tpu.memory_space<semaphore_mem>>) src(%dma_wait3A_203 : memref<256x32xf32, #tpu.memory_space<vmem_shared>>) dst(%dma_wait3A_200 : memref<256x32xf32, #tpu.memory_space<vmem>>)
      %mul3A_204 = arith.constant 256 : i32
      %mul3A_205 = arith.muli %add3A_185, %mul3A_204 : i32
      %dma_start3A_206 = arith.constant 1 : i32
      %dma_start3A_207 = arith.constant 1 : i32
      %dma_start3A_208 = arith.constant 0 : i32
      %dma_start3A_209 = arith.constant 0 : i32
      %dma_start3A_210 = tpu.memref_slice %arg9[%dma_start3A_206, %dma_start3A_208, %dma_start3A_209] : memref<3x256x32xf32, #tpu.memory_space<vmem>> -> memref<1x256x32xf32, #tpu.memory_space<vmem>>
      %dma_start3A_211 = tpu.memref_squeeze %dma_start3A_210 : memref<1x256x32xf32, #tpu.memory_space<vmem>> -> memref<256x32xf32, #tpu.memory_space<vmem>>
      %dma_start3A_212 = tpu.memref_slice %arg8[%mul3A_205] : memref<10000xi32, #tpu.memory_space<vmem>> -> memref<256xi32, #tpu.memory_space<vmem>>
      %dma_start3A_213 = arith.constant 0 : i32
      %dma_start3A_214 = arith.constant 0 : i32
      %dma_start3A_215 = tpu.memref_slice %arg11[%dma_start3A_213, %dma_start3A_214] : memref<10112x32xf32, #tpu.memory_space<vmem_shared>> -> memref<10112x32xf32, #tpu.memory_space<vmem_shared>>
      %dma_start3A_216 = tpu.memref_slice %arg13[%dma_start3A_207] : memref<3x!tpu.dma_semaphore, #tpu.memory_space<semaphore_mem>> -> memref<1x!tpu.dma_semaphore, #tpu.memory_space<semaphore_mem>>
      %dma_start3A_217 = tpu.memref_squeeze %dma_start3A_216 : memref<1x!tpu.dma_semaphore, #tpu.memory_space<semaphore_mem>> -> memref<!tpu.dma_semaphore, #tpu.memory_space<semaphore_mem>>
      tpu.enqueue_indirect_dma source(%dma_start3A_211 : memref<256x32xf32, #tpu.memory_space<vmem>>) target(%dma_start3A_215 : memref<10112x32xf32, #tpu.memory_space<vmem_shared>>) offsets(%dma_start3A_212 : memref<256xi32, #tpu.memory_space<vmem>>) semaphore(%dma_start3A_217 : memref<!tpu.dma_semaphore, #tpu.memory_space<semaphore_mem>>) {add = true}
      %add3A_218 = arith.constant 2 : i32
      %add3A_219 = arith.addi %add3A_185, %add3A_218 : i32
      %lt3A_220 = arith.constant 39 : i32
      %lt3A_221 = arith.cmpi slt, %add3A_219, %lt3A_220 : i32
      %convert_element_type3A_222 = arith.extui %lt3A_221 : i1 to i32
      %cond3A_223 = arith.constant 0 : i32
      %cond3A_224 = arith.cmpi ne, %convert_element_type3A_222, %cond3A_223 : i32
      scf.if %cond3A_224 {
        %ge3A = arith.constant 1 : i32
        %ge3A_269 = arith.cmpi sge, %add3A_185, %ge3A : i32
        %convert_element_type3A_270 = arith.extui %ge3A_269 : i1 to i32
        %cond3A_271 = arith.constant 0 : i32
        %cond3A_272 = arith.cmpi ne, %convert_element_type3A_270, %cond3A_271 : i32
        scf.if %cond3A_272 {
          %dma_wait3A_289 = arith.constant 0 : i32
          %dma_wait3A_290 = arith.constant 0 : i32
          %dma_wait3A_291 = arith.constant 0 : i32
          %dma_wait3A_292 = arith.constant 0 : i32
          %dma_wait3A_293 = tpu.memref_slice %arg9[%dma_wait3A_289, %dma_wait3A_291, %dma_wait3A_292] : memref<3x256x32xf32, #tpu.memory_space<vmem>> -> memref<1x256x32xf32, #tpu.memory_space<vmem>>
          %dma_wait3A_294 = tpu.memref_squeeze %dma_wait3A_293 : memref<1x256x32xf32, #tpu.memory_space<vmem>> -> memref<256x32xf32, #tpu.memory_space<vmem>>
          %dma_wait3A_295 = arith.constant 0 : i32
          %dma_wait3A_296 = arith.constant 0 : i32
          %dma_wait3A_297 = tpu.memref_slice %arg11[%dma_wait3A_295, %dma_wait3A_296] : memref<10112x32xf32, #tpu.memory_space<vmem_shared>> -> memref<256x32xf32, #tpu.memory_space<vmem_shared>>
          %dma_wait3A_298 = tpu.memref_slice %arg13[%dma_wait3A_290] : memref<3x!tpu.dma_semaphore, #tpu.memory_space<semaphore_mem>> -> memref<1x!tpu.dma_semaphore, #tpu.memory_space<semaphore_mem>>
          %dma_wait3A_299 = tpu.memref_squeeze %dma_wait3A_298 : memref<1x!tpu.dma_semaphore, #tpu.memory_space<semaphore_mem>> -> memref<!tpu.dma_semaphore, #tpu.memory_space<semaphore_mem>>
          %dma_wait3A_300 = arith.constant 0 : i32
          %dma_wait3A_301 = arith.constant 0 : i32
          %dma_wait3A_302 = tpu.memref_slice %arg11[%dma_wait3A_300, %dma_wait3A_301] : memref<10112x32xf32, #tpu.memory_space<vmem_shared>> -> memref<256x32xf32, #tpu.memory_space<vmem_shared>>
          %dma_wait3A_303 = arith.constant 0 : i32
          %dma_wait3A_304 = arith.constant 0 : i32
          %dma_wait3A_305 = tpu.memref_slice %arg9[%dma_wait3A_289, %dma_wait3A_303, %dma_wait3A_304] : memref<3x256x32xf32, #tpu.memory_space<vmem>> -> memref<1x256x32xf32, #tpu.memory_space<vmem>>
          %dma_wait3A_306 = tpu.memref_squeeze %dma_wait3A_305 : memref<1x256x32xf32, #tpu.memory_space<vmem>> -> memref<256x32xf32, #tpu.memory_space<vmem>>
          tpu.wait_dma2 semaphore(%dma_wait3A_299 : memref<!tpu.dma_semaphore, #tpu.memory_space<semaphore_mem>>) src(%dma_wait3A_306 : memref<256x32xf32, #tpu.memory_space<vmem>>) dst(%dma_wait3A_302 : memref<256x32xf32, #tpu.memory_space<vmem_shared>>)
        } else {
        }
        %add3A_273 = arith.constant 2 : i32
        %add3A_274 = arith.addi %add3A_185, %add3A_273 : i32
        %mul3A_275 = arith.constant 256 : i32
        %mul3A_276 = arith.muli %add3A_274, %mul3A_275 : i32
        %dma_start3A_277 = arith.constant 0 : i32
        %dma_start3A_278 = arith.constant 0 : i32
        %dma_start3A_279 = arith.constant 0 : i32
        %dma_start3A_280 = arith.constant 0 : i32
        %dma_start3A_281 = tpu.memref_slice %arg9[%dma_start3A_277, %dma_start3A_279, %dma_start3A_280] : memref<3x256x32xf32, #tpu.memory_space<vmem>> -> memref<1x256x32xf32, #tpu.memory_space<vmem>>
        %dma_start3A_282 = tpu.memref_squeeze %dma_start3A_281 : memref<1x256x32xf32, #tpu.memory_space<vmem>> -> memref<256x32xf32, #tpu.memory_space<vmem>>
        %dma_start3A_283 = tpu.memref_slice %arg7[%mul3A_276] : memref<10000xi32, #tpu.memory_space<vmem>> -> memref<256xi32, #tpu.memory_space<vmem>>
        %dma_start3A_284 = arith.constant 0 : i32
        %dma_start3A_285 = arith.constant 0 : i32
        %dma_start3A_286 = tpu.memref_slice %arg10[%dma_start3A_284, %dma_start3A_285] : memref<10000x32xf32, #tpu.memory_space<vmem_shared>> -> memref<10000x32xf32, #tpu.memory_space<vmem_shared>>
        %dma_start3A_287 = tpu.memref_slice %arg12[%dma_start3A_278] : memref<3x!tpu.dma_semaphore, #tpu.memory_space<semaphore_mem>> -> memref<1x!tpu.dma_semaphore, #tpu.memory_space<semaphore_mem>>
        %dma_start3A_288 = tpu.memref_squeeze %dma_start3A_287 : memref<1x!tpu.dma_semaphore, #tpu.memory_space<semaphore_mem>> -> memref<!tpu.dma_semaphore, #tpu.memory_space<semaphore_mem>>
        tpu.enqueue_indirect_dma source(%dma_start3A_286 : memref<10000x32xf32, #tpu.memory_space<vmem_shared>>) target(%dma_start3A_282 : memref<256x32xf32, #tpu.memory_space<vmem>>) offsets(%dma_start3A_283 : memref<256xi32, #tpu.memory_space<vmem>>) semaphore(%dma_start3A_288 : memref<!tpu.dma_semaphore, #tpu.memory_space<semaphore_mem>>)
      } else {
      }
      %mul3A_225 = arith.constant 3 : i32
      %mul3A_226 = arith.muli %scan3A_140, %mul3A_225 : i32
      %add3A_227 = arith.constant 2 : i32
      %add3A_228 = arith.addi %mul3A_226, %add3A_227 : i32
      %dma_wait3A_229 = arith.constant 2 : i32
      %dma_wait3A_230 = arith.constant 2 : i32
      %dma_wait3A_231 = arith.constant 0 : i32
      %dma_wait3A_232 = arith.constant 0 : i32
      %dma_wait3A_233 = tpu.memref_slice %arg9[%dma_wait3A_229, %dma_wait3A_231, %dma_wait3A_232] : memref<3x256x32xf32, #tpu.memory_space<vmem>> -> memref<1x256x32xf32, #tpu.memory_space<vmem>>
      %dma_wait3A_234 = tpu.memref_squeeze %dma_wait3A_233 : memref<1x256x32xf32, #tpu.memory_space<vmem>> -> memref<256x32xf32, #tpu.memory_space<vmem>>
      %dma_wait3A_235 = arith.constant 0 : i32
      %dma_wait3A_236 = arith.constant 0 : i32
      %dma_wait3A_237 = tpu.memref_slice %arg10[%dma_wait3A_235, %dma_wait3A_236] : memref<10000x32xf32, #tpu.memory_space<vmem_shared>> -> memref<256x32xf32, #tpu.memory_space<vmem_shared>>
      %dma_wait3A_238 = tpu.memref_slice %arg12[%dma_wait3A_230] : memref<3x!tpu.dma_semaphore, #tpu.memory_space<semaphore_mem>> -> memref<1x!tpu.dma_semaphore, #tpu.memory_space<semaphore_mem>>
      %dma_wait3A_239 = tpu.memref_squeeze %dma_wait3A_238 : memref<1x!tpu.dma_semaphore, #tpu.memory_space<semaphore_mem>> -> memref<!tpu.dma_semaphore, #tpu.memory_space<semaphore_mem>>
      %dma_wait3A_240 = arith.constant 0 : i32
      %dma_wait3A_241 = arith.constant 0 : i32
      %dma_wait3A_242 = tpu.memref_slice %arg9[%dma_wait3A_229, %dma_wait3A_240, %dma_wait3A_241] : memref<3x256x32xf32, #tpu.memory_space<vmem>> -> memref<1x256x32xf32, #tpu.memory_space<vmem>>
      %dma_wait3A_243 = tpu.memref_squeeze %dma_wait3A_242 : memref<1x256x32xf32, #tpu.memory_space<vmem>> -> memref<256x32xf32, #tpu.memory_space<vmem>>
      %dma_wait3A_244 = arith.constant 0 : i32
      %dma_wait3A_245 = arith.constant 0 : i32
      %dma_wait3A_246 = tpu.memref_slice %arg10[%dma_wait3A_244, %dma_wait3A_245] : memref<10000x32xf32, #tpu.memory_space<vmem_shared>> -> memref<256x32xf32, #tpu.memory_space<vmem_shared>>
      tpu.wait_dma2 semaphore(%dma_wait3A_239 : memref<!tpu.dma_semaphore, #tpu.memory_space<semaphore_mem>>) src(%dma_wait3A_246 : memref<256x32xf32, #tpu.memory_space<vmem_shared>>) dst(%dma_wait3A_243 : memref<256x32xf32, #tpu.memory_space<vmem>>)
      %mul3A_247 = arith.constant 256 : i32
      %mul3A_248 = arith.muli %add3A_228, %mul3A_247 : i32
      %dma_start3A_249 = arith.constant 2 : i32
      %dma_start3A_250 = arith.constant 2 : i32
      %dma_start3A_251 = arith.constant 0 : i32
      %dma_start3A_252 = arith.constant 0 : i32
      %dma_start3A_253 = tpu.memref_slice %arg9[%dma_start3A_249, %dma_start3A_251, %dma_start3A_252] : memref<3x256x32xf32, #tpu.memory_space<vmem>> -> memref<1x256x32xf32, #tpu.memory_space<vmem>>
      %dma_start3A_254 = tpu.memref_squeeze %dma_start3A_253 : memref<1x256x32xf32, #tpu.memory_space<vmem>> -> memref<256x32xf32, #tpu.memory_space<vmem>>
      %dma_start3A_255 = tpu.memref_slice %arg8[%mul3A_248] : memref<10000xi32, #tpu.memory_space<vmem>> -> memref<256xi32, #tpu.memory_space<vmem>>
      %dma_start3A_256 = arith.constant 0 : i32
      %dma_start3A_257 = arith.constant 0 : i32
      %dma_start3A_258 = tpu.memref_slice %arg11[%dma_start3A_256, %dma_start3A_257] : memref<10112x32xf32, #tpu.memory_space<vmem_shared>> -> memref<10112x32xf32, #tpu.memory_space<vmem_shared>>
      %dma_start3A_259 = tpu.memref_slice %arg13[%dma_start3A_250] : memref<3x!tpu.dma_semaphore, #tpu.memory_space<semaphore_mem>> -> memref<1x!tpu.dma_semaphore, #tpu.memory_space<semaphore_mem>>
      %dma_start3A_260 = tpu.memref_squeeze %dma_start3A_259 : memref<1x!tpu.dma_semaphore, #tpu.memory_space<semaphore_mem>> -> memref<!tpu.dma_semaphore, #tpu.memory_space<semaphore_mem>>
      tpu.enqueue_indirect_dma source(%dma_start3A_254 : memref<256x32xf32, #tpu.memory_space<vmem>>) target(%dma_start3A_258 : memref<10112x32xf32, #tpu.memory_space<vmem_shared>>) offsets(%dma_start3A_255 : memref<256xi32, #tpu.memory_space<vmem>>) semaphore(%dma_start3A_260 : memref<!tpu.dma_semaphore, #tpu.memory_space<semaphore_mem>>) {add = true}
      %add3A_261 = arith.constant 2 : i32
      %add3A_262 = arith.addi %add3A_228, %add3A_261 : i32
      %lt3A_263 = arith.constant 39 : i32
      %lt3A_264 = arith.cmpi slt, %add3A_262, %lt3A_263 : i32
      %convert_element_type3A_265 = arith.extui %lt3A_264 : i1 to i32
      %cond3A_266 = arith.constant 0 : i32
      %cond3A_267 = arith.cmpi ne, %convert_element_type3A_265, %cond3A_266 : i32
      scf.if %cond3A_267 {
        %ge3A = arith.constant 1 : i32
        %ge3A_269 = arith.cmpi sge, %add3A_228, %ge3A : i32
        %convert_element_type3A_270 = arith.extui %ge3A_269 : i1 to i32
        %cond3A_271 = arith.constant 0 : i32
        %cond3A_272 = arith.cmpi ne, %convert_element_type3A_270, %cond3A_271 : i32
        scf.if %cond3A_272 {
          %dma_wait3A_289 = arith.constant 1 : i32
          %dma_wait3A_290 = arith.constant 1 : i32
          %dma_wait3A_291 = arith.constant 0 : i32
          %dma_wait3A_292 = arith.constant 0 : i32
          %dma_wait3A_293 = tpu.memref_slice %arg9[%dma_wait3A_289, %dma_wait3A_291, %dma_wait3A_292] : memref<3x256x32xf32, #tpu.memory_space<vmem>> -> memref<1x256x32xf32, #tpu.memory_space<vmem>>
          %dma_wait3A_294 = tpu.memref_squeeze %dma_wait3A_293 : memref<1x256x32xf32, #tpu.memory_space<vmem>> -> memref<256x32xf32, #tpu.memory_space<vmem>>
          %dma_wait3A_295 = arith.constant 0 : i32
          %dma_wait3A_296 = arith.constant 0 : i32
          %dma_wait3A_297 = tpu.memref_slice %arg11[%dma_wait3A_295, %dma_wait3A_296] : memref<10112x32xf32, #tpu.memory_space<vmem_shared>> -> memref<256x32xf32, #tpu.memory_space<vmem_shared>>
          %dma_wait3A_298 = tpu.memref_slice %arg13[%dma_wait3A_290] : memref<3x!tpu.dma_semaphore, #tpu.memory_space<semaphore_mem>> -> memref<1x!tpu.dma_semaphore, #tpu.memory_space<semaphore_mem>>
          %dma_wait3A_299 = tpu.memref_squeeze %dma_wait3A_298 : memref<1x!tpu.dma_semaphore, #tpu.memory_space<semaphore_mem>> -> memref<!tpu.dma_semaphore, #tpu.memory_space<semaphore_mem>>
          %dma_wait3A_300 = arith.constant 0 : i32
          %dma_wait3A_301 = arith.constant 0 : i32
          %dma_wait3A_302 = tpu.memref_slice %arg11[%dma_wait3A_300, %dma_wait3A_301] : memref<10112x32xf32, #tpu.memory_space<vmem_shared>> -> memref<256x32xf32, #tpu.memory_space<vmem_shared>>
          %dma_wait3A_303 = arith.constant 0 : i32
          %dma_wait3A_304 = arith.constant 0 : i32
          %dma_wait3A_305 = tpu.memref_slice %arg9[%dma_wait3A_289, %dma_wait3A_303, %dma_wait3A_304] : memref<3x256x32xf32, #tpu.memory_space<vmem>> -> memref<1x256x32xf32, #tpu.memory_space<vmem>>
          %dma_wait3A_306 = tpu.memref_squeeze %dma_wait3A_305 : memref<1x256x32xf32, #tpu.memory_space<vmem>> -> memref<256x32xf32, #tpu.memory_space<vmem>>
          tpu.wait_dma2 semaphore(%dma_wait3A_299 : memref<!tpu.dma_semaphore, #tpu.memory_space<semaphore_mem>>) src(%dma_wait3A_306 : memref<256x32xf32, #tpu.memory_space<vmem>>) dst(%dma_wait3A_302 : memref<256x32xf32, #tpu.memory_space<vmem_shared>>)
        } else {
        }
        %add3A_273 = arith.constant 2 : i32
        %add3A_274 = arith.addi %add3A_228, %add3A_273 : i32
        %mul3A_275 = arith.constant 256 : i32
        %mul3A_276 = arith.muli %add3A_274, %mul3A_275 : i32
        %dma_start3A_277 = arith.constant 1 : i32
        %dma_start3A_278 = arith.constant 1 : i32
        %dma_start3A_279 = arith.constant 0 : i32
        %dma_start3A_280 = arith.constant 0 : i32
        %dma_start3A_281 = tpu.memref_slice %arg9[%dma_start3A_277, %dma_start3A_279, %dma_start3A_280] : memref<3x256x32xf32, #tpu.memory_space<vmem>> -> memref<1x256x32xf32, #tpu.memory_space<vmem>>
        %dma_start3A_282 = tpu.memref_squeeze %dma_start3A_281 : memref<1x256x32xf32, #tpu.memory_space<vmem>> -> memref<256x32xf32, #tpu.memory_space<vmem>>
        %dma_start3A_283 = tpu.memref_slice %arg7[%mul3A_276] : memref<10000xi32, #tpu.memory_space<vmem>> -> memref<256xi32, #tpu.memory_space<vmem>>
        %dma_start3A_284 = arith.constant 0 : i32
        %dma_start3A_285 = arith.constant 0 : i32
        %dma_start3A_286 = tpu.memref_slice %arg10[%dma_start3A_284, %dma_start3A_285] : memref<10000x32xf32, #tpu.memory_space<vmem_shared>> -> memref<10000x32xf32, #tpu.memory_space<vmem_shared>>
        %dma_start3A_287 = tpu.memref_slice %arg12[%dma_start3A_278] : memref<3x!tpu.dma_semaphore, #tpu.memory_space<semaphore_mem>> -> memref<1x!tpu.dma_semaphore, #tpu.memory_space<semaphore_mem>>
        %dma_start3A_288 = tpu.memref_squeeze %dma_start3A_287 : memref<1x!tpu.dma_semaphore, #tpu.memory_space<semaphore_mem>> -> memref<!tpu.dma_semaphore, #tpu.memory_space<semaphore_mem>>
        tpu.enqueue_indirect_dma source(%dma_start3A_286 : memref<10000x32xf32, #tpu.memory_space<vmem_shared>>) target(%dma_start3A_282 : memref<256x32xf32, #tpu.memory_space<vmem>>) offsets(%dma_start3A_283 : memref<256xi32, #tpu.memory_space<vmem>>) semaphore(%dma_start3A_288 : memref<!tpu.dma_semaphore, #tpu.memory_space<semaphore_mem>>)
      } else {
      }
      %scan3A_268 = arith.constant 0 : i32
      scf.yield %scan3A_268 : i32
    }
    %scan3A_53 = arith.constant 13 : i32
    %dma_wait3A_54 = arith.constant 0 : i32
    %dma_wait3A_55 = arith.constant 0 : i32
    %dma_wait3A_56 = arith.constant 0 : i32
    %dma_wait3A_57 = arith.constant 0 : i32
    %dma_wait3A_58 = tpu.memref_slice %arg9[%dma_wait3A_54, %dma_wait3A_56, %dma_wait3A_57] : memref<3x256x32xf32, #tpu.memory_space<vmem>> -> memref<1x256x32xf32, #tpu.memory_space<vmem>>
    %dma_wait3A_59 = tpu.memref_squeeze %dma_wait3A_58 : memref<1x256x32xf32, #tpu.memory_space<vmem>> -> memref<256x32xf32, #tpu.memory_space<vmem>>
    %dma_wait3A_60 = arith.constant 0 : i32
    %dma_wait3A_61 = arith.constant 0 : i32
    %dma_wait3A_62 = tpu.memref_slice %arg11[%dma_wait3A_60, %dma_wait3A_61] : memref<10112x32xf32, #tpu.memory_space<vmem_shared>> -> memref<256x32xf32, #tpu.memory_space<vmem_shared>>
    %dma_wait3A_63 = tpu.memref_slice %arg13[%dma_wait3A_55] : memref<3x!tpu.dma_semaphore, #tpu.memory_space<semaphore_mem>> -> memref<1x!tpu.dma_semaphore, #tpu.memory_space<semaphore_mem>>
    %dma_wait3A_64 = tpu.memref_squeeze %dma_wait3A_63 : memref<1x!tpu.dma_semaphore, #tpu.memory_space<semaphore_mem>> -> memref<!tpu.dma_semaphore, #tpu.memory_space<semaphore_mem>>
    %dma_wait3A_65 = arith.constant 0 : i32
    %dma_wait3A_66 = arith.constant 0 : i32
    %dma_wait3A_67 = tpu.memref_slice %arg11[%dma_wait3A_65, %dma_wait3A_66] : memref<10112x32xf32, #tpu.memory_space<vmem_shared>> -> memref<256x32xf32, #tpu.memory_space<vmem_shared>>
    %dma_wait3A_68 = arith.constant 0 : i32
    %dma_wait3A_69 = arith.constant 0 : i32
    %dma_wait3A_70 = tpu.memref_slice %arg9[%dma_wait3A_54, %dma_wait3A_68, %dma_wait3A_69] : memref<3x256x32xf32, #tpu.memory_space<vmem>> -> memref<1x256x32xf32, #tpu.memory_space<vmem>>
    %dma_wait3A_71 = tpu.memref_squeeze %dma_wait3A_70 : memref<1x256x32xf32, #tpu.memory_space<vmem>> -> memref<256x32xf32, #tpu.memory_space<vmem>>
    tpu.wait_dma2 semaphore(%dma_wait3A_64 : memref<!tpu.dma_semaphore, #tpu.memory_space<semaphore_mem>>) src(%dma_wait3A_71 : memref<256x32xf32, #tpu.memory_space<vmem>>) dst(%dma_wait3A_67 : memref<256x32xf32, #tpu.memory_space<vmem_shared>>)
    %dma_wait3A_72 = arith.constant 1 : i32
    %dma_wait3A_73 = arith.constant 1 : i32
    %dma_wait3A_74 = arith.constant 0 : i32
    %dma_wait3A_75 = arith.constant 0 : i32
    %dma_wait3A_76 = tpu.memref_slice %arg9[%dma_wait3A_72, %dma_wait3A_74, %dma_wait3A_75] : memref<3x256x32xf32, #tpu.memory_space<vmem>> -> memref<1x256x32xf32, #tpu.memory_space<vmem>>
    %dma_wait3A_77 = tpu.memref_squeeze %dma_wait3A_76 : memref<1x256x32xf32, #tpu.memory_space<vmem>> -> memref<256x32xf32, #tpu.memory_space<vmem>>
    %dma_wait3A_78 = arith.constant 0 : i32
    %dma_wait3A_79 = arith.constant 0 : i32
    %dma_wait3A_80 = tpu.memref_slice %arg11[%dma_wait3A_78, %dma_wait3A_79] : memref<10112x32xf32, #tpu.memory_space<vmem_shared>> -> memref<256x32xf32, #tpu.memory_space<vmem_shared>>
    %dma_wait3A_81 = tpu.memref_slice %arg13[%dma_wait3A_73] : memref<3x!tpu.dma_semaphore, #tpu.memory_space<semaphore_mem>> -> memref<1x!tpu.dma_semaphore, #tpu.memory_space<semaphore_mem>>
    %dma_wait3A_82 = tpu.memref_squeeze %dma_wait3A_81 : memref<1x!tpu.dma_semaphore, #tpu.memory_space<semaphore_mem>> -> memref<!tpu.dma_semaphore, #tpu.memory_space<semaphore_mem>>
    %dma_wait3A_83 = arith.constant 0 : i32
    %dma_wait3A_84 = arith.constant 0 : i32
    %dma_wait3A_85 = tpu.memref_slice %arg11[%dma_wait3A_83, %dma_wait3A_84] : memref<10112x32xf32, #tpu.memory_space<vmem_shared>> -> memref<256x32xf32, #tpu.memory_space<vmem_shared>>
    %dma_wait3A_86 = arith.constant 0 : i32
    %dma_wait3A_87 = arith.constant 0 : i32
    %dma_wait3A_88 = tpu.memref_slice %arg9[%dma_wait3A_72, %dma_wait3A_86, %dma_wait3A_87] : memref<3x256x32xf32, #tpu.memory_space<vmem>> -> memref<1x256x32xf32, #tpu.memory_space<vmem>>
    %dma_wait3A_89 = tpu.memref_squeeze %dma_wait3A_88 : memref<1x256x32xf32, #tpu.memory_space<vmem>> -> memref<256x32xf32, #tpu.memory_space<vmem>>
    tpu.wait_dma2 semaphore(%dma_wait3A_82 : memref<!tpu.dma_semaphore, #tpu.memory_space<semaphore_mem>>) src(%dma_wait3A_89 : memref<256x32xf32, #tpu.memory_space<vmem>>) dst(%dma_wait3A_85 : memref<256x32xf32, #tpu.memory_space<vmem_shared>>)
    %dma_wait3A_90 = arith.constant 2 : i32
    %dma_wait3A_91 = arith.constant 2 : i32
    %dma_wait3A_92 = arith.constant 0 : i32
    %dma_wait3A_93 = arith.constant 0 : i32
    %dma_wait3A_94 = tpu.memref_slice %arg9[%dma_wait3A_90, %dma_wait3A_92, %dma_wait3A_93] : memref<3x256x32xf32, #tpu.memory_space<vmem>> -> memref<1x256x32xf32, #tpu.memory_space<vmem>>
    %dma_wait3A_95 = tpu.memref_squeeze %dma_wait3A_94 : memref<1x256x32xf32, #tpu.memory_space<vmem>> -> memref<256x32xf32, #tpu.memory_space<vmem>>
    %dma_wait3A_96 = arith.constant 0 : i32
    %dma_wait3A_97 = arith.constant 0 : i32
    %dma_wait3A_98 = tpu.memref_slice %arg11[%dma_wait3A_96, %dma_wait3A_97] : memref<10112x32xf32, #tpu.memory_space<vmem_shared>> -> memref<256x32xf32, #tpu.memory_space<vmem_shared>>
    %dma_wait3A_99 = tpu.memref_slice %arg13[%dma_wait3A_91] : memref<3x!tpu.dma_semaphore, #tpu.memory_space<semaphore_mem>> -> memref<1x!tpu.dma_semaphore, #tpu.memory_space<semaphore_mem>>
    %dma_wait3A_100 = tpu.memref_squeeze %dma_wait3A_99 : memref<1x!tpu.dma_semaphore, #tpu.memory_space<semaphore_mem>> -> memref<!tpu.dma_semaphore, #tpu.memory_space<semaphore_mem>>
    %dma_wait3A_101 = arith.constant 0 : i32
    %dma_wait3A_102 = arith.constant 0 : i32
    %dma_wait3A_103 = tpu.memref_slice %arg11[%dma_wait3A_101, %dma_wait3A_102] : memref<10112x32xf32, #tpu.memory_space<vmem_shared>> -> memref<256x32xf32, #tpu.memory_space<vmem_shared>>
    %dma_wait3A_104 = arith.constant 0 : i32
    %dma_wait3A_105 = arith.constant 0 : i32
    %dma_wait3A_106 = tpu.memref_slice %arg9[%dma_wait3A_90, %dma_wait3A_104, %dma_wait3A_105] : memref<3x256x32xf32, #tpu.memory_space<vmem>> -> memref<1x256x32xf32, #tpu.memory_space<vmem>>
    %dma_wait3A_107 = tpu.memref_squeeze %dma_wait3A_106 : memref<1x256x32xf32, #tpu.memory_space<vmem>> -> memref<256x32xf32, #tpu.memory_space<vmem>>
    tpu.wait_dma2 semaphore(%dma_wait3A_100 : memref<!tpu.dma_semaphore, #tpu.memory_space<semaphore_mem>>) src(%dma_wait3A_107 : memref<256x32xf32, #tpu.memory_space<vmem>>) dst(%dma_wait3A_103 : memref<256x32xf32, #tpu.memory_space<vmem_shared>>)
    %dma_start3A_108 = arith.constant 0 : i32
    %dma_start3A_109 = arith.constant 0 : i32
    %dma_start3A_110 = arith.constant 0 : i32
    %dma_start3A_111 = arith.constant 0 : i32
    %dma_start3A_112 = tpu.memref_slice %arg9[%dma_start3A_108, %dma_start3A_110, %dma_start3A_111] : memref<3x256x32xf32, #tpu.memory_space<vmem>> -> memref<1x16x32xf32, #tpu.memory_space<vmem>>
    %dma_start3A_113 = tpu.memref_squeeze %dma_start3A_112 : memref<1x16x32xf32, #tpu.memory_space<vmem>> -> memref<16x32xf32, #tpu.memory_space<vmem>>
    %dma_start3A_114 = arith.constant 9984 : i32
    %dma_start3A_115 = tpu.memref_slice %arg7[%dma_start3A_114] : memref<10000xi32, #tpu.memory_space<vmem>> -> memref<16xi32, #tpu.memory_space<vmem>>
    %dma_start3A_116 = arith.constant 0 : i32
    %dma_start3A_117 = arith.constant 0 : i32
    %dma_start3A_118 = tpu.memref_slice %arg10[%dma_start3A_116, %dma_start3A_117] : memref<10000x32xf32, #tpu.memory_space<vmem_shared>> -> memref<10000x32xf32, #tpu.memory_space<vmem_shared>>
    %dma_start3A_119 = tpu.memref_slice %arg12[%dma_start3A_109] : memref<3x!tpu.dma_semaphore, #tpu.memory_space<semaphore_mem>> -> memref<1x!tpu.dma_semaphore, #tpu.memory_space<semaphore_mem>>
    %dma_start3A_120 = tpu.memref_squeeze %dma_start3A_119 : memref<1x!tpu.dma_semaphore, #tpu.memory_space<semaphore_mem>> -> memref<!tpu.dma_semaphore, #tpu.memory_space<semaphore_mem>>
    tpu.enqueue_indirect_dma source(%dma_start3A_118 : memref<10000x32xf32, #tpu.memory_space<vmem_shared>>) target(%dma_start3A_113 : memref<16x32xf32, #tpu.memory_space<vmem>>) offsets(%dma_start3A_115 : memref<16xi32, #tpu.memory_space<vmem>>) semaphore(%dma_start3A_120 : memref<!tpu.dma_semaphore, #tpu.memory_space<semaphore_mem>>)
    %dma_wait3A_121 = arith.constant 0 : i32
    %dma_wait3A_122 = arith.constant 0 : i32
    %dma_wait3A_123 = arith.constant 0 : i32
    %dma_wait3A_124 = arith.constant 0 : i32
    %dma_wait3A_125 = tpu.memref_slice %arg9[%dma_wait3A_121, %dma_wait3A_123, %dma_wait3A_124] : memref<3x256x32xf32, #tpu.memory_space<vmem>> -> memref<1x16x32xf32, #tpu.memory_space<vmem>>
    %dma_wait3A_126 = tpu.memref_squeeze %dma_wait3A_125 : memref<1x16x32xf32, #tpu.memory_space<vmem>> -> memref<16x32xf32, #tpu.memory_space<vmem>>
    %dma_wait3A_127 = arith.constant 9984 : i32
    %dma_wait3A_128 = tpu.memref_slice %arg7[%dma_wait3A_127] : memref<10000xi32, #tpu.memory_space<vmem>> -> memref<16xi32, #tpu.memory_space<vmem>>
    %dma_wait3A_129 = arith.constant 0 : i32
    %dma_wait3A_130 = arith.constant 0 : i32
    %dma_wait3A_131 = tpu.memref_slice %arg10[%dma_wait3A_129, %dma_wait3A_130] : memref<10000x32xf32, #tpu.memory_space<vmem_shared>> -> memref<10000x32xf32, #tpu.memory_space<vmem_shared>>
    %dma_wait3A_132 = tpu.memref_slice %arg12[%dma_wait3A_122] : memref<3x!tpu.dma_semaphore, #tpu.memory_space<semaphore_mem>> -> memref<1x!tpu.dma_semaphore, #tpu.memory_space<semaphore_mem>>
    %dma_wait3A_133 = tpu.memref_squeeze %dma_wait3A_132 : memref<1x!tpu.dma_semaphore, #tpu.memory_space<semaphore_mem>> -> memref<!tpu.dma_semaphore, #tpu.memory_space<semaphore_mem>>
    tpu.wait_indirect_dma semaphore(%dma_wait3A_133 : memref<!tpu.dma_semaphore, #tpu.memory_space<semaphore_mem>>) src(%dma_wait3A_131 : memref<10000x32xf32, #tpu.memory_space<vmem_shared>>) dst(%dma_wait3A_126 : memref<16x32xf32, #tpu.memory_space<vmem>>)
    %run_scoped3A_134 = arith.constant 0 : i32
    "tpu.region"() ({
      %run_scoped3A_140 = tpu.sem_alloc : memref<!tpu.dma_semaphore, #tpu.memory_space<semaphore_mem>>
      %dma_start3A_141 = arith.constant 0 : i32
      %dma_start3A_142 = arith.constant 0 : i32
      %dma_start3A_143 = tpu.memref_slice %arg9[%run_scoped3A_134, %dma_start3A_141, %dma_start3A_142] : memref<3x256x32xf32, #tpu.memory_space<vmem>> -> memref<1x16x32xf32, #tpu.memory_space<vmem>>
      %dma_start3A_144 = tpu.memref_squeeze %dma_start3A_143 : memref<1x16x32xf32, #tpu.memory_space<vmem>> -> memref<16x32xf32, #tpu.memory_space<vmem>>
      %dma_start3A_145 = arith.constant 9984 : i32
      %dma_start3A_146 = tpu.memref_slice %arg8[%dma_start3A_145] : memref<10000xi32, #tpu.memory_space<vmem>> -> memref<16xi32, #tpu.memory_space<vmem>>
      %dma_start3A_147 = arith.constant 0 : i32
      %dma_start3A_148 = arith.constant 0 : i32
      %dma_start3A_149 = tpu.memref_slice %arg11[%dma_start3A_147, %dma_start3A_148] : memref<10112x32xf32, #tpu.memory_space<vmem_shared>> -> memref<10112x32xf32, #tpu.memory_space<vmem_shared>>
      tpu.enqueue_indirect_dma source(%dma_start3A_144 : memref<16x32xf32, #tpu.memory_space<vmem>>) target(%dma_start3A_149 : memref<10112x32xf32, #tpu.memory_space<vmem_shared>>) offsets(%dma_start3A_146 : memref<16xi32, #tpu.memory_space<vmem>>) semaphore(%run_scoped3A_140 : memref<!tpu.dma_semaphore, #tpu.memory_space<semaphore_mem>>) {add = true}
      %dma_wait3A_150 = arith.constant 0 : i32
      %dma_wait3A_151 = arith.constant 0 : i32
      %dma_wait3A_152 = tpu.memref_slice %arg9[%run_scoped3A_134, %dma_wait3A_150, %dma_wait3A_151] : memref<3x256x32xf32, #tpu.memory_space<vmem>> -> memref<1x16x32xf32, #tpu.memory_space<vmem>>
      %dma_wait3A_153 = tpu.memref_squeeze %dma_wait3A_152 : memref<1x16x32xf32, #tpu.memory_space<vmem>> -> memref<16x32xf32, #tpu.memory_space<vmem>>
      %dma_wait3A_154 = arith.constant 9984 : i32
      %dma_wait3A_155 = tpu.memref_slice %arg8[%dma_wait3A_154] : memref<10000xi32, #tpu.memory_space<vmem>> -> memref<16xi32, #tpu.memory_space<vmem>>
      %dma_wait3A_156 = arith.constant 0 : i32
      %dma_wait3A_157 = arith.constant 0 : i32
      %dma_wait3A_158 = tpu.memref_slice %arg11[%dma_wait3A_156, %dma_wait3A_157] : memref<10112x32xf32, #tpu.memory_space<vmem_shared>> -> memref<10112x32xf32, #tpu.memory_space<vmem_shared>>
      tpu.wait_indirect_dma semaphore(%run_scoped3A_140 : memref<!tpu.dma_semaphore, #tpu.memory_space<semaphore_mem>>) src(%dma_wait3A_153 : memref<16x32xf32, #tpu.memory_space<vmem>>) dst(%dma_wait3A_158 : memref<10112x32xf32, #tpu.memory_space<vmem_shared>>)
      tpu.yield
    }) : () -> ()
    %barrier3A_135 = arith.constant 0 : index
    tpu.barrier barrier_id(%barrier3A_135)
    %mul3A_136 = arith.constant 632 : i32
    %mul3A_137 = arith.muli %arg1, %mul3A_136 : i32
    %mul3A_138 = arith.constant 632 : i32
    %mul3A_139 = arith.muli %arg1, %mul3A_138 : i32
    "tpu.region"() ({
      %run_scoped3A_140 = tpu.sem_alloc : memref<!tpu.dma_semaphore, #tpu.memory_space<semaphore_mem>>
      %dma_start3A_141 = arith.constant 0 : i32
      %dma_start3A_142 = tpu.memref_slice %arg6[%arg0, %mul3A_139, %dma_start3A_141] : memref<2x10112x32xf32, #tpu.memory_space<hbm>> -> memref<1x632x32xf32, #tpu.memory_space<hbm>>
      %dma_start3A_143 = tpu.memref_squeeze %dma_start3A_142 : memref<1x632x32xf32, #tpu.memory_space<hbm>> -> memref<632x32xf32, #tpu.memory_space<hbm>>
      %dma_start3A_144 = arith.constant 0 : i32
      %dma_start3A_145 = tpu.memref_slice %arg11[%mul3A_137, %dma_start3A_144] : memref<10112x32xf32, #tpu.memory_space<vmem_shared>> -> memref<632x32xf32, #tpu.memory_space<vmem_shared>>
      tpu.enqueue_dma source(%dma_start3A_145 : memref<632x32xf32, #tpu.memory_space<vmem_shared>>) target(%dma_start3A_143 : memref<632x32xf32, #tpu.memory_space<hbm>>) target_semaphore(%run_scoped3A_140 : memref<!tpu.dma_semaphore, #tpu.memory_space<semaphore_mem>>)
      %dma_wait3A_146 = arith.constant 0 : i32
      %dma_wait3A_147 = tpu.memref_slice %arg6[%arg0, %mul3A_139, %dma_wait3A_146] : memref<2x10112x32xf32, #tpu.memory_space<hbm>> -> memref<1x632x32xf32, #tpu.memory_space<hbm>>
      %dma_wait3A_148 = tpu.memref_squeeze %dma_wait3A_147 : memref<1x632x32xf32, #tpu.memory_space<hbm>> -> memref<632x32xf32, #tpu.memory_space<hbm>>
      %dma_wait3A_149 = arith.constant 0 : i32
      %dma_wait3A_150 = tpu.memref_slice %arg11[%mul3A_137, %dma_wait3A_149] : memref<10112x32xf32, #tpu.memory_space<vmem_shared>> -> memref<632x32xf32, #tpu.memory_space<vmem_shared>>
      tpu.wait_dma2 semaphore(%run_scoped3A_140 : memref<!tpu.dma_semaphore, #tpu.memory_space<semaphore_mem>>) src(%dma_wait3A_150 : memref<632x32xf32, #tpu.memory_space<vmem_shared>>) dst(%dma_wait3A_148 : memref<632x32xf32, #tpu.memory_space<hbm>>)
      tpu.yield
    }) : () -> ()
    return
  }
}

module attributes {stable_mosaic.version = 14 : i64} {
  func.func @_tc1_body(%arg0: memref<10000x128xf32, #tpu.memory_space<vmem>>, %arg1: memref<128x64xf32, #tpu.memory_space<vmem>>, %arg2: memref<128x64xf32, #tpu.memory_space<vmem>>, %arg3: memref<64xf32, #tpu.memory_space<vmem>>, %arg4: memref<10000x64xf32, #tpu.memory_space<vmem>>, %arg5: memref<10000x64xf32, #tpu.memory_space<vmem>>) attributes {dimension_semantics = [], scalar_prefetch = 0 : i64, scratch_operands = 0 : i64, tpu.core_type = #tpu.core_type<tc>} {
    %get3A = arith.constant 0 : index
    %get3A_0 = arith.constant 0 : index
    %get3A_1 = vector.load %arg0[%get3A, %get3A_0] : memref<10000x128xf32, #tpu.memory_space<vmem>>, vector<10000x128xf32>
    %get3A_2 = arith.constant 0 : index
    %get3A_3 = arith.constant 0 : index
    %get3A_4 = vector.load %arg1[%get3A_2, %get3A_3] : memref<128x64xf32, #tpu.memory_space<vmem>>, vector<128x64xf32>
    %dot_general3A = arith.constant dense<0.000000e+00> : vector<10000x64xf32>
    %dot_general3A_5 = tpu.matmul %get3A_1, %get3A_4, %dot_general3A {dimension_numbers = #tpu.dot_dimension_numbers<[1], [0], [0], [1], [0, 0, 1, 1], [], []>, transpose_lhs_hint = false} : vector<10000x128xf32>, vector<128x64xf32>, vector<10000x64xf32> -> vector<10000x64xf32>
    %swap3A = arith.constant 0 : index
    %swap3A_6 = arith.constant 0 : index
    %swap3A_7 = vector.load %arg4[%swap3A, %swap3A_6] : memref<10000x64xf32, #tpu.memory_space<vmem>>, vector<10000x64xf32>
    tpu.vector_store %arg4[%swap3A, %swap3A_6], %dot_general3A_5 {strides = array<i32>} : memref<10000x64xf32, #tpu.memory_space<vmem>>, vector<10000x64xf32>,
    %get3A_8 = arith.constant 0 : index
    %get3A_9 = arith.constant 0 : index
    %get3A_10 = vector.load %arg2[%get3A_8, %get3A_9] : memref<128x64xf32, #tpu.memory_space<vmem>>, vector<128x64xf32>
    %dot_general3A_11 = arith.constant dense<0.000000e+00> : vector<10000x64xf32>
    %dot_general3A_12 = tpu.matmul %get3A_1, %get3A_10, %dot_general3A_11 {dimension_numbers = #tpu.dot_dimension_numbers<[1], [0], [0], [1], [0, 0, 1, 1], [], []>, transpose_lhs_hint = false} : vector<10000x128xf32>, vector<128x64xf32>, vector<10000x64xf32> -> vector<10000x64xf32>
    %get3A_13 = arith.constant 0 : index
    %get3A_14 = vector.load %arg3[%get3A_13] : memref<64xf32, #tpu.memory_space<vmem>>, vector<64xf32>
    %broadcast_in_dim3A = vector.shape_cast %get3A_14 : vector<64xf32> to vector<1x64xf32>
    %add3A = vector.broadcast %broadcast_in_dim3A : vector<1x64xf32> to vector<10000x64xf32>
    %add3A_15 = arith.addf %dot_general3A_12, %add3A : vector<10000x64xf32>
    %swap3A_16 = arith.constant 0 : index
    %swap3A_17 = arith.constant 0 : index
    %swap3A_18 = vector.load %arg5[%swap3A_16, %swap3A_17] : memref<10000x64xf32, #tpu.memory_space<vmem>>, vector<10000x64xf32>
    tpu.vector_store %arg5[%swap3A_16, %swap3A_17], %add3A_15 {strides = array<i32>} : memref<10000x64xf32, #tpu.memory_space<vmem>>, vector<10000x64xf32>,
    return
  }
}

module attributes {stable_mosaic.version = 14 : i64} {
  func.func @_tc2_body(%arg0: memref<2x10112x64xf32, #tpu.memory_space<vmem>>, %arg1: memref<2x10112xf32, #tpu.memory_space<vmem>>, %arg2: memref<10000x64xf32, #tpu.memory_space<vmem>>, %arg3: memref<64x32xf32, #tpu.memory_space<vmem>>, %arg4: memref<64x32xf32, #tpu.memory_space<vmem>>, %arg5: memref<32xf32, #tpu.memory_space<vmem>>, %arg6: memref<10000x32xf32, #tpu.memory_space<vmem>>, %arg7: memref<10000x32xf32, #tpu.memory_space<vmem>>, %arg8: memref<10112x1xf32, #tpu.memory_space<vmem>>) attributes {dimension_semantics = [], scalar_prefetch = 0 : i64, scratch_operands = 0 : i64, tpu.core_type = #tpu.core_type<tc>} {
    %get3A = arith.constant 0 : index
    %get3A_0 = arith.constant 0 : index
    %get3A_1 = vector.load %arg1[%get3A, %get3A_0] : memref<2x10112xf32, #tpu.memory_space<vmem>>, vector<1x10112xf32>
    %get3A_2 = vector.shape_cast %get3A_1 : vector<1x10112xf32> to vector<10112xf32>
    %get3A_3 = arith.constant 1 : index
    %get3A_4 = arith.constant 0 : index
    %get3A_5 = vector.load %arg1[%get3A_3, %get3A_4] : memref<2x10112xf32, #tpu.memory_space<vmem>>, vector<1x10112xf32>
    %get3A_6 = vector.shape_cast %get3A_5 : vector<1x10112xf32> to vector<10112xf32>
    %add3A = arith.addf %get3A_2, %get3A_6 : vector<10112xf32>
    %jit3A = arith.constant 1.000000e+00 : f32
    %max3A = vector.broadcast %jit3A : f32 to vector<10112xf32>
    %max3A_7 = arith.maximumf %max3A, %add3A : vector<10112xf32>
    %div3A = arith.constant 1.000000e+00 : f32
    %div3A_8 = vector.broadcast %div3A : f32 to vector<10112xf32>
    %div3A_9 = arith.divf %div3A_8, %max3A_7 : vector<10112xf32>
    %broadcast_in_dim3A = vector.shape_cast %div3A_9 : vector<10112xf32> to vector<10112x1xf32>
    %swap3A = arith.constant 0 : index
    %swap3A_10 = arith.constant 0 : index
    %swap3A_11 = vector.load %arg8[%swap3A, %swap3A_10] : memref<10112x1xf32, #tpu.memory_space<vmem>>, vector<10112x1xf32>
    tpu.vector_store %arg8[%swap3A, %swap3A_10], %broadcast_in_dim3A {strides = array<i32>} : memref<10112x1xf32, #tpu.memory_space<vmem>>, vector<10112x1xf32>,
    %get3A_12 = arith.constant 0 : index
    %get3A_13 = arith.constant 0 : index
    %get3A_14 = arith.constant 0 : index
    %get3A_15 = vector.load %arg0[%get3A_12, %get3A_13, %get3A_14] : memref<2x10112x64xf32, #tpu.memory_space<vmem>>, vector<1x10000x64xf32>
    %get3A_16 = vector.shape_cast %get3A_15 : vector<1x10000x64xf32> to vector<10000x64xf32>
    %get3A_17 = arith.constant 1 : index
    %get3A_18 = arith.constant 0 : index
    %get3A_19 = arith.constant 0 : index
    %get3A_20 = vector.load %arg0[%get3A_17, %get3A_18, %get3A_19] : memref<2x10112x64xf32, #tpu.memory_space<vmem>>, vector<1x10000x64xf32>
    %get3A_21 = vector.shape_cast %get3A_20 : vector<1x10000x64xf32> to vector<10000x64xf32>
    %add3A_22 = arith.addf %get3A_16, %get3A_21 : vector<10000x64xf32>
    %slice3A = vector.extract_strided_slice %div3A_9 {offsets = [0], sizes = [10000], strides = [1]} : vector<10112xf32> to vector<10000xf32>
    %broadcast_in_dim3A_23 = vector.shape_cast %slice3A : vector<10000xf32> to vector<10000x1xf32>
    %mul3A = vector.broadcast %broadcast_in_dim3A_23 : vector<10000x1xf32> to vector<10000x64xf32>
    %mul3A_24 = arith.mulf %add3A_22, %mul3A : vector<10000x64xf32>
    %get3A_25 = arith.constant 0 : index
    %get3A_26 = arith.constant 0 : index
    %get3A_27 = vector.load %arg2[%get3A_25, %get3A_26] : memref<10000x64xf32, #tpu.memory_space<vmem>>, vector<10000x64xf32>
    %add3A_28 = arith.addf %mul3A_24, %get3A_27 : vector<10000x64xf32>
    %max3A_29 = arith.constant 0.000000e+00 : f32
    %max3A_30 = vector.broadcast %max3A_29 : f32 to vector<10000x64xf32>
    %max3A_31 = arith.maximumf %add3A_28, %max3A_30 : vector<10000x64xf32>
    %get3A_32 = arith.constant 0 : index
    %get3A_33 = arith.constant 0 : index
    %get3A_34 = vector.load %arg3[%get3A_32, %get3A_33] : memref<64x32xf32, #tpu.memory_space<vmem>>, vector<64x32xf32>
    %dot_general3A = arith.constant dense<0.000000e+00> : vector<10000x32xf32>
    %dot_general3A_35 = tpu.matmul %max3A_31, %get3A_34, %dot_general3A {dimension_numbers = #tpu.dot_dimension_numbers<[1], [0], [0], [1], [0, 0, 1, 1], [], []>, transpose_lhs_hint = false} : vector<10000x64xf32>, vector<64x32xf32>, vector<10000x32xf32> -> vector<10000x32xf32>
    %swap3A_36 = arith.constant 0 : index
    %swap3A_37 = arith.constant 0 : index
    %swap3A_38 = vector.load %arg6[%swap3A_36, %swap3A_37] : memref<10000x32xf32, #tpu.memory_space<vmem>>, vector<10000x32xf32>
    tpu.vector_store %arg6[%swap3A_36, %swap3A_37], %dot_general3A_35 {strides = array<i32>} : memref<10000x32xf32, #tpu.memory_space<vmem>>, vector<10000x32xf32>,
    %get3A_39 = arith.constant 0 : index
    %get3A_40 = arith.constant 0 : index
    %get3A_41 = vector.load %arg4[%get3A_39, %get3A_40] : memref<64x32xf32, #tpu.memory_space<vmem>>, vector<64x32xf32>
    %dot_general3A_42 = arith.constant dense<0.000000e+00> : vector<10000x32xf32>
    %dot_general3A_43 = tpu.matmul %max3A_31, %get3A_41, %dot_general3A_42 {dimension_numbers = #tpu.dot_dimension_numbers<[1], [0], [0], [1], [0, 0, 1, 1], [], []>, transpose_lhs_hint = false} : vector<10000x64xf32>, vector<64x32xf32>, vector<10000x32xf32> -> vector<10000x32xf32>
    %get3A_44 = arith.constant 0 : index
    %get3A_45 = vector.load %arg5[%get3A_44] : memref<32xf32, #tpu.memory_space<vmem>>, vector<32xf32>
    %broadcast_in_dim3A_46 = vector.shape_cast %get3A_45 : vector<32xf32> to vector<1x32xf32>
    %add3A_47 = vector.broadcast %broadcast_in_dim3A_46 : vector<1x32xf32> to vector<10000x32xf32>
    %add3A_48 = arith.addf %dot_general3A_43, %add3A_47 : vector<10000x32xf32>
    %swap3A_49 = arith.constant 0 : index
    %swap3A_50 = arith.constant 0 : index
    %swap3A_51 = vector.load %arg7[%swap3A_49, %swap3A_50] : memref<10000x32xf32, #tpu.memory_space<vmem>>, vector<10000x32xf32>
    tpu.vector_store %arg7[%swap3A_49, %swap3A_50], %add3A_48 {strides = array<i32>} : memref<10000x32xf32, #tpu.memory_space<vmem>>, vector<10000x32xf32>,
    return
  }
}

module attributes {stable_mosaic.version = 14 : i64} {
  func.func @_tc3_body(%arg0: memref<2x10112x32xf32, #tpu.memory_space<vmem>>, %arg1: memref<10112x1xf32, #tpu.memory_space<vmem>>, %arg2: memref<10000x32xf32, #tpu.memory_space<vmem>>, %arg3: memref<32x1xf32, #tpu.memory_space<vmem>>, %arg4: memref<1xf32, #tpu.memory_space<vmem>>, %arg5: memref<10000x1xf32, #tpu.memory_space<vmem>>, %arg6: memref<10000x32xf32, #tpu.memory_space<vmem>>) attributes {dimension_semantics = [], scalar_prefetch = 0 : i64, scratch_operands = 0 : i64, tpu.core_type = #tpu.core_type<tc>} {
    %get3A = arith.constant 0 : index
    %get3A_0 = arith.constant 0 : index
    %get3A_1 = arith.constant 0 : index
    %get3A_2 = vector.load %arg0[%get3A, %get3A_0, %get3A_1] : memref<2x10112x32xf32, #tpu.memory_space<vmem>>, vector<1x10000x32xf32>
    %get3A_3 = vector.shape_cast %get3A_2 : vector<1x10000x32xf32> to vector<10000x32xf32>
    %get3A_4 = arith.constant 1 : index
    %get3A_5 = arith.constant 0 : index
    %get3A_6 = arith.constant 0 : index
    %get3A_7 = vector.load %arg0[%get3A_4, %get3A_5, %get3A_6] : memref<2x10112x32xf32, #tpu.memory_space<vmem>>, vector<1x10000x32xf32>
    %get3A_8 = vector.shape_cast %get3A_7 : vector<1x10000x32xf32> to vector<10000x32xf32>
    %add3A = arith.addf %get3A_3, %get3A_8 : vector<10000x32xf32>
    %get3A_9 = arith.constant 0 : index
    %get3A_10 = arith.constant 0 : index
    %get3A_11 = vector.load %arg1[%get3A_9, %get3A_10] : memref<10112x1xf32, #tpu.memory_space<vmem>>, vector<10000x1xf32>
    %mul3A = vector.broadcast %get3A_11 : vector<10000x1xf32> to vector<10000x32xf32>
    %mul3A_12 = arith.mulf %add3A, %mul3A : vector<10000x32xf32>
    %get3A_13 = arith.constant 0 : index
    %get3A_14 = arith.constant 0 : index
    %get3A_15 = vector.load %arg2[%get3A_13, %get3A_14] : memref<10000x32xf32, #tpu.memory_space<vmem>>, vector<10000x32xf32>
    %add3A_16 = arith.addf %mul3A_12, %get3A_15 : vector<10000x32xf32>
    %max3A = arith.constant 0.000000e+00 : f32
    %max3A_17 = vector.broadcast %max3A : f32 to vector<10000x32xf32>
    %max3A_18 = arith.maximumf %add3A_16, %max3A_17 : vector<10000x32xf32>
    %swap3A = arith.constant 0 : index
    %swap3A_19 = arith.constant 0 : index
    %swap3A_20 = vector.load %arg6[%swap3A, %swap3A_19] : memref<10000x32xf32, #tpu.memory_space<vmem>>, vector<10000x32xf32>
    tpu.vector_store %arg6[%swap3A, %swap3A_19], %max3A_18 {strides = array<i32>} : memref<10000x32xf32, #tpu.memory_space<vmem>>, vector<10000x32xf32>,
    %get3A_21 = arith.constant 0 : index
    %get3A_22 = arith.constant 0 : index
    %get3A_23 = vector.load %arg3[%get3A_21, %get3A_22] : memref<32x1xf32, #tpu.memory_space<vmem>>, vector<32x1xf32>
    %dot_general3A = arith.constant dense<0.000000e+00> : vector<10000x1xf32>
    %dot_general3A_24 = tpu.matmul %max3A_18, %get3A_23, %dot_general3A {dimension_numbers = #tpu.dot_dimension_numbers<[1], [0], [0], [1], [0, 0, 1, 1], [], []>, transpose_lhs_hint = false} : vector<10000x32xf32>, vector<32x1xf32>, vector<10000x1xf32> -> vector<10000x1xf32>
    %get3A_25 = arith.constant 0 : index
    %get3A_26 = vector.load %arg4[%get3A_25] : memref<1xf32, #tpu.memory_space<vmem>>, vector<1xf32>
    %broadcast_in_dim3A = vector.shape_cast %get3A_26 : vector<1xf32> to vector<1x1xf32>
    %add3A_27 = vector.broadcast %broadcast_in_dim3A : vector<1x1xf32> to vector<10000x1xf32>
    %add3A_28 = arith.addf %dot_general3A_24, %add3A_27 : vector<10000x1xf32>
    %swap3A_29 = arith.constant 0 : index
    %swap3A_30 = arith.constant 0 : index
    %swap3A_31 = vector.load %arg5[%swap3A_29, %swap3A_30] : memref<10000x1xf32, #tpu.memory_space<vmem>>, vector<10000x1xf32>
    tpu.vector_store %arg5[%swap3A_29, %swap3A_30], %add3A_28 {strides = array<i32>} : memref<10000x1xf32, #tpu.memory_space<vmem>>, vector<10000x1xf32>,
    return
  }
}

</mosaic_0001>

<sc_bundles>
// kernel: kernel.10.cloned.1.call-start
scs
__scs_entry_jumppad:
0x0: {  	(pc) =	sbr.rel $0x88, $3  }
0x1: {  	(tag) =	ssettag $0x0;
	lr =	simm.s32 $0x1  }
0x2: {  	[smem:$0x3F97] =	sst lr;
	_ =	strace $0xD0000000  }
0x3: {  	_ = 	snop  }
0x4: {  	_ = 	snop  }
0x5: {  	_ = 	snop  }
0x6: {  	_ = 	snop  }
0x7: {  	_ = 	snop  }
__scs_overlays_trampoline_lowered:
0x8: {  	[smem:$0x3FA6] =	sst s0  }
0x9: {  	[smem:$0x3FA7] =	sst s1  }
0xa: {  	[smem:$0x3FA8] =	sst s2  }
0xb: {  	[smem:$0x3FA9] =	sst s3  }
0xc: {  	[smem:$0x3FAA] =	sst s4  }
0xd: {  	[smem:$0x3FAB] =	sst s5  }
0xe: {  	[smem:$0x3FAC] =	sst s6  }
0xf: {  	[smem:$0x3FAD] =	sst s7  }
0x10: {  	[smem:$0x3FAE] =	sst s8  }
0x11: {  	[smem:$0x3FAF] =	sst s9;
	s0 =	simm.s32 @!p0 $0x0  }
0x12: {  	s1 =	sld [smem:$0x3F95];
	s0 =	simm.s32 @p0 $0x1  }
0x13: {  	[smem:$0x3FB0] =	sst s0;
	s0 =	simm.s32 @!p1 $0x0  }
0x14: {  	s2 =	sld [smem:$0x3F94];
	s0 =	simm.s32 @p1 $0x1  }
0x15: {  	[smem:$0x3FB1] =	sst s0;
	s0 =	simm.s32 @!p2 $0x0  }
0x16: {  	s3 =	sld [smem:$0x3FDB];
	s0 =	simm.s32 @p2 $0x1  }
0x17: {  	s4 =	simm.s32 $0x1BF5;
	[smem:$0x3FB3] =	sst s0  }
0x18: {  	s0 =	sld [smem:$0x3F96];
	_ =	swait.ge [sflag:s4], $0x0  }
0x19: {  	s7 =	sld [smem:$0x3F97]  }
0x1a: {  	s8 =	sadd.s32 $0xFFFFE003, lr  }
0x1b: {  	s9 =	sadd.s32 $0xFFFFFEF7, lr;
	s5 =	simm.s32 $0xFFFFFFFF;
	p2 =	slt.u32 s8, $0xFFFFF086  }
0x1c: {  	p1 =	slt.u32 s9, $0xF7A;
	s5 =	simm.s32 @!p2 $0x0  }
0x1d: {  	s5 =	simm.s32 @p1 $0x1;
	p0 =	seq.s32 s7, s2  }
0x1e: {  	s7 =	smul.u32 @!p0 $0xF7A, s2;
	p2 =	seq.s32 @!p0 s5, $0x0  }
0x1f: {  	s9 =	smul.u32 $0xF7A, s1;
	s8 =	simm.s32 @!p0 $0x1BF5;
	p2 =	por !p2, p0  }
0x20: {  	[sflag:s8] =	ssyncset.s32 @!p0 $0xFFFFF086;
	s6 =	sadd.s32 @!p0 s3, s7;
	s7 =	simm.s32 @!p0 $0x108  }
0x21: {  	s3 =	sadd.s32 s3, s9;
	s6 =	sadd.s32 @!p0 $0x88, s6;
	s7 =	simm.s32 @p2 $0x1082  }
0x22: {  	[simem:s7], [sflag:s8] =	dma.local @!p0 [hbm:s6], $0xF7A  }
0x23: {  	s9 =	sor.u32 $0xD0000000, s2;
	s6 =	simm.s32 $0x108;
	_ =	swait.ge @!p0 [sflag:s8], $0x0  }
0x24: {  	s3 =	sadd.s32 $0x88, s3;
	s6 =	simm.s32 @!p1 $0x1082;
	[sflag:s4] =	ssyncset.s32 $0xFFFFF086  }
0x25: {  	[simem:s6], [sflag:s4] =	dma.local [hbm:s3], $0xF7A  }
0x26: {  	[smem:$0x3F97] =	sst s1;
	(tag) =	ssettag s2;
	_ =	strace s9  }
0x27: {  	s1 =	sld [smem:$0x3FA7]  }
0x28: {  	s2 =	sld [smem:$0x3FA8]  }
0x29: {  	s4 =	sld [smem:$0x3FAA]  }
0x2a: {  	p0 =	seq.s32 s5, $0x0;
	s5 =	sld [smem:$0x3FAB]  }
0x2b: {  	s6 =	sld [smem:$0x3FAC]  }
0x2c: {  	s7 =	sld [smem:$0x3FAD]  }
0x2d: {  	s3 =	simm.s32 $0x108;
	s8 =	sld [smem:$0x3FAE]  }
0x2e: {  	s3 =	simm.s32 @!p0 $0x1082;
	s9 =	sld [smem:$0x3FAF]  }
0x2f: {  	lr =	sadd.s32 s0, s3;
	s0 =	sld [smem:$0x3FA6]  }
0x30: {  	s3 =	sld [smem:$0x3FA9]  }
0x31: {  	[smem:$0x3FB2] =	sst s10  }
0x32: {  	s10 =	sld [smem:$0x3FB0];
	_ =	sdelay $0x3  }
0x33: {  	p0 =	seq.s32 s10, $0x1;
	s10 =	sld [smem:$0x3FB2];
	_ =	sdelay $0x3  }
0x34: {  	[smem:$0x3FB2] =	sst s10  }
0x35: {  	s10 =	sld [smem:$0x3FB1];
	_ =	sdelay $0x3  }
0x36: {  	p1 =	seq.s32 s10, $0x1;
	s10 =	sld [smem:$0x3FB2];
	_ =	sdelay $0x3  }
0x37: {  	[smem:$0x3FB2] =	sst s10  }
0x38: {  	s10 =	sld [smem:$0x3FB3]  }
0x39: {  	_ = 	snop;
	(pc) =	sbr.ind lr, $3  }
0x3a: {  	_ = 	snop  }
0x3b: {  	_ = 	snop  }
0x3c: {  	p2 =	seq.s32 s10, $0x1;
	s10 =	sld [smem:$0x3FB2]  }
0x3d: {  	_ =	shalt  }
0x3e: {  	_ =	shalt  }
0x3f: {  	_ =	shalt  }
0x40: {  	_ =	shalt  }
0x41: {  	_ =	shalt  }
0x42: {  	_ =	shalt  }
0x43: {  	_ =	shalt  }
0x44: {  	_ =	shalt  }
0x45: {  	_ =	shalt  }
0x46: {  	_ =	shalt  }
0x47: {  	_ =	shalt  }
0x48: {  	_ =	shalt  }
0x49: {  	_ =	shalt  }
0x4a: {  	_ =	shalt  }
0x4b: {  	_ =	shalt  }
0x4c: {  	_ =	shalt  }
0x4d: {  	_ =	shalt  }
0x4e: {  	_ =	shalt  }
0x4f: {  	_ =	shalt  }
0x50: {  	_ =	shalt  }
0x51: {  	_ =	shalt  }
0x52: {  	_ =	shalt  }
0x53: {  	_ =	shalt  }
0x54: {  	_ =	shalt  }
0x55: {  	_ =	shalt  }
0x56: {  	_ =	shalt  }
0x57: {  	_ =	shalt  }
0x58: {  	_ =	shalt  }
0x59: {  	_ =	shalt  }
0x5a: {  	_ =	shalt  }
0x5b: {  	_ =	shalt  }
0x5c: {  	_ =	shalt  }
0x5d: {  	_ =	shalt  }
0x5e: {  	_ =	shalt  }
0x5f: {  	_ =	shalt  }
0x60: {  	_ =	shalt  }
0x61: {  	_ =	shalt  }
0x62: {  	_ =	shalt  }
0x63: {  	_ =	shalt  }
0x64: {  	_ =	shalt  }
0x65: {  	_ =	shalt  }
0x66: {  	_ =	shalt  }
0x67: {  	_ =	shalt  }
0x68: {  	_ =	shalt  }
0x69: {  	_ =	shalt  }
0x6a: {  	_ =	shalt  }
0x6b: {  	_ =	shalt  }
0x6c: {  	_ =	shalt  }
0x6d: {  	_ =	shalt  }
0x6e: {  	_ =	shalt  }
0x6f: {  	_ =	shalt  }
0x70: {  	_ =	shalt  }
0x71: {  	_ =	shalt  }
0x72: {  	_ =	shalt  }
0x73: {  	_ =	shalt  }
0x74: {  	_ =	shalt  }
0x75: {  	_ =	shalt  }
0x76: {  	_ =	shalt  }
0x77: {  	_ =	shalt  }
0x78: {  	_ =	shalt  }
0x79: {  	_ =	shalt  }
0x7a: {  	_ =	shalt  }
0x7b: {  	_ =	shalt  }
0x7c: {  	_ =	shalt  }
0x7d: {  	_ =	shalt  }
0x7e: {  	_ =	shalt  }
0x7f: {  	_ =	shalt  }
0x80: {  	_ =	shalt  }
0x81: {  	_ =	shalt  }
0x82: {  	_ =	shalt  }
0x83: {  	_ =	shalt  }
0x84: {  	_ =	shalt  }
0x85: {  	_ =	shalt  }
0x86: {  	_ =	shalt  }
0x87: {  	_ =	shalt  }
.Lfunc_end0:
.L_simem_size_0:
called_computation.1_lowered:
.L_overlay_start_0:
0x88: {  	s2 =	sld [smem:$0x3FD9]  }
0x89: {  	s3 =	sld [smem:$0x3FFE];
	_ =	sdelay $0x1  }
0x8a: {  	s1 =	srdreg.scid  }
0x8b: {  	s0 =	sand.u32 $0x1, s1  }
0x8c: {  	s14 =	sshll.u32 s0, $0xA;
	s2 =	sadd.s32 s3, s2  }
0x8d: {  	s2 =	sadd.s32 s2, s14  }
0x8e: {  	[smem:$0x3FBE] =	sst s2  }
0x8f: {  	_ = 	snop  }
0x90: {  	s2 =	sld [smem:$0x3FD0];
	_ =	sdelay $0x2  }
0x91: {  	s15 =	simm.s32 $0xA;
	s4 =	simm.s32 $0x10  }
0x92: {  	[smem:s4], [sflag:s15] =	dma.local [hbm:s2], $0x1  }
0x93: {  	_ =	swait.eq [sflag:s15], $0x1  }
0x94: {  	[sflag:s15] =	ssyncset.done $0x0  }
0x95: {  	[sflag:s15] =	ssyncadd.s32 $0xFFFFFFFF  }
0x96: {  	s16 =	sld [smem:$0x11];
	(tm) =	ssettm $0x1  }
0x97: {  	s17 =	sld [smem:$0x3FFB];
	_ =	sdelay $0x3  }
0x98: {  	_ =	strace s17  }
0x99: {  	s3 =	sld [smem:$0x3FFC];
	_ =	sdelay $0x3  }
0x9a: {  	_ =	strace s3  }
0x9b: {  	s3 =	sld [smem:$0x3FFD];
	_ =	sdelay $0x3  }
0x9c: {  	_ =	strace s3  }
0x9d: {  	_ =	strace $0x8FFFFFFF  }
0x9e: {  	s18 =	sld [smem:$0x3FDB];
	_ =	sdelay $0x1  }
0x9f: {  	s19 =	simm.s32 $_scs_section_size  }
0xa0: {  	s5 =	simm.s32 $_size__tile_overlayer_lowered;
	s6 =	simm.s32 $_tile_overlayer_lowered  }
0xa1: {  	s22 =	simm.s32 $0x1BFF;
	s21 =	sshll.u32 s6, $0x1;
	s3 =	sadd.s32 s19, s18  }
0xa2: {  	s7 =	simm.s32 $0x0;
	s20 =	sshll.u32 s5, $0x1;
	s5 =	sadd.s32 s21, s3  }
0xa3: {  	[timem:s7], [sflag:s22] =	dma.local [hbm:s5], s20  }
0xa4: {  	_ =	swait.ge [sflag:s22], s20  }
0xa5: {  	s4 =	ssub.s32 $0x0, s20;
	[sflag:s22] =	ssyncset.done $0x0  }
0xa6: {  	[sflag:s22] =	ssyncadd.s32 s4;
	_ =	sdelay $0x1  }
0xa7: {  	s23 =	simm.s32 $0x1B8B  }
0xa8: {  	_ =	swait.ge [sflag:s23], $0x1  }
0xa9: {  	[sflag:s23] =	ssyncset.done $0x0  }
0xaa: {  	s25 =	simm.s32 $0x1B8E;
	s24 =	sld [smem:$0x3FFE];
	[sflag:s23] =	ssyncadd.s32 $0xFFFFFFFF  }
0xab: {  	s26 =	simm.s32 $execute0_lowered;
	[smem:$0x3FD2] =	sst s25  }
0xac: {  	s5 =	sshll.u32 s26, $0x1;
	_ =	strace $0x80000049;
	[dreg:$0x1] =	wrdreg $0xFFFFFFFF  }
0xad: {  	s28 =	simm.s32 $_size_execute0_lowered;
	s3 =	sadd.s32 s3, s5;
	[dreg:$0x0] =	wrdreg $0x0  }
0xae: {  	s5 =	sshll.u32 s28, $0x1;
	[dreg:$0x2] =	wrdreg s3  }
0xaf: {  	[dreg:$0x3] =	wrdreg s5  }
0xb0: {  	[dreg:$0x4] =	wrdreg $0xC0  }
0xb1: {  	_ =	task [dreg:s7], $0x5FFFF  }
0xb2: {  	[dreg:$0x1] =	wrdreg $0xFFFFFFFF  }
0xb3: {  	[dreg:$0x0] =	wrdreg $0x60  }
0xb4: {  	[dreg:$0x2] =	wrdreg s16  }
0xb5: {  	[dreg:$0x3] =	wrdreg s24  }
0xb6: {  	[dreg:$0x4] =	wrdreg $0xAE200  }
0xb7: {  	[dreg:$0x5] =	wrdreg $0xFC400  }
0xb8: {  	[dreg:$0x6] =	wrdreg $0x9  }
0xb9: {  	_ =	task.clear_ibuf [dreg:s7], $0x7FFFF;
	_ =	strace $0x90000049  }
0xba: {  	s29 =	simm.s32 $0x9;
	_ =	strace $0x8000004B  }
0xbb: {  	_ =	swait.ge [sflag:s29], $0x1  }
0xbc: {  	[sflag:s29] =	ssyncadd.s32 $0xFFFFFFFF  }
0xbd: {  	_ =	strace $0x9000004B  }
0xbe: {  	_ =	sfence  }
0xbf: {  	s30 =	sld [smem:$0x0];
	_ =	sdelay $0x2  }
0xc0: {  	s31 =	sshll.u32 s1, $0xD;
	s1 =	sshrl.u32 s1, $0x2  }
0xc1: {  	s3 =	sand.u32 $0x4000, s31;
	s1 =	sadd.s32 s1, s30  }
0xc2: {  	s0 =	sor.u32 s3, s0;
	s1 =	sshll.u32 s1, $0x11  }
0xc3: {  	s0 =	sor.u32 s1, s0  }
0xc4: {  	s0 =	sadd.s32 $0x8F2B, s0  }
0xc5: {  	[sflag:s0] =	ssyncadd.remote.s32 $0x1  }
0xc6: {  	_ =	sfence.sel $0xFFFF  }
0xc7: {  	[dreg:$0x0] =	wrdreg $0xFFFFFFFF;
	(pc) =	sbr.abs _section_cstart, $3  }
0xc8: {  	[dreg:$0x1] =	wrdreg $0xFFFFFFFF  }
0xc9: {  	_ =	task.clear_ibuf [dreg:s7], $0x2FFFF;
	_ =	strace $0x9FFFFFFF  }
0xca: {  	(tm) =	ssettm $0x7FFFFFFF  }
0xcb: {  	_ =	shalt  }
tec
execute0_lowered:
.L_overlay_start_1:
0x0: {  	(tag) =	ssettag $0x1  }
0x1: {  	s0 =	rddreg [dreg:$0x0];
	s1 =	srdreg.scid  }
0x2: {  	s14 =	stileid.u32;
	s6 =	rddreg [dreg:$0x1]  }
0x3: {  	s2 =	rddreg [dreg:$0x2];
	s15 =	simm.s32 $0x8;
	s16 =	simm.s32 $0x2710  }
0x4: {  	s17 =	simm.s32 $0x7;
	s18 =	simm.s32 $0x100;
	s19 =	simm.s32 $0x4E20  }
0x5: {  	s20 =	simm.s32 $0x6E20;
	s21 =	simm.s32 $0x1;
	s23 =	simm.s32 $0x8E20  }
0x6: {  	s24 =	simm.s32 $0x2;
	s29 =	simm.s32 $0x3;
	s31 =	simm.s32 $0x5  }
0x7: {  	s22 =	simm.s32 $0x6;
	s30 =	simm.s32 $0x10;
	s9 =	smul.u32 $0x4F00, s14  }
0x8: {  	s1 =	sand.u32 $0x1, s1;
	s3 =	sshll.u32 s14, $0x1;
	s8 =	smul.u32 $0x4E20, s14  }
0x9: {  	s25 =	simm.s32 $0x0;
	s4 =	sor.u32 s1, s3;
	s7 =	smul.u32 $0x4F000, s1  }
0xa: {  	s3 =	rddreg [dreg:$0x3];
	s1 =	ssub.s32 $0x2, s1;
	s5 =	smul.u32 $0x2710, s4  }
0xb: {  	s4 =	simm.s32 $0x0;
	s11 =	sshrl.u32 s1, $0x1;
	s26 =	sshrl.u32 s8, $0x3  }
0xc: {  	s13 =	sadd.s32 s8, s2;
	s28 =	sadd.s32 s9, s3;
	[smem:$0x7FF] =	sst s4  }
0xd: {  	s7 =	sadd.s32 s9, s7;
	s1 =	ssub.s32 s1, s11;
	s13 =	sshrl.u32 s13, $0x3  }
0xe: {  	s5 =	sshrl.u32 s5, $0x3;
	_ =	strace $0x8000004A;
	s7 =	sshrl.u32 s7, $0x3  }
0xf: {  	s10 =	sadd.s32 s5, s6;
	s5 =	sadd.s32 $0x2200, s6;
	s12 =	sadd.s32 s7, s6  }
0x10: {  	s6 =	sadd.s32 s0, s26;
	s7 =	sshll.u32 s14, $0x6;
	s14 =	sshrl.u32 s28, $0x3  }
0x11: {  	s26 =	simm.s32 $0x4;
	s8 =	sor.u32 $0x1C07, s7;
	s9 =	sadd.s32 $0x15C00, s10  }
0x12: {  	s10 =	sadd.s32 $0x1F840, s10;
	s11 =	sadd.s32 $0x29C00, s12;
	s12 =	smax.u32 s1, $0x1  }
.LBB2_1:
0x13: {  	[spmem:s13], [sflag:s8] =	dma.local [hbm:s6], $0x9C4  }
0x14: {  	[spmem:s14], [sflag:s8] =	dma.local [hbm:s5], $0x9E0  }
0x15: {  	[tilespmem:s4], [sflag:$0x8] =	stream.linear.gather [hbm4b:s9+s4], $0x2710, $0x38;
	[tilespmem:$0x14B40] =	vst v63  }
0x16: {  	_ =	swait.ge [sflag:s15], $0x2710  }
0x17: {  	[sflag:s15] =	ssyncset.done $0x0  }
0x18: {  	[sflag:s15] =	ssyncadd.s32 $0xFFFFD8F0  }
0x19: {  	[tilespmem:s16], [sflag:$0x8] =	stream.linear.gather [hbm4b:s10+s4], $0x2710, $0x38;
	[tilespmem:$0x14B40] =	vst v63  }
0x1a: {  	_ =	swait.ge [sflag:s15], $0x2710  }
0x1b: {  	[sflag:s15] =	ssyncset.done $0x0  }
0x1c: {  	[sflag:s15] =	ssyncadd.s32 $0xFFFFD8F0  }
0x1d: {  	_ =	swait.ge [sflag:s17], $0x9C4  }
0x1e: {  	[sflag:s17] =	ssyncset.done $0x0  }
0x1f: {  	[sflag:s17] =	ssyncadd.s32 $0xFFFFF63C  }
0x20: {  	_ =	swait.ge [sflag:s17], $0x9E0  }
0x21: {  	[sflag:s17] =	ssyncset.done $0x0  }
0x22: {  	[sflag:s17] =	ssyncadd.s32 $0xFFFFF620  }
0x23: {  	[bflag:$0x0] =	sbarrier.arrive $0xFFFF  }
0x24: {  	[tilespmem:s19], [sflag:$0x1] =	stream.indirect.gather [spmem:s2], $0x20, s4, s18, $0xb8;
	[tilespmem:$0x14B40] =	vst v63  }
0x25: {  	_ = 	snop  }
0x26: {  	[tilespmem:s20], [sflag:$0x2] =	stream.indirect.gather [spmem:s2], $0x20, s18, s18, $0xb8;
	[tilespmem:$0x14B40] =	vst v63  }
0x27: {  	_ =	swait.ge [sflag:s21], $0x2000  }
0x28: {  	[sflag:s21] =	ssyncset.done $0x0  }
0x29: {  	[sflag:s21] =	ssyncadd.s32 $0xFFFFE000  }
0x2a: {  	[spmem:s3] =	stream.indirect.scatter.add.f32 [tilespmem:s19], [sflag:$0x4], $0x20, s16, s18, $0xb8;
	[tilespmem:$0x14B40] =	vst v63  }
0x2b: {  	s0 =	simm.s32 $0x200  }
0x2c: {  	[tilespmem:s23], [sflag:$0x3] =	stream.indirect.gather [spmem:s2], $0x20, s0, s18, $0xb8;
	[tilespmem:$0x14B40] =	vst v63  }
0x2d: {  	_ =	swait.ge [sflag:s24], $0x2000  }
0x2e: {  	[sflag:s24] =	ssyncset.done $0x0  }
0x2f: {  	s1 =	simm.s32 $0x2810;
	[sflag:s24] =	ssyncadd.s32 $0xFFFFE000  }
0x30: {  	[spmem:s3] =	stream.indirect.scatter.add.f32 [tilespmem:s20], [sflag:$0x5], $0x20, s1, s18, $0xb8;
	[tilespmem:$0x14B40] =	vst v63  }
0x31: {  	_ =	swait.ge [sflag:s26], $0x2000  }
0x32: {  	[sflag:s26] =	ssyncset.done $0x0  }
0x33: {  	s1 =	simm.s32 $0x300;
	[sflag:s26] =	ssyncadd.s32 $0xFFFFE000  }
0x34: {  	[tilespmem:s19], [sflag:$0x1] =	stream.indirect.gather [spmem:s2], $0x20, s1, s18, $0xb8;
	[tilespmem:$0x14B40] =	vst v63  }
0x35: {  	_ =	swait.ge [sflag:s29], $0x2000  }
0x36: {  	[sflag:s29] =	ssyncset.done $0x0  }
0x37: {  	s1 =	simm.s32 $0x2910;
	[sflag:s29] =	ssyncadd.s32 $0xFFFFE000  }
0x38: {  	[spmem:s3] =	stream.indirect.scatter.add.f32 [tilespmem:s23], [sflag:$0x6], $0x20, s1, s18, $0xb8;
	[tilespmem:$0x14B40] =	vst v63  }
0x39: {  	_ =	swait.ge [sflag:s31], $0x2000  }
0x3a: {  	[sflag:s31] =	ssyncset.done $0x0  }
0x3b: {  	s1 =	simm.s32 $0x400;
	[sflag:s31] =	ssyncadd.s32 $0xFFFFE000  }
0x3c: {  	[tilespmem:s20], [sflag:$0x2] =	stream.indirect.gather [spmem:s2], $0x20, s1, s18, $0xb8;
	[tilespmem:$0x14B40] =	vst v63  }
0x3d: {  	_ =	swait.ge [sflag:s21], $0x2000  }
0x3e: {  	[sflag:s21] =	ssyncset.done $0x0  }
0x3f: {  	s1 =	simm.s32 $0x2A10;
	[sflag:s21] =	ssyncadd.s32 $0xFFFFE000  }
0x40: {  	[spmem:s3] =	stream.indirect.scatter.add.f32 [tilespmem:s19], [sflag:$0x4], $0x20, s1, s18, $0xb8;
	[tilespmem:$0x14B40] =	vst v63  }
0x41: {  	_ =	swait.ge [sflag:s22], $0x2000  }
0x42: {  	[sflag:s22] =	ssyncset.done $0x0  }
0x43: {  	s1 =	simm.s32 $0x500;
	[sflag:s22] =	ssyncadd.s32 $0xFFFFE000  }
0x44: {  	[tilespmem:s23], [sflag:$0x3] =	stream.indirect.gather [spmem:s2], $0x20, s1, s18, $0xb8;
	[tilespmem:$0x14B40] =	vst v63  }
0x45: {  	_ =	swait.ge [sflag:s24], $0x2000  }
0x46: {  	[sflag:s24] =	ssyncset.done $0x0  }
0x47: {  	s1 =	simm.s32 $0x2B10;
	[sflag:s24] =	ssyncadd.s32 $0xFFFFE000  }
0x48: {  	[spmem:s3] =	stream.indirect.scatter.add.f32 [tilespmem:s20], [sflag:$0x5], $0x20, s1, s18, $0xb8;
	[tilespmem:$0x14B40] =	vst v63  }
0x49: {  	_ =	swait.ge [sflag:s26], $0x2000  }
0x4a: {  	[sflag:s26] =	ssyncset.done $0x0  }
0x4b: {  	s1 =	simm.s32 $0x600;
	[sflag:s26] =	ssyncadd.s32 $0xFFFFE000  }
0x4c: {  	[tilespmem:s19], [sflag:$0x1] =	stream.indirect.gather [spmem:s2], $0x20, s1, s18, $0xb8;
	[tilespmem:$0x14B40] =	vst v63  }
0x4d: {  	_ =	swait.ge [sflag:s29], $0x2000  }
0x4e: {  	[sflag:s29] =	ssyncset.done $0x0  }
0x4f: {  	s0 =	simm.s32 $0x2C10;
	[sflag:s29] =	ssyncadd.s32 $0xFFFFE000  }
0x50: {  	[spmem:s3] =	stream.indirect.scatter.add.f32 [tilespmem:s23], [sflag:$0x6], $0x20, s0, s18, $0xb8;
	[tilespmem:$0x14B40] =	vst v63  }
0x51: {  	_ =	swait.ge [sflag:s31], $0x2000  }
0x52: {  	[sflag:s31] =	ssyncset.done $0x0  }
0x53: {  	s0 =	simm.s32 $0x700;
	[sflag:s31] =	ssyncadd.s32 $0xFFFFE000  }
0x54: {  	[tilespmem:s20], [sflag:$0x2] =	stream.indirect.gather [spmem:s2], $0x20, s0, s18, $0xb8;
	[tilespmem:$0x14B40] =	vst v63  }
0x55: {  	_ =	swait.ge [sflag:s21], $0x2000  }
0x56: {  	[sflag:s21] =	ssyncset.done $0x0  }
0x57: {  	s0 =	simm.s32 $0x2D10;
	[sflag:s21] =	ssyncadd.s32 $0xFFFFE000  }
0x58: {  	[spmem:s3] =	stream.indirect.scatter.add.f32 [tilespmem:s19], [sflag:$0x4], $0x20, s0, s18, $0xb8;
	[tilespmem:$0x14B40] =	vst v63  }
0x59: {  	_ =	swait.ge [sflag:s22], $0x2000  }
0x5a: {  	[sflag:s22] =	ssyncset.done $0x0  }
0x5b: {  	s0 =	simm.s32 $0x800;
	[sflag:s22] =	ssyncadd.s32 $0xFFFFE000  }
0x5c: {  	[tilespmem:s23], [sflag:$0x3] =	stream.indirect.gather [spmem:s2], $0x20, s0, s18, $0xb8;
	[tilespmem:$0x14B40] =	vst v63  }
0x5d: {  	_ =	swait.ge [sflag:s24], $0x2000  }
0x5e: {  	[sflag:s24] =	ssyncset.done $0x0  }
0x5f: {  	s28 =	simm.s32 $0xC00;
	s1 =	simm.s32 $0x2E10;
	[sflag:s24] =	ssyncadd.s32 $0xFFFFE000  }
.LBB2_2:
0x60: {  	[spmem:s3] =	stream.indirect.scatter.add.f32 [tilespmem:s20], [sflag:$0x5], $0x20, s1, s18, $0xb8;
	[tilespmem:$0x14B40] =	vst v63  }
0x61: {  	s1 =	smov.u32 s28;
	s28 =	sadd.s32 $0xC00, s28;
	_ =	swait.ge [sflag:s26], $0x2000  }
0x62: {  	s1 =	sshra.s32 s1, $0x2;
	p0 =	sne.s32 s28, $0x8400;
	[sflag:s26] =	ssyncset.done $0x0  }
0x63: {  	s0 =	sadd.s32 $0x600, s1;
	[sflag:s26] =	ssyncadd.s32 $0xFFFFE000  }
0x64: {  	[tilespmem:s19], [sflag:$0x1] =	stream.indirect.gather [spmem:s2], $0x20, s0, s18, $0xb8;
	[tilespmem:$0x14B40] =	vst v63  }
0x65: {  	_ =	swait.ge [sflag:s29], $0x2000  }
0x66: {  	[sflag:s29] =	ssyncset.done $0x0  }
0x67: {  	s0 =	sadd.s32 $0x2C10, s1;
	[sflag:s29] =	ssyncadd.s32 $0xFFFFE000  }
0x68: {  	[spmem:s3] =	stream.indirect.scatter.add.f32 [tilespmem:s23], [sflag:$0x6], $0x20, s0, s18, $0xb8;
	[tilespmem:$0x14B40] =	vst v63  }
0x69: {  	_ =	swait.ge [sflag:s31], $0x2000  }
0x6a: {  	[sflag:s31] =	ssyncset.done $0x0  }
0x6b: {  	s0 =	sadd.s32 $0x700, s1;
	[sflag:s31] =	ssyncadd.s32 $0xFFFFE000  }
0x6c: {  	[tilespmem:s20], [sflag:$0x2] =	stream.indirect.gather [spmem:s2], $0x20, s0, s18, $0xb8;
	[tilespmem:$0x14B40] =	vst v63  }
0x6d: {  	_ =	swait.ge [sflag:s21], $0x2000  }
0x6e: {  	[sflag:s21] =	ssyncset.done $0x0  }
0x6f: {  	s0 =	sadd.s32 $0x2D10, s1;
	[sflag:s21] =	ssyncadd.s32 $0xFFFFE000  }
0x70: {  	[spmem:s3] =	stream.indirect.scatter.add.f32 [tilespmem:s19], [sflag:$0x4], $0x20, s0, s18, $0xb8;
	[tilespmem:$0x14B40] =	vst v63  }
0x71: {  	_ =	swait.ge [sflag:s22], $0x2000  }
0x72: {  	[sflag:s22] =	ssyncset.done $0x0  }
.Ltmp0:
0x73: {  	s0 =	sadd.s32 $0x800, s1;
	[sflag:s22] =	ssyncadd.s32 $0xFFFFE000;
	(pc) =	sbr.rel @p0 .LBB2_2-.Ltmp0, $4  }
0x74: {  	[tilespmem:s23], [sflag:$0x3] =	stream.indirect.gather [spmem:s2], $0x20, s0, s18, $0xb8;
	[tilespmem:$0x14B40] =	vst v63  }
0x75: {  	_ =	swait.ge [sflag:s24], $0x2000  }
0x76: {  	[sflag:s24] =	ssyncset.done $0x0  }
0x77: {  	s1 =	sadd.s32 $0x2E10, s1;
	[sflag:s24] =	ssyncadd.s32 $0xFFFFE000  }
0x78: {  	[spmem:s3] =	stream.indirect.scatter.add.f32 [tilespmem:s20], [sflag:$0x5], $0x20, s1, s18, $0xb8;
	[tilespmem:$0x14B40] =	vst v63  }
0x79: {  	_ =	swait.ge [sflag:s29], $0x2000  }
0x7a: {  	s0 =	sshra.s32 s28, $0x2;
	[sflag:s29] =	ssyncset.done $0x0  }
0x7b: {  	s0 =	sadd.s32 $0x2C10, s0;
	[sflag:s29] =	ssyncadd.s32 $0xFFFFE000  }
0x7c: {  	[spmem:s3] =	stream.indirect.scatter.add.f32 [tilespmem:s23], [sflag:$0x6], $0x20, s0, s18, $0xb8;
	[tilespmem:$0x14B40] =	vst v63  }
0x7d: {  	_ =	swait.ge [sflag:s26], $0x2000  }
0x7e: {  	[sflag:s26] =	ssyncset.done $0x0  }
0x7f: {  	[sflag:s26] =	ssyncadd.s32 $0xFFFFE000  }
0x80: {  	_ =	swait.ge [sflag:s31], $0x2000  }
0x81: {  	[sflag:s31] =	ssyncset.done $0x0  }
0x82: {  	[sflag:s31] =	ssyncadd.s32 $0xFFFFE000  }
0x83: {  	_ =	swait.ge [sflag:s22], $0x2000  }
0x84: {  	[sflag:s22] =	ssyncset.done $0x0  }
0x85: {  	s28 =	simm.s32 $0x2700;
	[sflag:s22] =	ssyncadd.s32 $0xFFFFE000  }
0x86: {  	[tilespmem:s19], [sflag:$0x1] =	stream.indirect.gather [spmem:s2], $0x20, s28, s30, $0xb8;
	[tilespmem:$0x14B40] =	vst v63  }
0x87: {  	_ =	swait.ge [sflag:s21], $0x200  }
0x88: {  	[sflag:s21] =	ssyncset.done $0x0  }
0x89: {  	s1 =	simm.s32 $0x4E10;
	[sflag:s21] =	ssyncadd.s32 $0xFFFFFE00  }
0x8a: {  	[spmem:s3] =	stream.indirect.scatter.add.f32 [tilespmem:s19], [sflag:$0x8], $0x20, s1, s30, $0xb8;
	[tilespmem:$0x14B40] =	vst v63  }
0x8b: {  	_ =	swait.ge [sflag:s15], $0x200  }
0x8c: {  	s25 =	sadd.s32 $0x1, s25;
	[sflag:s15] =	ssyncset.done $0x0  }
0x8d: {  	p0 =	sne.s32 s25, s12;
	[sflag:s15] =	ssyncadd.s32 $0xFFFFFE00  }
.Ltmp1:
0x8e: {  	s28 =	sor.u32 $0x1C08, s7;
	[bflag:$0x0] =	sbarrier.arrive $0xFFFF;
	(pc) =	sbr.rel @p0 .LBB2_1-.Ltmp1, $4  }
0x8f: {  	[hbm:s11], [sflag:s28] =	dma.local [spmem:s14], $0x9E0  }
0x90: {  	_ =	swait.ge [sflag:s15], $0x9E0  }
0x91: {  	[sflag:s15] =	ssyncset.done $0x0  }
0x92: {  	[sflag:s15] =	ssyncadd.s32 $0xFFFFF620  }
0x93: {  	_ =	sfence.sel $0x180000  }
0x94: {  	[bflag:$0x0] =	sbarrier.arrive $0xFFFF  }
0x95: {  	_ =	strace $0x9000004A  }
0x96: {  	s0 =	stileid.u32;
	[bflag:$0x2] =	sbarrier.arrive $0xFFFF  }
0x97: {  	p0 =	sne.s32 s0, $0x0;
	s0 =	rddreg [dreg:$0x4]  }
0x98: {  	s0 =	sadd.s32 @!p0 $0x100000, s0  }
0x99: {  	[sflag:s0] =	ssyncadd.tile.s32 @!p0 $0x1;
	_ =	shalt  }
.Lfunc_end2:
_tile_overlayer_lowered:
.L_overlay_start_2:
0x9a: {  	(tag) =	ssettag $0x2  }
0x9b: {  	s0 =	rddreg [dreg:$0x0];
	s2 =	stileid.u32  }
0x9c: {  	s1 =	rddreg [dreg:$0x1];
	p0 =	sne.s32 s2, $0x0  }
0x9d: {  	s3 =	rddreg [dreg:$0x2];
	[bflag:$0x3] =	sbarrier.arrive $0xFFFF;
	s2 =	simm.s32 @!p0 $0x1C08  }
0x9e: {  	[timem:s3], [sflag:s2] =	dma.local @!p0 [hbm:s0], s1  }
0x9f: {  	s0 =	simm.s32 @!p0 $0x8  }
0xa0: {  	_ =	swait.ge @!p0 [sflag:s0], s1  }
0xa1: {  	s1 =	ssub.s32 @!p0 $0x0, s1;
	[sflag:s0] =	ssyncset.done @!p0 $0x0  }
0xa2: {  	[sflag:s0] =	ssyncadd.s32 @!p0 s1  }
0xa3: {  	[bflag:$0x3] =	sbarrier.arrive $0xFFFF  }
0xa4: {  	_ =	shalt  }

// kernel: kernel.7.cloned.1.call-start
scs
__scs_entry_jumppad:
0x0: {  	(pc) =	sbr.rel $0x88, $3  }
0x1: {  	(tag) =	ssettag $0x0;
	lr =	simm.s32 $0x1  }
0x2: {  	[smem:$0x3F97] =	sst lr;
	_ =	strace $0xD0000000  }
0x3: {  	_ = 	snop  }
0x4: {  	_ = 	snop  }
0x5: {  	_ = 	snop  }
0x6: {  	_ = 	snop  }
0x7: {  	_ = 	snop  }
__scs_overlays_trampoline_lowered:
0x8: {  	[smem:$0x3FA6] =	sst s0  }
0x9: {  	[smem:$0x3FA7] =	sst s1  }
0xa: {  	[smem:$0x3FA8] =	sst s2  }
0xb: {  	[smem:$0x3FA9] =	sst s3  }
0xc: {  	[smem:$0x3FAA] =	sst s4  }
0xd: {  	[smem:$0x3FAB] =	sst s5  }
0xe: {  	[smem:$0x3FAC] =	sst s6  }
0xf: {  	[smem:$0x3FAD] =	sst s7  }
0x10: {  	[smem:$0x3FAE] =	sst s8  }
0x11: {  	[smem:$0x3FAF] =	sst s9;
	s0 =	simm.s32 @!p0 $0x0  }
0x12: {  	s1 =	sld [smem:$0x3F95];
	s0 =	simm.s32 @p0 $0x1  }
0x13: {  	[smem:$0x3FB0] =	sst s0;
	s0 =	simm.s32 @!p1 $0x0  }
0x14: {  	s2 =	sld [smem:$0x3F94];
	s0 =	simm.s32 @p1 $0x1  }
0x15: {  	[smem:$0x3FB1] =	sst s0;
	s0 =	simm.s32 @!p2 $0x0  }
0x16: {  	s3 =	sld [smem:$0x3FDB];
	s0 =	simm.s32 @p2 $0x1  }
0x17: {  	s4 =	simm.s32 $0x1BF5;
	[smem:$0x3FB3] =	sst s0  }
0x18: {  	s0 =	sld [smem:$0x3F96];
	_ =	swait.ge [sflag:s4], $0x0  }
0x19: {  	s7 =	sld [smem:$0x3F97]  }
0x1a: {  	s8 =	sadd.s32 $0xFFFFE003, lr  }
0x1b: {  	s9 =	sadd.s32 $0xFFFFFEF7, lr;
	s5 =	simm.s32 $0xFFFFFFFF;
	p2 =	slt.u32 s8, $0xFFFFF086  }
0x1c: {  	p1 =	slt.u32 s9, $0xF7A;
	s5 =	simm.s32 @!p2 $0x0  }
0x1d: {  	s5 =	simm.s32 @p1 $0x1;
	p0 =	seq.s32 s7, s2  }
0x1e: {  	s7 =	smul.u32 @!p0 $0xF7A, s2;
	p2 =	seq.s32 @!p0 s5, $0x0  }
0x1f: {  	s9 =	smul.u32 $0xF7A, s1;
	s8 =	simm.s32 @!p0 $0x1BF5;
	p2 =	por !p2, p0  }
0x20: {  	[sflag:s8] =	ssyncset.s32 @!p0 $0xFFFFF086;
	s6 =	sadd.s32 @!p0 s3, s7;
	s7 =	simm.s32 @!p0 $0x108  }
0x21: {  	s3 =	sadd.s32 s3, s9;
	s6 =	sadd.s32 @!p0 $0x88, s6;
	s7 =	simm.s32 @p2 $0x1082  }
0x22: {  	[simem:s7], [sflag:s8] =	dma.local @!p0 [hbm:s6], $0xF7A  }
0x23: {  	s9 =	sor.u32 $0xD0000000, s2;
	s6 =	simm.s32 $0x108;
	_ =	swait.ge @!p0 [sflag:s8], $0x0  }
0x24: {  	s3 =	sadd.s32 $0x88, s3;
	s6 =	simm.s32 @!p1 $0x1082;
	[sflag:s4] =	ssyncset.s32 $0xFFFFF086  }
0x25: {  	[simem:s6], [sflag:s4] =	dma.local [hbm:s3], $0xF7A  }
0x26: {  	[smem:$0x3F97] =	sst s1;
	(tag) =	ssettag s2;
	_ =	strace s9  }
0x27: {  	s1 =	sld [smem:$0x3FA7]  }
0x28: {  	s2 =	sld [smem:$0x3FA8]  }
0x29: {  	s4 =	sld [smem:$0x3FAA]  }
0x2a: {  	p0 =	seq.s32 s5, $0x0;
	s5 =	sld [smem:$0x3FAB]  }
0x2b: {  	s6 =	sld [smem:$0x3FAC]  }
0x2c: {  	s7 =	sld [smem:$0x3FAD]  }
0x2d: {  	s3 =	simm.s32 $0x108;
	s8 =	sld [smem:$0x3FAE]  }
0x2e: {  	s3 =	simm.s32 @!p0 $0x1082;
	s9 =	sld [smem:$0x3FAF]  }
0x2f: {  	lr =	sadd.s32 s0, s3;
	s0 =	sld [smem:$0x3FA6]  }
0x30: {  	s3 =	sld [smem:$0x3FA9]  }
0x31: {  	[smem:$0x3FB2] =	sst s10  }
0x32: {  	s10 =	sld [smem:$0x3FB0];
	_ =	sdelay $0x3  }
0x33: {  	p0 =	seq.s32 s10, $0x1;
	s10 =	sld [smem:$0x3FB2];
	_ =	sdelay $0x3  }
0x34: {  	[smem:$0x3FB2] =	sst s10  }
0x35: {  	s10 =	sld [smem:$0x3FB1];
	_ =	sdelay $0x3  }
0x36: {  	p1 =	seq.s32 s10, $0x1;
	s10 =	sld [smem:$0x3FB2];
	_ =	sdelay $0x3  }
0x37: {  	[smem:$0x3FB2] =	sst s10  }
0x38: {  	s10 =	sld [smem:$0x3FB3]  }
0x39: {  	_ = 	snop;
	(pc) =	sbr.ind lr, $3  }
0x3a: {  	_ = 	snop  }
0x3b: {  	_ = 	snop  }
0x3c: {  	p2 =	seq.s32 s10, $0x1;
	s10 =	sld [smem:$0x3FB2]  }
0x3d: {  	_ =	shalt  }
0x3e: {  	_ =	shalt  }
0x3f: {  	_ =	shalt  }
0x40: {  	_ =	shalt  }
0x41: {  	_ =	shalt  }
0x42: {  	_ =	shalt  }
0x43: {  	_ =	shalt  }
0x44: {  	_ =	shalt  }
0x45: {  	_ =	shalt  }
0x46: {  	_ =	shalt  }
0x47: {  	_ =	shalt  }
0x48: {  	_ =	shalt  }
0x49: {  	_ =	shalt  }
0x4a: {  	_ =	shalt  }
0x4b: {  	_ =	shalt  }
0x4c: {  	_ =	shalt  }
0x4d: {  	_ =	shalt  }
0x4e: {  	_ =	shalt  }
0x4f: {  	_ =	shalt  }
0x50: {  	_ =	shalt  }
0x51: {  	_ =	shalt  }
0x52: {  	_ =	shalt  }
0x53: {  	_ =	shalt  }
0x54: {  	_ =	shalt  }
0x55: {  	_ =	shalt  }
0x56: {  	_ =	shalt  }
0x57: {  	_ =	shalt  }
0x58: {  	_ =	shalt  }
0x59: {  	_ =	shalt  }
0x5a: {  	_ =	shalt  }
0x5b: {  	_ =	shalt  }
0x5c: {  	_ =	shalt  }
0x5d: {  	_ =	shalt  }
0x5e: {  	_ =	shalt  }
0x5f: {  	_ =	shalt  }
0x60: {  	_ =	shalt  }
0x61: {  	_ =	shalt  }
0x62: {  	_ =	shalt  }
0x63: {  	_ =	shalt  }
0x64: {  	_ =	shalt  }
0x65: {  	_ =	shalt  }
0x66: {  	_ =	shalt  }
0x67: {  	_ =	shalt  }
0x68: {  	_ =	shalt  }
0x69: {  	_ =	shalt  }
0x6a: {  	_ =	shalt  }
0x6b: {  	_ =	shalt  }
0x6c: {  	_ =	shalt  }
0x6d: {  	_ =	shalt  }
0x6e: {  	_ =	shalt  }
0x6f: {  	_ =	shalt  }
0x70: {  	_ =	shalt  }
0x71: {  	_ =	shalt  }
0x72: {  	_ =	shalt  }
0x73: {  	_ =	shalt  }
0x74: {  	_ =	shalt  }
0x75: {  	_ =	shalt  }
0x76: {  	_ =	shalt  }
0x77: {  	_ =	shalt  }
0x78: {  	_ =	shalt  }
0x79: {  	_ =	shalt  }
0x7a: {  	_ =	shalt  }
0x7b: {  	_ =	shalt  }
0x7c: {  	_ =	shalt  }
0x7d: {  	_ =	shalt  }
0x7e: {  	_ =	shalt  }
0x7f: {  	_ =	shalt  }
0x80: {  	_ =	shalt  }
0x81: {  	_ =	shalt  }
0x82: {  	_ =	shalt  }
0x83: {  	_ =	shalt  }
0x84: {  	_ =	shalt  }
0x85: {  	_ =	shalt  }
0x86: {  	_ =	shalt  }
0x87: {  	_ =	shalt  }
.Lfunc_end0:
.L_simem_size_0:
called_computation_lowered:
.L_overlay_start_0:
0x88: {  	s2 =	sld [smem:$0x3FD9]  }
0x89: {  	s3 =	sld [smem:$0x3FFE];
	_ =	sdelay $0x1  }
0x8a: {  	s1 =	srdreg.scid  }
0x8b: {  	s0 =	sand.u32 $0x1, s1  }
0x8c: {  	s14 =	sshll.u32 s0, $0xA;
	s2 =	sadd.s32 s3, s2  }
0x8d: {  	s2 =	sadd.s32 s2, s14  }
0x8e: {  	[smem:$0x3FBE] =	sst s2  }
0x8f: {  	_ = 	snop  }
0x90: {  	s2 =	sld [smem:$0x3FD0];
	_ =	sdelay $0x2  }
0x91: {  	s15 =	simm.s32 $0xA;
	s4 =	simm.s32 $0x10  }
0x92: {  	[smem:s4], [sflag:s15] =	dma.local [hbm:s2], $0x1  }
0x93: {  	_ =	swait.eq [sflag:s15], $0x1  }
0x94: {  	[sflag:s15] =	ssyncset.done $0x0  }
0x95: {  	[sflag:s15] =	ssyncadd.s32 $0xFFFFFFFF  }
0x96: {  	s16 =	sld [smem:$0x11];
	(tm) =	ssettm $0x1  }
0x97: {  	s17 =	sld [smem:$0x3FFB];
	_ =	sdelay $0x3  }
0x98: {  	_ =	strace s17  }
0x99: {  	s3 =	sld [smem:$0x3FFC];
	_ =	sdelay $0x3  }
0x9a: {  	_ =	strace s3  }
0x9b: {  	s3 =	sld [smem:$0x3FFD];
	_ =	sdelay $0x3  }
0x9c: {  	_ =	strace s3  }
0x9d: {  	_ =	strace $0x8FFFFFFF  }
0x9e: {  	s18 =	sld [smem:$0x3FDB];
	_ =	sdelay $0x1  }
0x9f: {  	s19 =	simm.s32 $_scs_section_size  }
0xa0: {  	s5 =	simm.s32 $_size__tile_overlayer_lowered;
	s6 =	simm.s32 $_tile_overlayer_lowered  }
0xa1: {  	s22 =	simm.s32 $0x1BFF;
	s21 =	sshll.u32 s6, $0x1;
	s3 =	sadd.s32 s19, s18  }
0xa2: {  	s7 =	simm.s32 $0x0;
	s20 =	sshll.u32 s5, $0x1;
	s5 =	sadd.s32 s21, s3  }
0xa3: {  	[timem:s7], [sflag:s22] =	dma.local [hbm:s5], s20  }
0xa4: {  	_ =	swait.ge [sflag:s22], s20  }
0xa5: {  	s4 =	ssub.s32 $0x0, s20;
	[sflag:s22] =	ssyncset.done $0x0  }
0xa6: {  	[sflag:s22] =	ssyncadd.s32 s4;
	_ =	sdelay $0x1  }
0xa7: {  	s23 =	simm.s32 $0x1B8B  }
0xa8: {  	_ =	swait.ge [sflag:s23], $0x1  }
0xa9: {  	[sflag:s23] =	ssyncset.done $0x0  }
0xaa: {  	s25 =	simm.s32 $0x1B8E;
	s24 =	sld [smem:$0x3FFE];
	[sflag:s23] =	ssyncadd.s32 $0xFFFFFFFF  }
0xab: {  	s26 =	simm.s32 $execute0_lowered;
	[smem:$0x3FD2] =	sst s25  }
0xac: {  	s5 =	sshll.u32 s26, $0x1;
	_ =	strace $0x80000046;
	[dreg:$0x1] =	wrdreg $0xFFFFFFFF  }
0xad: {  	s28 =	simm.s32 $_size_execute0_lowered;
	s3 =	sadd.s32 s3, s5;
	[dreg:$0x0] =	wrdreg $0x0  }
0xae: {  	s5 =	sshll.u32 s28, $0x1;
	[dreg:$0x2] =	wrdreg s3  }
0xaf: {  	[dreg:$0x3] =	wrdreg s5  }
0xb0: {  	[dreg:$0x4] =	wrdreg $0xC0  }
0xb1: {  	_ =	task [dreg:s7], $0x5FFFF  }
0xb2: {  	[dreg:$0x1] =	wrdreg $0xFFFFFFFF  }
0xb3: {  	[dreg:$0x0] =	wrdreg $0x60  }
0xb4: {  	[dreg:$0x2] =	wrdreg s24  }
0xb5: {  	[dreg:$0x3] =	wrdreg s16  }
0xb6: {  	[dreg:$0x4] =	wrdreg $0xAEA00  }
0xb7: {  	[dreg:$0x5] =	wrdreg $0x14AE00  }
0xb8: {  	[dreg:$0x6] =	wrdreg $0x1E8E00  }
0xb9: {  	[dreg:$0x7] =	wrdreg $0x9  }
0xba: {  	_ =	task.clear_ibuf [dreg:s7], $0x8FFFF;
	_ =	strace $0x90000046  }
0xbb: {  	s29 =	simm.s32 $0x9;
	_ =	strace $0x80000048  }
0xbc: {  	_ =	swait.ge [sflag:s29], $0x1  }
0xbd: {  	[sflag:s29] =	ssyncadd.s32 $0xFFFFFFFF  }
0xbe: {  	_ =	strace $0x90000048  }
0xbf: {  	_ =	sfence  }
0xc0: {  	s30 =	sld [smem:$0x0];
	_ =	sdelay $0x2  }
0xc1: {  	s31 =	sshll.u32 s1, $0xD;
	s1 =	sshrl.u32 s1, $0x2  }
0xc2: {  	s3 =	sand.u32 $0x4000, s31;
	s1 =	sadd.s32 s1, s30  }
0xc3: {  	s0 =	sor.u32 s3, s0;
	s1 =	sshll.u32 s1, $0x11  }
0xc4: {  	s0 =	sor.u32 s1, s0  }
0xc5: {  	s0 =	sadd.s32 $0x8F2B, s0  }
0xc6: {  	[sflag:s0] =	ssyncadd.remote.s32 $0x1  }
0xc7: {  	_ =	sfence.sel $0xFFFF  }
0xc8: {  	[dreg:$0x0] =	wrdreg $0xFFFFFFFF;
	(pc) =	sbr.abs _section_cstart, $3  }
0xc9: {  	[dreg:$0x1] =	wrdreg $0xFFFFFFFF  }
0xca: {  	_ =	task.clear_ibuf [dreg:s7], $0x2FFFF;
	_ =	strace $0x9FFFFFFF  }
0xcb: {  	(tm) =	ssettm $0x7FFFFFFF  }
tec
execute0_lowered:
.L_overlay_start_1:
0x0: {  	(tag) =	ssettag $0x1  }
0x1: {  	s0 =	rddreg [dreg:$0x0]  }
0x2: {  	s2 =	rddreg [dreg:$0x2]  }
0x3: {  	s16 =	stileid.u32;
	s4 =	rddreg [dreg:$0x3]  }
0x4: {  	s1 =	srdreg.scid;
	s5 =	rddreg [dreg:$0x4]  }
0x5: {  	s6 =	simm.s32 $0x0;
	s19 =	simm.s32 $0x9;
	s20 =	simm.s32 $0x2710  }
0x6: {  	s29 =	simm.s32 $0x8E20;
	s30 =	simm.s32 $0x2;
	s7 =	smul.u32 $0x9C40, s16  }
0x7: {  	s31 =	simm.s32 $0x2790;
	s28 =	simm.s32 $0x2810;
	s10 =	smul.u32 $0x278, s16  }
0x8: {  	s1 =	sand.u32 $0x1, s1;
	s3 =	sshll.u32 s16, $0x1;
	s11 =	smul.u32 $0x9E00, s16  }
0x9: {  	[smem:$0x7FF] =	sst s6;
	s21 =	sshll.u32 s16, $0x6;
	s9 =	smul.u32 $0x9E000, s1  }
0xa: {  	s3 =	sor.u32 s1, s3;
	_ =	strace $0x80000047;
	s13 =	smul.u32 $0x2780, s1  }
0xb: {  	s1 =	ssub.s32 $0x2, s1;
	[dreg:$0x7] =	wrdreg s21;
	s3 =	smul.u32 $0x2710, s3  }
0xc: {  	s8 =	sshrl.u32 s7, $0x3;
	s12 =	sshrl.u32 s10, $0x3;
	s14 =	sshrl.u32 s1, $0x1  }
0xd: {  	s7 =	sadd.s32 s7, s2;
	s8 =	sadd.s32 s8, s0;
	s12 =	sadd.s32 s12, s0  }
0xe: {  	s9 =	sadd.s32 s11, s9;
	s13 =	sadd.s32 s10, s13;
	s1 =	ssub.s32 s1, s14  }
0xf: {  	s11 =	sadd.s32 s11, s4;
	s10 =	sadd.s32 s10, s5;
	s26 =	sshrl.u32 s7, $0x3  }
0x10: {  	s7 =	simm.s32 $0x6;
	s3 =	sshrl.u32 s3, $0x3;
	s9 =	sshrl.u32 s9, $0x3  }
0x11: {  	s13 =	sshrl.u32 s13, $0x3;
	s8 =	sadd.s32 $0x2200, s8;
	s22 =	sadd.s32 $0x29600, s12  }
0x12: {  	s25 =	smax.u32 s1, $0x1;
	[dreg:$0xe] =	wrdreg s26;
	s17 =	sshrl.u32 s11, $0x3  }
0x13: {  	s18 =	sshrl.u32 s10, $0x3;
	s26 =	simm.s32 $0xAE20;
	s1 =	simm.s32 $0x3  }
0x14: {  	s10 =	simm.s32 $0x10;
	s11 =	simm.s32 $0x4E10;
	s12 =	simm.s32 $0x7  }
0x15: {  	s3 =	sadd.s32 s3, s0;
	s15 =	sadd.s32 s9, s0;
	[dreg:$0x6] =	wrdreg s8  }
0x16: {  	s0 =	sadd.s32 s13, s0;
	s9 =	sor.u32 $0x1C08, s21;
	[dreg:$0x8] =	wrdreg s22  }
0x17: {  	[dreg:$0xd] =	wrdreg s25;
	s21 =	simm.s32 $0x8;
	s23 =	sadd.s32 $0x15C00, s3  }
.Ltmp0:
0x18: {  	s3 =	sadd.s32 $0x1F840, s3;
	[dreg:$0x9] =	wrdreg s23;
	(pc) =	sbr.rel .LBB2_1-.Ltmp0, $4  }
0x19: {  	s22 =	simm.s32 $0x80;
	s24 =	sadd.s32 $0x29C00, s15;
	[dreg:$0xa] =	wrdreg s3  }
0x1a: {  	s25 =	simm.s32 $0x1;
	s0 =	sadd.s32 $0x51400, s0;
	[dreg:$0xb] =	wrdreg s24  }
0x1b: {  	s13 =	simm.s32 $0x0;
	[dreg:$0xc] =	wrdreg s0;
	s23 =	simm.s32 $0x4E20  }
0x1c: {  	v0 =	vimm.f32 $1.000000000e+00;
	s24 =	simm.s32 $0x6E20;
	s3 =	simm.s32 $0x4;
	s0 =	simm.s32 $0x5  }
.LBB2_4:
0x1d: {  	_ =	swait.ge [sflag:s1], $0x2000  }
0x1e: {  	[sflag:s1] =	ssyncset.done $0x0  }
0x1f: {  	[sflag:s1] =	ssyncadd.s32 $0xFFFFE000  }
0x20: {  	[spmem:s4] =	stream.indirect.scatter.add.f32 [tilespmem:s29], [sflag:$0x6], $0x40, s16, s22, $0xb8;
	[tilespmem:$0x1EB58] =	vst v63  }
0x21: {  	_ = 	snop  }
0x22: {  	[spmem:s5] =	stream.indirect.scatter.add.f32 [tilespmem:s26], [sflag:$0x7], $0x1, s16, s22, $0xb8;
	[tilespmem:$0x1EB58] =	vst v63  }
0x23: {  	_ =	swait.ge [sflag:s3], $0x2000  }
0x24: {  	[sflag:s3] =	ssyncset.done $0x0  }
0x25: {  	[sflag:s3] =	ssyncadd.s32 $0xFFFFE000  }
0x26: {  	_ =	swait.ge [sflag:s0], $0x2000  }
0x27: {  	[sflag:s0] =	ssyncset.done $0x0  }
0x28: {  	[sflag:s0] =	ssyncadd.s32 $0xFFFFE000  }
0x29: {  	_ =	swait.ge [sflag:s7], $0x2000  }
0x2a: {  	[sflag:s7] =	ssyncset.done $0x0  }
0x2b: {  	s8 =	simm.s32 $0x2700;
	[sflag:s7] =	ssyncadd.s32 $0xFFFFE000  }
0x2c: {  	[tilespmem:s23], [sflag:$0x1] =	stream.indirect.gather [spmem:s2], $0x40, s8, s10, $0xb8;
	[tilespmem:$0x1EB58] =	vst v63  }
0x2d: {  	_ =	swait.ge [sflag:s25], $0x400  }
0x2e: {  	[sflag:s25] =	ssyncset.done $0x0  }
0x2f: {  	[sflag:s25] =	ssyncadd.s32 $0xFFFFFC00  }
0x30: {  	[spmem:s4] =	stream.indirect.scatter.add.f32 [tilespmem:s23], [sflag:$0x9], $0x40, s11, s10, $0xb8;
	[tilespmem:$0x1EB58] =	vst v63  }
0x31: {  	_ =	swait.ge [sflag:s19], $0x400  }
0x32: {  	[sflag:s19] =	ssyncset.done $0x0  }
0x33: {  	[sflag:s19] =	ssyncadd.s32 $0xFFFFFC00  }
0x34: {  	[spmem:s5] =	stream.indirect.scatter.add.f32 [tilespmem:s26], [sflag:$0x9], $0x1, s11, s10, $0xb8;
	[tilespmem:$0x1EB58] =	vst v63  }
0x35: {  	_ =	swait.ge [sflag:s19], $0x10  }
0x36: {  	[sflag:s19] =	ssyncset.done $0x0  }
0x37: {  	[sflag:s19] =	ssyncadd.s32 $0xFFFFFFF0  }
0x38: {  	_ =	swait.ge [sflag:s12], $0x80  }
0x39: {  	[sflag:s12] =	ssyncset.done $0x0  }
0x3a: {  	[sflag:s12] =	ssyncadd.s32 $0xFFFFFF80  }
0x3b: {  	_ =	swait.ge [sflag:s12], $0x80  }
0x3c: {  	[sflag:s12] =	ssyncset.done $0x0  }
0x3d: {  	[sflag:s12] =	ssyncadd.s32 $0xFFFFFF80  }
0x3e: {  	_ =	swait.ge [sflag:s12], $0x80  }
0x3f: {  	[sflag:s12] =	ssyncset.done $0x0  }
0x40: {  	[sflag:s12] =	ssyncadd.s32 $0xFFFFFF80  }
0x41: {  	_ =	swait.ge [sflag:s12], $0x80  }
0x42: {  	[sflag:s12] =	ssyncset.done $0x0  }
0x43: {  	[sflag:s12] =	ssyncadd.s32 $0xFFFFFF80  }
0x44: {  	_ =	swait.ge [sflag:s12], $0x80  }
0x45: {  	[sflag:s12] =	ssyncset.done $0x0  }
0x46: {  	[sflag:s12] =	ssyncadd.s32 $0xFFFFFF80  }
0x47: {  	_ =	swait.ge [sflag:s12], $0x80  }
0x48: {  	[sflag:s12] =	ssyncset.done $0x0  }
0x49: {  	[sflag:s12] =	ssyncadd.s32 $0xFFFFFF80  }
0x4a: {  	_ =	swait.ge [sflag:s12], $0x80  }
0x4b: {  	[sflag:s12] =	ssyncset.done $0x0  }
0x4c: {  	[sflag:s12] =	ssyncadd.s32 $0xFFFFFF80  }
0x4d: {  	_ =	swait.ge [sflag:s12], $0x80  }
0x4e: {  	[sflag:s12] =	ssyncset.done $0x0  }
0x4f: {  	[sflag:s12] =	ssyncadd.s32 $0xFFFFFF80  }
0x50: {  	_ =	swait.ge [sflag:s12], $0x80  }
0x51: {  	[sflag:s12] =	ssyncset.done $0x0  }
0x52: {  	[sflag:s12] =	ssyncadd.s32 $0xFFFFFF80  }
0x53: {  	_ =	swait.ge [sflag:s12], $0x80  }
0x54: {  	[sflag:s12] =	ssyncset.done $0x0  }
0x55: {  	[sflag:s12] =	ssyncadd.s32 $0xFFFFFF80  }
0x56: {  	_ =	swait.ge [sflag:s12], $0x80  }
0x57: {  	[sflag:s12] =	ssyncset.done $0x0  }
0x58: {  	[sflag:s12] =	ssyncadd.s32 $0xFFFFFF80  }
0x59: {  	_ =	swait.ge [sflag:s12], $0x80  }
0x5a: {  	[sflag:s12] =	ssyncset.done $0x0  }
0x5b: {  	[sflag:s12] =	ssyncadd.s32 $0xFFFFFF80  }
0x5c: {  	_ =	swait.ge [sflag:s12], $0x80  }
0x5d: {  	[sflag:s12] =	ssyncset.done $0x0  }
0x5e: {  	[sflag:s12] =	ssyncadd.s32 $0xFFFFFF80  }
0x5f: {  	_ =	swait.ge [sflag:s12], $0x80  }
0x60: {  	[sflag:s12] =	ssyncset.done $0x0  }
0x61: {  	[sflag:s12] =	ssyncadd.s32 $0xFFFFFF80  }
0x62: {  	_ =	swait.ge [sflag:s12], $0x80  }
0x63: {  	[sflag:s12] =	ssyncset.done $0x0  }
0x64: {  	[sflag:s12] =	ssyncadd.s32 $0xFFFFFF80  }
0x65: {  	_ =	swait.ge [sflag:s12], $0x80  }
0x66: {  	[sflag:s12] =	ssyncset.done $0x0  }
0x67: {  	[sflag:s12] =	ssyncadd.s32 $0xFFFFFF80  }
0x68: {  	_ =	swait.ge [sflag:s12], $0x80  }
0x69: {  	[sflag:s12] =	ssyncset.done $0x0  }
0x6a: {  	[sflag:s12] =	ssyncadd.s32 $0xFFFFFF80  }
0x6b: {  	_ =	swait.ge [sflag:s12], $0x80  }
0x6c: {  	[sflag:s12] =	ssyncset.done $0x0  }
0x6d: {  	[sflag:s12] =	ssyncadd.s32 $0xFFFFFF80  }
0x6e: {  	_ =	swait.ge [sflag:s12], $0x80  }
0x6f: {  	[sflag:s12] =	ssyncset.done $0x0  }
0x70: {  	[sflag:s12] =	ssyncadd.s32 $0xFFFFFF80  }
0x71: {  	_ =	swait.ge [sflag:s12], $0x80  }
0x72: {  	[sflag:s12] =	ssyncset.done $0x0  }
0x73: {  	[sflag:s12] =	ssyncadd.s32 $0xFFFFFF80  }
0x74: {  	_ =	swait.ge [sflag:s12], $0x80  }
0x75: {  	[sflag:s12] =	ssyncset.done $0x0  }
0x76: {  	[sflag:s12] =	ssyncadd.s32 $0xFFFFFF80  }
0x77: {  	_ =	swait.ge [sflag:s12], $0x80  }
0x78: {  	[sflag:s12] =	ssyncset.done $0x0  }
0x79: {  	[sflag:s12] =	ssyncadd.s32 $0xFFFFFF80  }
0x7a: {  	_ =	swait.ge [sflag:s12], $0x80  }
0x7b: {  	[sflag:s12] =	ssyncset.done $0x0  }
0x7c: {  	[sflag:s12] =	ssyncadd.s32 $0xFFFFFF80  }
0x7d: {  	_ =	swait.ge [sflag:s12], $0x80  }
0x7e: {  	[sflag:s12] =	ssyncset.done $0x0  }
0x7f: {  	[sflag:s12] =	ssyncadd.s32 $0xFFFFFF80  }
0x80: {  	_ =	swait.ge [sflag:s12], $0x80  }
0x81: {  	[sflag:s12] =	ssyncset.done $0x0  }
0x82: {  	[sflag:s12] =	ssyncadd.s32 $0xFFFFFF80  }
0x83: {  	_ =	swait.ge [sflag:s12], $0x80  }
0x84: {  	[sflag:s12] =	ssyncset.done $0x0  }
0x85: {  	[sflag:s12] =	ssyncadd.s32 $0xFFFFFF80  }
0x86: {  	_ =	swait.ge [sflag:s12], $0x80  }
0x87: {  	[sflag:s12] =	ssyncset.done $0x0  }
0x88: {  	[sflag:s12] =	ssyncadd.s32 $0xFFFFFF80  }
0x89: {  	_ =	swait.ge [sflag:s12], $0x80  }
0x8a: {  	[sflag:s12] =	ssyncset.done $0x0  }
0x8b: {  	[sflag:s12] =	ssyncadd.s32 $0xFFFFFF80  }
0x8c: {  	_ =	swait.ge [sflag:s12], $0x80  }
0x8d: {  	[sflag:s12] =	ssyncset.done $0x0  }
0x8e: {  	[sflag:s12] =	ssyncadd.s32 $0xFFFFFF80  }
0x8f: {  	_ =	swait.ge [sflag:s12], $0x80  }
0x90: {  	[sflag:s12] =	ssyncset.done $0x0  }
0x91: {  	[sflag:s12] =	ssyncadd.s32 $0xFFFFFF80  }
0x92: {  	_ =	swait.ge [sflag:s12], $0x80  }
0x93: {  	[sflag:s12] =	ssyncset.done $0x0  }
0x94: {  	[sflag:s12] =	ssyncadd.s32 $0xFFFFFF80  }
0x95: {  	_ =	swait.ge [sflag:s12], $0x80  }
0x96: {  	[sflag:s12] =	ssyncset.done $0x0  }
0x97: {  	[sflag:s12] =	ssyncadd.s32 $0xFFFFFF80  }
0x98: {  	_ =	swait.ge [sflag:s12], $0x80  }
0x99: {  	[sflag:s12] =	ssyncset.done $0x0  }
0x9a: {  	[sflag:s12] =	ssyncadd.s32 $0xFFFFFF80  }
0x9b: {  	_ =	swait.ge [sflag:s12], $0x80  }
0x9c: {  	[sflag:s12] =	ssyncset.done $0x0  }
0x9d: {  	[sflag:s12] =	ssyncadd.s32 $0xFFFFFF80  }
0x9e: {  	_ =	swait.ge [sflag:s12], $0x80  }
0x9f: {  	[sflag:s12] =	ssyncset.done $0x0  }
0xa0: {  	[sflag:s12] =	ssyncadd.s32 $0xFFFFFF80  }
0xa1: {  	_ =	swait.ge [sflag:s12], $0x80  }
0xa2: {  	[sflag:s12] =	ssyncset.done $0x0  }
0xa3: {  	[sflag:s12] =	ssyncadd.s32 $0xFFFFFF80  }
0xa4: {  	_ =	swait.ge [sflag:s12], $0x80  }
0xa5: {  	[sflag:s12] =	ssyncset.done $0x0  }
0xa6: {  	[sflag:s12] =	ssyncadd.s32 $0xFFFFFF80  }
0xa7: {  	_ =	swait.ge [sflag:s12], $0x80  }
0xa8: {  	[sflag:s12] =	ssyncset.done $0x0  }
0xa9: {  	[sflag:s12] =	ssyncadd.s32 $0xFFFFFF80  }
0xaa: {  	_ =	swait.ge [sflag:s12], $0x80  }
0xab: {  	[sflag:s12] =	ssyncset.done $0x0  }
0xac: {  	[sflag:s12] =	ssyncadd.s32 $0xFFFFFF80  }
0xad: {  	_ =	swait.ge [sflag:s12], $0x80  }
0xae: {  	[sflag:s12] =	ssyncset.done $0x0  }
0xaf: {  	[sflag:s12] =	ssyncadd.s32 $0xFFFFFF80  }
0xb0: {  	_ =	swait.ge [sflag:s12], $0x80  }
0xb1: {  	[sflag:s12] =	ssyncset.done $0x0  }
0xb2: {  	[sflag:s12] =	ssyncadd.s32 $0xFFFFFF80  }
0xb3: {  	_ =	swait.ge [sflag:s12], $0x80  }
0xb4: {  	[sflag:s12] =	ssyncset.done $0x0  }
0xb5: {  	[sflag:s12] =	ssyncadd.s32 $0xFFFFFF80  }
0xb6: {  	_ =	swait.ge [sflag:s12], $0x80  }
0xb7: {  	[sflag:s12] =	ssyncset.done $0x0  }
0xb8: {  	[sflag:s12] =	ssyncadd.s32 $0xFFFFFF80  }
0xb9: {  	_ =	swait.ge [sflag:s12], $0x80  }
0xba: {  	[sflag:s12] =	ssyncset.done $0x0  }
0xbb: {  	[sflag:s12] =	ssyncadd.s32 $0xFFFFFF80  }
0xbc: {  	_ =	swait.ge [sflag:s12], $0x80  }
0xbd: {  	[sflag:s12] =	ssyncset.done $0x0  }
0xbe: {  	[sflag:s12] =	ssyncadd.s32 $0xFFFFFF80  }
0xbf: {  	_ =	swait.ge [sflag:s12], $0x80  }
0xc0: {  	[sflag:s12] =	ssyncset.done $0x0  }
0xc1: {  	[sflag:s12] =	ssyncadd.s32 $0xFFFFFF80  }
0xc2: {  	_ =	swait.ge [sflag:s12], $0x80  }
0xc3: {  	[sflag:s12] =	ssyncset.done $0x0  }
0xc4: {  	[sflag:s12] =	ssyncadd.s32 $0xFFFFFF80  }
0xc5: {  	_ =	swait.ge [sflag:s12], $0x80  }
0xc6: {  	[sflag:s12] =	ssyncset.done $0x0  }
0xc7: {  	[sflag:s12] =	ssyncadd.s32 $0xFFFFFF80  }
0xc8: {  	_ =	swait.ge [sflag:s12], $0x80  }
0xc9: {  	[sflag:s12] =	ssyncset.done $0x0  }
0xca: {  	[sflag:s12] =	ssyncadd.s32 $0xFFFFFF80  }
0xcb: {  	_ =	swait.ge [sflag:s12], $0x80  }
0xcc: {  	[sflag:s12] =	ssyncset.done $0x0  }
0xcd: {  	[sflag:s12] =	ssyncadd.s32 $0xFFFFFF80  }
0xce: {  	_ =	swait.ge [sflag:s12], $0x80  }
0xcf: {  	[sflag:s12] =	ssyncset.done $0x0  }
0xd0: {  	[sflag:s12] =	ssyncadd.s32 $0xFFFFFF80  }
0xd1: {  	_ =	swait.ge [sflag:s12], $0x80  }
0xd2: {  	[sflag:s12] =	ssyncset.done $0x0  }
0xd3: {  	[sflag:s12] =	ssyncadd.s32 $0xFFFFFF80  }
0xd4: {  	_ =	swait.ge [sflag:s12], $0x80  }
0xd5: {  	[sflag:s12] =	ssyncset.done $0x0  }
0xd6: {  	[sflag:s12] =	ssyncadd.s32 $0xFFFFFF80  }
0xd7: {  	_ =	swait.ge [sflag:s12], $0x80  }
0xd8: {  	[sflag:s12] =	ssyncset.done $0x0  }
0xd9: {  	[sflag:s12] =	ssyncadd.s32 $0xFFFFFF80  }
0xda: {  	_ =	swait.ge [sflag:s12], $0x80  }
0xdb: {  	[sflag:s12] =	ssyncset.done $0x0  }
0xdc: {  	[sflag:s12] =	ssyncadd.s32 $0xFFFFFF80  }
0xdd: {  	_ =	swait.ge [sflag:s12], $0x80  }
0xde: {  	[sflag:s12] =	ssyncset.done $0x0  }
0xdf: {  	[sflag:s12] =	ssyncadd.s32 $0xFFFFFF80  }
0xe0: {  	_ =	swait.ge [sflag:s12], $0x80  }
0xe1: {  	[sflag:s12] =	ssyncset.done $0x0  }
0xe2: {  	[sflag:s12] =	ssyncadd.s32 $0xFFFFFF80  }
0xe3: {  	_ =	swait.ge [sflag:s12], $0x80  }
0xe4: {  	[sflag:s12] =	ssyncset.done $0x0  }
0xe5: {  	[sflag:s12] =	ssyncadd.s32 $0xFFFFFF80  }
0xe6: {  	_ =	swait.ge [sflag:s12], $0x80  }
0xe7: {  	[sflag:s12] =	ssyncset.done $0x0  }
0xe8: {  	[sflag:s12] =	ssyncadd.s32 $0xFFFFFF80  }
0xe9: {  	_ =	swait.ge [sflag:s12], $0x80  }
0xea: {  	[sflag:s12] =	ssyncset.done $0x0  }
0xeb: {  	[sflag:s12] =	ssyncadd.s32 $0xFFFFFF80  }
0xec: {  	_ =	swait.ge [sflag:s12], $0x80  }
0xed: {  	[sflag:s12] =	ssyncset.done $0x0  }
0xee: {  	[sflag:s12] =	ssyncadd.s32 $0xFFFFFF80  }
0xef: {  	_ =	swait.ge [sflag:s12], $0x80  }
0xf0: {  	[sflag:s12] =	ssyncset.done $0x0  }
0xf1: {  	[sflag:s12] =	ssyncadd.s32 $0xFFFFFF80  }
0xf2: {  	_ =	swait.ge [sflag:s12], $0x80  }
0xf3: {  	[sflag:s12] =	ssyncset.done $0x0  }
0xf4: {  	[sflag:s12] =	ssyncadd.s32 $0xFFFFFF80  }
0xf5: {  	_ =	swait.ge [sflag:s12], $0x80  }
0xf6: {  	[sflag:s12] =	ssyncset.done $0x0  }
0xf7: {  	[sflag:s12] =	ssyncadd.s32 $0xFFFFFF80  }
0xf8: {  	_ =	swait.ge [sflag:s12], $0x80  }
0xf9: {  	[sflag:s12] =	ssyncset.done $0x0  }
0xfa: {  	[sflag:s12] =	ssyncadd.s32 $0xFFFFFF80  }
0xfb: {  	_ =	swait.ge [sflag:s12], $0x80  }
0xfc: {  	[sflag:s12] =	ssyncset.done $0x0  }
0xfd: {  	[sflag:s12] =	ssyncadd.s32 $0xFFFFFF80  }
0xfe: {  	_ =	swait.ge [sflag:s12], $0x80  }
0xff: {  	[sflag:s12] =	ssyncset.done $0x0  }
0x100: {  	[sflag:s12] =	ssyncadd.s32 $0xFFFFFF80  }
0x101: {  	_ =	swait.ge [sflag:s12], $0x80  }
0x102: {  	[sflag:s12] =	ssyncset.done $0x0  }
0x103: {  	[sflag:s12] =	ssyncadd.s32 $0xFFFFFF80  }
0x104: {  	_ =	swait.ge [sflag:s12], $0x80  }
0x105: {  	[sflag:s12] =	ssyncset.done $0x0  }
0x106: {  	[sflag:s12] =	ssyncadd.s32 $0xFFFFFF80  }
0x107: {  	_ =	swait.ge [sflag:s12], $0x80  }
0x108: {  	[sflag:s12] =	ssyncset.done $0x0  }
0x109: {  	[sflag:s12] =	ssyncadd.s32 $0xFFFFFF80  }
0x10a: {  	_ =	swait.ge [sflag:s12], $0x80  }
0x10b: {  	[sflag:s12] =	ssyncset.done $0x0  }
0x10c: {  	[sflag:s12] =	ssyncadd.s32 $0xFFFFFF80  }
0x10d: {  	_ =	swait.ge [sflag:s12], $0x80  }
0x10e: {  	[sflag:s12] =	ssyncset.done $0x0  }
0x10f: {  	[sflag:s12] =	ssyncadd.s32 $0xFFFFFF80  }
0x110: {  	_ =	swait.ge [sflag:s12], $0x80  }
0x111: {  	[sflag:s12] =	ssyncset.done $0x0  }
0x112: {  	[sflag:s12] =	ssyncadd.s32 $0xFFFFFF80  }
0x113: {  	_ =	swait.ge [sflag:s12], $0x80  }
0x114: {  	[sflag:s12] =	ssyncset.done $0x0  }
0x115: {  	[sflag:s12] =	ssyncadd.s32 $0xFFFFFF80  }
0x116: {  	_ =	swait.ge [sflag:s12], $0x80  }
0x117: {  	[sflag:s12] =	ssyncset.done $0x0  }
0x118: {  	[sflag:s12] =	ssyncadd.s32 $0xFFFFFF80  }
0x119: {  	_ =	swait.ge [sflag:s12], $0x80  }
0x11a: {  	[sflag:s12] =	ssyncset.done $0x0  }
0x11b: {  	[sflag:s12] =	ssyncadd.s32 $0xFFFFFF80  }
0x11c: {  	_ =	swait.ge [sflag:s12], $0x80  }
0x11d: {  	[sflag:s12] =	ssyncset.done $0x0  }
0x11e: {  	[sflag:s12] =	ssyncadd.s32 $0xFFFFFF80  }
0x11f: {  	_ =	swait.ge [sflag:s12], $0x80  }
0x120: {  	[sflag:s12] =	ssyncset.done $0x0  }
0x121: {  	[sflag:s12] =	ssyncadd.s32 $0xFFFFFF80  }
0x122: {  	[bflag:$0x0] =	sbarrier.arrive $0xFFFF  }
0x123: {  	s14 =	rddreg [dreg:$0x7]  }
0x124: {  	s8 =	sor.u32 $0x1C09, s14;
	s14 =	rddreg [dreg:$0xb]  }
0x125: {  	[hbm:s14], [sflag:s8] =	dma.local [spmem:s17], $0x13C0  }
0x126: {  	_ =	swait.ge [sflag:s19], $0x13C0  }
0x127: {  	[sflag:s19] =	ssyncset.done $0x0  }
0x128: {  	s15 =	rddreg [dreg:$0xc];
	[sflag:s19] =	ssyncadd.s32 $0xFFFFEC40  }
0x129: {  	[hbm:s15], [sflag:s8] =	dma.local [spmem:s18], $0x4F  }
0x12a: {  	_ =	swait.ge [sflag:s19], $0x4F  }
0x12b: {  	s13 =	sadd.s32 $0x1, s13;
	s16 =	rddreg [dreg:$0xd]  }
0x12c: {  	p0 =	sne.s32 s13, s16  }
.Ltmp1:
0x12d: {  	_ = 	snop;
	(pc) =	sbr.rel @!p0 .LBB2_5-.Ltmp1, $3  }
0x12e: {  	_ =	sdelay $0x1  }
0x12f: {  	[sflag:s19] =	ssyncset.done $0x0  }
0x130: {  	[sflag:s19] =	ssyncadd.s32 $0xFFFFFFB1  }
.LBB2_1:
0x131: {  	s8 =	rddreg [dreg:$0x6]  }
0x132: {  	s14 =	rddreg [dreg:$0xe]  }
0x133: {  	[spmem:s14], [sflag:s9] =	dma.local [hbm:s8], $0x1388  }
0x134: {  	s8 =	rddreg [dreg:$0x1]  }
0x135: {  	[spmem:s17], [sflag:s9] =	dma.local [hbm:s8], $0x13C0  }
0x136: {  	s8 =	rddreg [dreg:$0x8]  }
0x137: {  	[spmem:s18], [sflag:s9] =	dma.local [hbm:s8], $0x4F  }
0x138: {  	s8 =	rddreg [dreg:$0x9]  }
0x139: {  	[tilespmem:s6], [sflag:$0x9] =	stream.linear.gather [hbm4b:s8+s6], $0x2710, $0x38;
	[tilespmem:$0x1EB58] =	vst v63  }
0x13a: {  	_ =	swait.ge [sflag:s19], $0x2710  }
0x13b: {  	[sflag:s19] =	ssyncset.done $0x0  }
0x13c: {  	s16 =	rddreg [dreg:$0xa];
	[sflag:s19] =	ssyncadd.s32 $0xFFFFD8F0  }
0x13d: {  	[tilespmem:s20], [sflag:$0x9] =	stream.linear.gather [hbm4b:s16+s6], $0x2710, $0x38;
	[tilespmem:$0x1EB58] =	vst v63  }
0x13e: {  	_ =	swait.ge [sflag:s19], $0x2710  }
0x13f: {  	[sflag:s19] =	ssyncset.done $0x0  }
0x140: {  	[sflag:s19] =	ssyncadd.s32 $0xFFFFD8F0  }
0x141: {  	[tilespmem:$0xAE20] =	vst v0  }
0x142: {  	[tilespmem:$0xAE30] =	vst v0  }
0x143: {  	[tilespmem:$0xAE40] =	vst v0  }
0x144: {  	[tilespmem:$0xAE50] =	vst v0  }
0x145: {  	[tilespmem:$0xAE60] =	vst v0  }
0x146: {  	[tilespmem:$0xAE70] =	vst v0  }
0x147: {  	[tilespmem:$0xAE80] =	vst v0  }
0x148: {  	[tilespmem:$0xAE90] =	vst v0  }
0x149: {  	_ =	swait.ge [sflag:s21], $0x1388  }
0x14a: {  	[sflag:s21] =	ssyncset.done $0x0  }
0x14b: {  	[sflag:s21] =	ssyncadd.s32 $0xFFFFEC78  }
0x14c: {  	_ =	swait.ge [sflag:s21], $0x13C0  }
0x14d: {  	[sflag:s21] =	ssyncset.done $0x0  }
0x14e: {  	[sflag:s21] =	ssyncadd.s32 $0xFFFFEC40  }
0x14f: {  	_ =	swait.ge [sflag:s21], $0x4F  }
0x150: {  	[sflag:s21] =	ssyncset.done $0x0  }
0x151: {  	[sflag:s21] =	ssyncadd.s32 $0xFFFFFFB1  }
0x152: {  	[bflag:$0x0] =	sbarrier.arrive $0xFFFF  }
0x153: {  	[tilespmem:s23], [sflag:$0x1] =	stream.indirect.gather [spmem:s2], $0x40, s6, s22, $0xb8;
	[tilespmem:$0x1EB58] =	vst v63  }
0x154: {  	_ = 	snop  }
0x155: {  	[tilespmem:s24], [sflag:$0x2] =	stream.indirect.gather [spmem:s2], $0x40, s22, s22, $0xb8;
	[tilespmem:$0x1EB58] =	vst v63  }
0x156: {  	_ =	swait.ge [sflag:s25], $0x2000  }
0x157: {  	[sflag:s25] =	ssyncset.done $0x0  }
0x158: {  	[sflag:s25] =	ssyncadd.s32 $0xFFFFE000  }
0x159: {  	[spmem:s4] =	stream.indirect.scatter.add.f32 [tilespmem:s23], [sflag:$0x4], $0x40, s20, s22, $0xb8;
	[tilespmem:$0x1EB58] =	vst v63  }
0x15a: {  	_ = 	snop  }
0x15b: {  	[spmem:s5] =	stream.indirect.scatter.add.f32 [tilespmem:s26], [sflag:$0x7], $0x1, s20, s22, $0xb8;
	[tilespmem:$0x1EB58] =	vst v63  }
0x15c: {  	s14 =	simm.s32 $0x100  }
0x15d: {  	[tilespmem:s29], [sflag:$0x3] =	stream.indirect.gather [spmem:s2], $0x40, s14, s22, $0xb8;
	[tilespmem:$0x1EB58] =	vst v63  }
0x15e: {  	_ =	swait.ge [sflag:s30], $0x2000  }
0x15f: {  	[sflag:s30] =	ssyncset.done $0x0  }
0x160: {  	[sflag:s30] =	ssyncadd.s32 $0xFFFFE000  }
0x161: {  	[spmem:s4] =	stream.indirect.scatter.add.f32 [tilespmem:s24], [sflag:$0x5], $0x40, s31, s22, $0xb8;
	[tilespmem:$0x1EB58] =	vst v63  }
0x162: {  	_ = 	snop  }
0x163: {  	[spmem:s5] =	stream.indirect.scatter.add.f32 [tilespmem:s26], [sflag:$0x7], $0x1, s31, s22, $0xb8;
	[tilespmem:$0x1EB58] =	vst v63  }
0x164: {  	_ =	swait.ge [sflag:s3], $0x2000  }
0x165: {  	[sflag:s3] =	ssyncset.done $0x0  }
0x166: {  	s15 =	simm.s32 $0x180;
	[sflag:s3] =	ssyncadd.s32 $0xFFFFE000  }
0x167: {  	[tilespmem:s23], [sflag:$0x1] =	stream.indirect.gather [spmem:s2], $0x40, s15, s22, $0xb8;
	[tilespmem:$0x1EB58] =	vst v63  }
0x168: {  	_ =	swait.ge [sflag:s1], $0x2000  }
0x169: {  	[sflag:s1] =	ssyncset.done $0x0  }
0x16a: {  	[sflag:s1] =	ssyncadd.s32 $0xFFFFE000  }
0x16b: {  	[spmem:s4] =	stream.indirect.scatter.add.f32 [tilespmem:s29], [sflag:$0x6], $0x40, s28, s22, $0xb8;
	[tilespmem:$0x1EB58] =	vst v63  }
0x16c: {  	_ = 	snop  }
0x16d: {  	[spmem:s5] =	stream.indirect.scatter.add.f32 [tilespmem:s26], [sflag:$0x7], $0x1, s28, s22, $0xb8;
	[tilespmem:$0x1EB58] =	vst v63  }
0x16e: {  	_ =	swait.ge [sflag:s0], $0x2000  }
0x16f: {  	[sflag:s0] =	ssyncset.done $0x0  }
0x170: {  	s16 =	simm.s32 $0x200;
	s14 =	simm.s32 $0x0;
	[sflag:s0] =	ssyncadd.s32 $0xFFFFE000  }
0x171: {  	[tilespmem:s24], [sflag:$0x2] =	stream.indirect.gather [spmem:s2], $0x40, s16, s22, $0xb8;
	[tilespmem:$0x1EB58] =	vst v63  }
.LBB2_2:
0x172: {  	_ =	swait.ge [sflag:s25], $0x2000  }
0x173: {  	s15 =	sshra.s32 s14, $0x2;
	[sflag:s25] =	ssyncset.done $0x0  }
0x174: {  	s16 =	sadd.s32 $0x2890, s15;
	[sflag:s25] =	ssyncadd.s32 $0xFFFFE000  }
0x175: {  	[spmem:s4] =	stream.indirect.scatter.add.f32 [tilespmem:s23], [sflag:$0x4], $0x40, s16, s22, $0xb8;
	[tilespmem:$0x1EB58] =	vst v63  }
0x176: {  	_ = 	snop  }
0x177: {  	[spmem:s5] =	stream.indirect.scatter.add.f32 [tilespmem:s26], [sflag:$0x7], $0x1, s16, s22, $0xb8;
	[tilespmem:$0x1EB58] =	vst v63  }
0x178: {  	_ =	swait.ge [sflag:s7], $0x2000  }
0x179: {  	[sflag:s7] =	ssyncset.done $0x0  }
0x17a: {  	s8 =	sadd.s32 $0x280, s15;
	[sflag:s7] =	ssyncadd.s32 $0xFFFFE000  }
0x17b: {  	[tilespmem:s29], [sflag:$0x3] =	stream.indirect.gather [spmem:s2], $0x40, s8, s22, $0xb8;
	[tilespmem:$0x1EB58] =	vst v63  }
0x17c: {  	p0 =	seq.s32 s14, $0x9000;
	_ =	swait.ge [sflag:s30], $0x2000  }
.Ltmp2:
0x17d: {  	[sflag:s30] =	ssyncset.done $0x0;
	(pc) =	sbr.rel @p0 .LBB2_4-.Ltmp2, $4  }
0x17e: {  	s8 =	sadd.s32 $0x2910, s15;
	[sflag:s30] =	ssyncadd.s32 $0xFFFFE000  }
0x17f: {  	[spmem:s4] =	stream.indirect.scatter.add.f32 [tilespmem:s24], [sflag:$0x5], $0x40, s8, s22, $0xb8;
	[tilespmem:$0x1EB58] =	vst v63  }
0x180: {  	s16 =	sadd.s32 $0x2990, s15  }
0x181: {  	[spmem:s5] =	stream.indirect.scatter.add.f32 [tilespmem:s26], [sflag:$0x7], $0x1, s8, s22, $0xb8;
	[tilespmem:$0x1EB58] =	vst v63  }
0x182: {  	_ =	swait.ge [sflag:s3], $0x2000  }
0x183: {  	[sflag:s3] =	ssyncset.done $0x0  }
0x184: {  	s8 =	sadd.s32 $0x300, s15;
	[sflag:s3] =	ssyncadd.s32 $0xFFFFE000  }
0x185: {  	[tilespmem:s23], [sflag:$0x1] =	stream.indirect.gather [spmem:s2], $0x40, s8, s22, $0xb8;
	[tilespmem:$0x1EB58] =	vst v63  }
0x186: {  	_ =	swait.ge [sflag:s1], $0x2000  }
0x187: {  	[sflag:s1] =	ssyncset.done $0x0  }
0x188: {  	[sflag:s1] =	ssyncadd.s32 $0xFFFFE000  }
0x189: {  	[spmem:s4] =	stream.indirect.scatter.add.f32 [tilespmem:s29], [sflag:$0x6], $0x40, s16, s22, $0xb8;
	[tilespmem:$0x1EB58] =	vst v63  }
0x18a: {  	_ = 	snop  }
0x18b: {  	[spmem:s5] =	stream.indirect.scatter.add.f32 [tilespmem:s26], [sflag:$0x7], $0x1, s16, s22, $0xb8;
	[tilespmem:$0x1EB58] =	vst v63  }
.Ltmp3:
0x18c: {  	_ = 	snop;
	(pc) =	sbr.rel .LBB2_2-.Ltmp3, $4  }
0x18d: {  	_ =	swait.ge [sflag:s0], $0x2000  }
0x18e: {  	[sflag:s0] =	ssyncset.done $0x0  }
0x18f: {  	s14 =	sadd.s32 $0x600, s14;
	s16 =	sadd.s32 $0x380, s15;
	[sflag:s0] =	ssyncadd.s32 $0xFFFFE000  }
0x190: {  	[tilespmem:s24], [sflag:$0x2] =	stream.indirect.gather [spmem:s2], $0x40, s16, s22, $0xb8;
	[tilespmem:$0x1EB58] =	vst v63  }
.LBB2_5:
0x191: {  	_ =	sfence.sel $0x180000  }
0x192: {  	[bflag:$0x0] =	sbarrier.arrive $0xFFFF  }
0x193: {  	_ =	strace $0x90000047  }
0x194: {  	s0 =	stileid.u32;
	[bflag:$0x2] =	sbarrier.arrive $0xFFFF  }
0x195: {  	p0 =	sne.s32 s0, $0x0;
	s0 =	rddreg [dreg:$0x5]  }
0x196: {  	s0 =	sadd.s32 @!p0 $0x100000, s0  }
0x197: {  	[sflag:s0] =	ssyncadd.tile.s32 @!p0 $0x1;
	_ =	shalt  }
.Lfunc_end2:
_tile_overlayer_lowered:
.L_overlay_start_2:
0x198: {  	(tag) =	ssettag $0x2  }
0x199: {  	s0 =	rddreg [dreg:$0x0];
	s2 =	stileid.u32  }
0x19a: {  	s1 =	rddreg [dreg:$0x1];
	p0 =	sne.s32 s2, $0x0  }
0x19b: {  	s3 =	rddreg [dreg:$0x2];
	[bflag:$0x3] =	sbarrier.arrive $0xFFFF;
	s2 =	simm.s32 @!p0 $0x1C09  }
0x19c: {  	[timem:s3], [sflag:s2] =	dma.local @!p0 [hbm:s0], s1  }
0x19d: {  	s0 =	simm.s32 @!p0 $0x9  }
0x19e: {  	_ =	swait.ge @!p0 [sflag:s0], s1  }
0x19f: {  	s1 =	ssub.s32 @!p0 $0x0, s1;
	[sflag:s0] =	ssyncset.done @!p0 $0x0  }
0x1a0: {  	[sflag:s0] =	ssyncadd.s32 @!p0 s1  }
0x1a1: {  	[bflag:$0x3] =	sbarrier.arrive $0xFFFF  }
0x1a2: {  	_ =	shalt  }

</sc_bundles>
